<compile_context>
chip_gen: v7x
topology: tpu7x:2x2x1
jax: 0.10.2.dev20260603
libtpu: 0.0.44.dev20260713+nightly
codegen_flags: <defaults>
</compile_context>

<pallas_src>
import functools

import jax
import jax.numpy as jnp
from jax import lax
from jax.experimental import pallas as pl
from jax.experimental.pallas import tpu as pltpu
from jax.experimental.pallas import tpu_sc as plsc

NC, NS, LANES = 2, 16, 16
NW = NC * NS

BATCH, MAXLEN, EMBED = 4096, 200, 64
CHUNK = 128
TOTAL = BATCH * MAXLEN
NCHUNK = TOTAL // CHUNK
CPW = NCHUNK // NW
NBUF = 8


def _make_sc_call():
    mesh = plsc.VectorSubcoreMesh(core_axis_name="c", subcore_axis_name="s")

    @functools.partial(
        pl.kernel,
        out_type=jax.ShapeDtypeStruct((NCHUNK, CHUNK, EMBED), jnp.float32),
        mesh=mesh,
        compiler_params=pltpu.CompilerParams(use_tc_tiling_on_sc=False),
        scratch_types=[
            pltpu.VMEM((CPW, CHUNK), jnp.int32),
            pltpu.VMEM((2 * MAXLEN, EMBED), jnp.float32),
            [pltpu.VMEM((CHUNK, EMBED), jnp.float32)] * NBUF,
            [pltpu.SemaphoreType.DMA] * NBUF,
            [pltpu.SemaphoreType.DMA] * NBUF,
        ],
    )
    def sc_embed(x_hbm, tok_hbm, pos_hbm, out_hbm,
                 idx_v, pos_v, bufs, gsems, ssems):
        wid = lax.axis_index("s") * NC + lax.axis_index("c")
        base = wid * CPW

        pltpu.sync_copy(x_hbm.at[pl.ds(base, CPW), :], idx_v)
        pltpu.sync_copy(pos_hbm, pos_v.at[pl.ds(0, MAXLEN), :])
        pltpu.sync_copy(pos_hbm, pos_v.at[pl.ds(MAXLEN, MAXLEN), :])

        for k in range(NBUF - 1):
            pltpu.async_copy(tok_hbm.at[idx_v.at[k]], bufs[k], gsems[k])

        def step(j, carry):
            for b in range(NBUF):
                jj = j + b
                cur, gs, ss = bufs[b], gsems[b], ssems[b]

                pltpu.make_async_copy(tok_hbm.at[idx_v.at[jj]], cur, gs).wait()

                p = lax.rem(jj * CHUNK, MAXLEN)

                @plsc.parallel_loop(0, CHUNK, step=1, unroll=8)
                def _add_row(r):
                    for c4 in range(EMBED // LANES):
                        sl = pl.ds(c4 * LANES, LANES)
                        plsc.addupdate(cur.at[r, sl], pos_v[p + r, sl])

                pltpu.async_copy(cur, out_hbm.at[base + jj], ss)

                nb = (b + NBUF - 1) % NBUF
                nxt, ngs, nss = bufs[nb], gsems[nb], ssems[nb]

                @pl.when(jj + NBUF - 1 < CPW)
                def _prefetch():
                    @pl.when(jj >= 1)
                    def _drain():
                        pltpu.make_async_copy(
                            nxt, out_hbm.at[base + jj - 1], nss).wait()

                    pltpu.async_copy(
                        tok_hbm.at[idx_v.at[jj + NBUF - 1]], nxt, ngs)
            return carry

        lax.fori_loop(0, CPW // NBUF, lambda i, c: step(i * NBUF, c), 0)

        for k in range(NBUF):
            jj = CPW - NBUF + k
            pltpu.make_async_copy(
                bufs[jj % NBUF], out_hbm.at[base + jj], ssems[jj % NBUF]).wait()

    return sc_embed


_sc_embed = _make_sc_call()


def kernel(x, token_table, pos_table):
    batch, maxlen = x.shape
    embed = token_table.shape[1]
    x2 = x.reshape(NCHUNK, CHUNK).astype(jnp.int32)
    out = _sc_embed(x2, token_table, pos_table.astype(jnp.float32))
    return out.reshape(batch, maxlen, embed)

# --- scband reference (transcript-rebuilt; emitter-appended) ---
"""Pipeline reference for scband-token-and-position-embedding-29858612642186 (READ-ONLY COPY).

The authoritative reference and input builder live on the scoring server;
editing this copy changes nothing except your own understanding.
"""

import jax, jax.numpy as jnp
import numpy as np

VOCAB = 100000
MAXLEN = 200
EMBED = 64
BATCH = 4096

def setup_inputs(seed: int = 0) -> dict:
    key = jax.random.key(seed)
    k1, k2, k3 = jax.random.split(key, 3)
    x = jax.random.randint(k1, (BATCH, MAXLEN), 0, VOCAB, dtype=jnp.int64 if jax.config.read('jax_enable_x64') else jnp.int32)
    token_table = jax.random.normal(k2, (VOCAB, EMBED), dtype=jnp.float32) * 0.05
    pos_table = jax.random.normal(k3, (MAXLEN, EMBED), dtype=jnp.float32) * 0.05
    return {"x": x, "token_table": token_table, "pos_table": pos_table}

def reference(x, token_table, pos_table):
    # positions 0..seq_len-1 (seq_len = x.shape[-1])
    seq_len = x.shape[-1]
    positions = jnp.arange(seq_len)
    pos_embeddings = jnp.take(pos_table, positions, axis=0)           # [L, D]
    token_embeddings = jnp.take(token_table, x, axis=0)               # [B, L, D]
    return token_embeddings + pos_embeddings[None, :, :]

if __name__ == "__main__":
    import jax
    _d = setup_inputs()
    print(jax.jit(kernel)(*tuple(_d.values())))

</pallas_src>

<mosaic_0001>
#map = affine_map<(d0, d1) -> (0, 0)>
#map1 = affine_map<(d0, d1) -> (0, 0, 0)>
module attributes {stable_mosaic.version = 14 : i64} {
  func.func @sc_embed(%arg0: i32, %arg1: i32, %arg2: memref<6400x128xi32, #tpu.memory_space<hbm>>, %arg3: memref<100000x64xf32, #tpu.memory_space<hbm>>, %arg4: memref<200x64xf32, #tpu.memory_space<hbm>>, %arg5: memref<6400x128x64xf32, #tpu.memory_space<hbm>>, %arg6: memref<200x128xi32, #tpu.memory_space<vmem>>, %arg7: memref<400x64xf32, #tpu.memory_space<vmem>>, %arg8: memref<128x64xf32, #tpu.memory_space<vmem>>, %arg9: memref<128x64xf32, #tpu.memory_space<vmem>>, %arg10: memref<128x64xf32, #tpu.memory_space<vmem>>, %arg11: memref<128x64xf32, #tpu.memory_space<vmem>>, %arg12: memref<128x64xf32, #tpu.memory_space<vmem>>, %arg13: memref<128x64xf32, #tpu.memory_space<vmem>>, %arg14: memref<128x64xf32, #tpu.memory_space<vmem>>, %arg15: memref<128x64xf32, #tpu.memory_space<vmem>>, %arg16: memref<!tpu.dma_semaphore, #tpu.memory_space<semaphore_mem>>, %arg17: memref<!tpu.dma_semaphore, #tpu.memory_space<semaphore_mem>>, %arg18: memref<!tpu.dma_semaphore, #tpu.memory_space<semaphore_mem>>, %arg19: memref<!tpu.dma_semaphore, #tpu.memory_space<semaphore_mem>>, %arg20: memref<!tpu.dma_semaphore, #tpu.memory_space<semaphore_mem>>, %arg21: memref<!tpu.dma_semaphore, #tpu.memory_space<semaphore_mem>>, %arg22: memref<!tpu.dma_semaphore, #tpu.memory_space<semaphore_mem>>, %arg23: memref<!tpu.dma_semaphore, #tpu.memory_space<semaphore_mem>>, %arg24: memref<!tpu.dma_semaphore, #tpu.memory_space<semaphore_mem>>, %arg25: memref<!tpu.dma_semaphore, #tpu.memory_space<semaphore_mem>>, %arg26: memref<!tpu.dma_semaphore, #tpu.memory_space<semaphore_mem>>, %arg27: memref<!tpu.dma_semaphore, #tpu.memory_space<semaphore_mem>>, %arg28: memref<!tpu.dma_semaphore, #tpu.memory_space<semaphore_mem>>, %arg29: memref<!tpu.dma_semaphore, #tpu.memory_space<semaphore_mem>>, %arg30: memref<!tpu.dma_semaphore, #tpu.memory_space<semaphore_mem>>, %arg31: memref<!tpu.dma_semaphore, #tpu.memory_space<semaphore_mem>>) attributes {dimension_semantics = [#tpu.dimension_semantics<core_parallel>, #tpu.dimension_semantics<subcore_parallel>], iteration_bounds = array<i64: 2, 16>, scalar_prefetch = 0 : i64, scratch_operands = 26 : i64, tpu.core_type = #tpu.core_type<sc_vector_subcore>, window_params = [{transform_indices = #map}, {transform_indices = #map}, {transform_indices = #map}, {transform_indices = #map1}]} {
    %mul3A = arith.constant 2 : i32
    %mul3A_0 = arith.muli %arg1, %mul3A : i32
    %add3A = arith.addi %mul3A_0, %arg0 : i32
    %mul3A_1 = arith.constant 200 : i32
    %mul3A_2 = arith.muli %add3A, %mul3A_1 : i32
    "tpu.region"() ({
      %run_scoped3A = tpu.sem_alloc : memref<!tpu.dma_semaphore, #tpu.memory_space<semaphore_mem>>
      %dma_start3A_135 = arith.constant 0 : i32
      %dma_start3A_136 = tpu.memref_slice %arg2[%mul3A_2, %dma_start3A_135] : memref<6400x128xi32, #tpu.memory_space<hbm>> -> memref<200x128xi32, #tpu.memory_space<hbm>>
      %dma_start3A_137 = arith.constant 0 : i32
      %dma_start3A_138 = tpu.memref_slice %arg2[%mul3A_2, %dma_start3A_137] : memref<6400x128xi32, #tpu.memory_space<hbm>> -> memref<200x128xi32, #tpu.memory_space<hbm>>
      tpu.enqueue_dma source(%dma_start3A_138 : memref<200x128xi32, #tpu.memory_space<hbm>>) target(%arg6 : memref<200x128xi32, #tpu.memory_space<vmem>>) target_semaphore(%run_scoped3A : memref<!tpu.dma_semaphore, #tpu.memory_space<semaphore_mem>>)
      %dma_wait3A_139 = arith.constant 0 : i32
      %dma_wait3A_140 = tpu.memref_slice %arg2[%mul3A_2, %dma_wait3A_139] : memref<6400x128xi32, #tpu.memory_space<hbm>> -> memref<200x128xi32, #tpu.memory_space<hbm>>
      %dma_wait3A_141 = arith.constant 0 : i32
      %dma_wait3A_142 = tpu.memref_slice %arg2[%mul3A_2, %dma_wait3A_141] : memref<6400x128xi32, #tpu.memory_space<hbm>> -> memref<200x128xi32, #tpu.memory_space<hbm>>
      tpu.wait_dma2 semaphore(%run_scoped3A : memref<!tpu.dma_semaphore, #tpu.memory_space<semaphore_mem>>) src(%dma_wait3A_142 : memref<200x128xi32, #tpu.memory_space<hbm>>) dst(%arg6 : memref<200x128xi32, #tpu.memory_space<vmem>>)
      tpu.yield
    }) : () -> ()
    "tpu.region"() ({
      %run_scoped3A = tpu.sem_alloc : memref<!tpu.dma_semaphore, #tpu.memory_space<semaphore_mem>>
      %dma_start3A_135 = arith.constant 0 : i32
      %dma_start3A_136 = arith.constant 0 : i32
      %dma_start3A_137 = tpu.memref_slice %arg7[%dma_start3A_135, %dma_start3A_136] : memref<400x64xf32, #tpu.memory_space<vmem>> -> memref<200x64xf32, #tpu.memory_space<vmem>>
      %dma_start3A_138 = arith.constant 0 : i32
      %dma_start3A_139 = arith.constant 0 : i32
      %dma_start3A_140 = tpu.memref_slice %arg7[%dma_start3A_138, %dma_start3A_139] : memref<400x64xf32, #tpu.memory_space<vmem>> -> memref<200x64xf32, #tpu.memory_space<vmem>>
      tpu.enqueue_dma source(%arg4 : memref<200x64xf32, #tpu.memory_space<hbm>>) target(%dma_start3A_140 : memref<200x64xf32, #tpu.memory_space<vmem>>) target_semaphore(%run_scoped3A : memref<!tpu.dma_semaphore, #tpu.memory_space<semaphore_mem>>)
      %dma_wait3A_141 = arith.constant 0 : i32
      %dma_wait3A_142 = arith.constant 0 : i32
      %dma_wait3A_143 = tpu.memref_slice %arg7[%dma_wait3A_141, %dma_wait3A_142] : memref<400x64xf32, #tpu.memory_space<vmem>> -> memref<200x64xf32, #tpu.memory_space<vmem>>
      %dma_wait3A_144 = arith.constant 0 : i32
      %dma_wait3A_145 = arith.constant 0 : i32
      %dma_wait3A_146 = tpu.memref_slice %arg7[%dma_wait3A_144, %dma_wait3A_145] : memref<400x64xf32, #tpu.memory_space<vmem>> -> memref<200x64xf32, #tpu.memory_space<vmem>>
      tpu.wait_dma2 semaphore(%run_scoped3A : memref<!tpu.dma_semaphore, #tpu.memory_space<semaphore_mem>>) src(%arg4 : memref<200x64xf32, #tpu.memory_space<hbm>>) dst(%dma_wait3A_146 : memref<200x64xf32, #tpu.memory_space<vmem>>)
      tpu.yield
    }) : () -> ()
    "tpu.region"() ({
      %run_scoped3A = tpu.sem_alloc : memref<!tpu.dma_semaphore, #tpu.memory_space<semaphore_mem>>
      %dma_start3A_135 = arith.constant 200 : i32
      %dma_start3A_136 = arith.constant 0 : i32
      %dma_start3A_137 = tpu.memref_slice %arg7[%dma_start3A_135, %dma_start3A_136] : memref<400x64xf32, #tpu.memory_space<vmem>> -> memref<200x64xf32, #tpu.memory_space<vmem>>
      %dma_start3A_138 = arith.constant 200 : i32
      %dma_start3A_139 = arith.constant 0 : i32
      %dma_start3A_140 = tpu.memref_slice %arg7[%dma_start3A_138, %dma_start3A_139] : memref<400x64xf32, #tpu.memory_space<vmem>> -> memref<200x64xf32, #tpu.memory_space<vmem>>
      tpu.enqueue_dma source(%arg4 : memref<200x64xf32, #tpu.memory_space<hbm>>) target(%dma_start3A_140 : memref<200x64xf32, #tpu.memory_space<vmem>>) target_semaphore(%run_scoped3A : memref<!tpu.dma_semaphore, #tpu.memory_space<semaphore_mem>>)
      %dma_wait3A_141 = arith.constant 200 : i32
      %dma_wait3A_142 = arith.constant 0 : i32
      %dma_wait3A_143 = tpu.memref_slice %arg7[%dma_wait3A_141, %dma_wait3A_142] : memref<400x64xf32, #tpu.memory_space<vmem>> -> memref<200x64xf32, #tpu.memory_space<vmem>>
      %dma_wait3A_144 = arith.constant 200 : i32
      %dma_wait3A_145 = arith.constant 0 : i32
      %dma_wait3A_146 = tpu.memref_slice %arg7[%dma_wait3A_144, %dma_wait3A_145] : memref<400x64xf32, #tpu.memory_space<vmem>> -> memref<200x64xf32, #tpu.memory_space<vmem>>
      tpu.wait_dma2 semaphore(%run_scoped3A : memref<!tpu.dma_semaphore, #tpu.memory_space<semaphore_mem>>) src(%arg4 : memref<200x64xf32, #tpu.memory_space<hbm>>) dst(%dma_wait3A_146 : memref<200x64xf32, #tpu.memory_space<vmem>>)
      tpu.yield
    }) : () -> ()
    %dma_start3A = arith.constant 0 : i32
    %dma_start3A_3 = arith.constant 0 : i32
    %dma_start3A_4 = tpu.memref_slice %arg6[%dma_start3A, %dma_start3A_3] : memref<200x128xi32, #tpu.memory_space<vmem>> -> memref<1x128xi32, #tpu.memory_space<vmem>>
    %dma_start3A_5 = tpu.memref_squeeze %dma_start3A_4 : memref<1x128xi32, #tpu.memory_space<vmem>> -> memref<128xi32, #tpu.memory_space<vmem>>
    %dma_start3A_6 = arith.constant 0 : i32
    %dma_start3A_7 = arith.constant 0 : i32
    %dma_start3A_8 = tpu.memref_slice %arg3[%dma_start3A_6, %dma_start3A_7] : memref<100000x64xf32, #tpu.memory_space<hbm>> -> memref<100000x64xf32, #tpu.memory_space<hbm>>
    tpu.enqueue_indirect_dma source(%dma_start3A_8 : memref<100000x64xf32, #tpu.memory_space<hbm>>) target(%arg8 : memref<128x64xf32, #tpu.memory_space<vmem>>) offsets(%dma_start3A_5 : memref<128xi32, #tpu.memory_space<vmem>>) semaphore(%arg16 : memref<!tpu.dma_semaphore, #tpu.memory_space<semaphore_mem>>)
    %dma_start3A_9 = arith.constant 1 : i32
    %dma_start3A_10 = arith.constant 0 : i32
    %dma_start3A_11 = tpu.memref_slice %arg6[%dma_start3A_9, %dma_start3A_10] : memref<200x128xi32, #tpu.memory_space<vmem>> -> memref<1x128xi32, #tpu.memory_space<vmem>>
    %dma_start3A_12 = tpu.memref_squeeze %dma_start3A_11 : memref<1x128xi32, #tpu.memory_space<vmem>> -> memref<128xi32, #tpu.memory_space<vmem>>
    %dma_start3A_13 = arith.constant 0 : i32
    %dma_start3A_14 = arith.constant 0 : i32
    %dma_start3A_15 = tpu.memref_slice %arg3[%dma_start3A_13, %dma_start3A_14] : memref<100000x64xf32, #tpu.memory_space<hbm>> -> memref<100000x64xf32, #tpu.memory_space<hbm>>
    tpu.enqueue_indirect_dma source(%dma_start3A_15 : memref<100000x64xf32, #tpu.memory_space<hbm>>) target(%arg9 : memref<128x64xf32, #tpu.memory_space<vmem>>) offsets(%dma_start3A_12 : memref<128xi32, #tpu.memory_space<vmem>>) semaphore(%arg17 : memref<!tpu.dma_semaphore, #tpu.memory_space<semaphore_mem>>)
    %dma_start3A_16 = arith.constant 2 : i32
    %dma_start3A_17 = arith.constant 0 : i32
    %dma_start3A_18 = tpu.memref_slice %arg6[%dma_start3A_16, %dma_start3A_17] : memref<200x128xi32, #tpu.memory_space<vmem>> -> memref<1x128xi32, #tpu.memory_space<vmem>>
    %dma_start3A_19 = tpu.memref_squeeze %dma_start3A_18 : memref<1x128xi32, #tpu.memory_space<vmem>> -> memref<128xi32, #tpu.memory_space<vmem>>
    %dma_start3A_20 = arith.constant 0 : i32
    %dma_start3A_21 = arith.constant 0 : i32
    %dma_start3A_22 = tpu.memref_slice %arg3[%dma_start3A_20, %dma_start3A_21] : memref<100000x64xf32, #tpu.memory_space<hbm>> -> memref<100000x64xf32, #tpu.memory_space<hbm>>
    tpu.enqueue_indirect_dma source(%dma_start3A_22 : memref<100000x64xf32, #tpu.memory_space<hbm>>) target(%arg10 : memref<128x64xf32, #tpu.memory_space<vmem>>) offsets(%dma_start3A_19 : memref<128xi32, #tpu.memory_space<vmem>>) semaphore(%arg18 : memref<!tpu.dma_semaphore, #tpu.memory_space<semaphore_mem>>)
    %dma_start3A_23 = arith.constant 3 : i32
    %dma_start3A_24 = arith.constant 0 : i32
    %dma_start3A_25 = tpu.memref_slice %arg6[%dma_start3A_23, %dma_start3A_24] : memref<200x128xi32, #tpu.memory_space<vmem>> -> memref<1x128xi32, #tpu.memory_space<vmem>>
    %dma_start3A_26 = tpu.memref_squeeze %dma_start3A_25 : memref<1x128xi32, #tpu.memory_space<vmem>> -> memref<128xi32, #tpu.memory_space<vmem>>
    %dma_start3A_27 = arith.constant 0 : i32
    %dma_start3A_28 = arith.constant 0 : i32
    %dma_start3A_29 = tpu.memref_slice %arg3[%dma_start3A_27, %dma_start3A_28] : memref<100000x64xf32, #tpu.memory_space<hbm>> -> memref<100000x64xf32, #tpu.memory_space<hbm>>
    tpu.enqueue_indirect_dma source(%dma_start3A_29 : memref<100000x64xf32, #tpu.memory_space<hbm>>) target(%arg11 : memref<128x64xf32, #tpu.memory_space<vmem>>) offsets(%dma_start3A_26 : memref<128xi32, #tpu.memory_space<vmem>>) semaphore(%arg19 : memref<!tpu.dma_semaphore, #tpu.memory_space<semaphore_mem>>)
    %dma_start3A_30 = arith.constant 4 : i32
    %dma_start3A_31 = arith.constant 0 : i32
    %dma_start3A_32 = tpu.memref_slice %arg6[%dma_start3A_30, %dma_start3A_31] : memref<200x128xi32, #tpu.memory_space<vmem>> -> memref<1x128xi32, #tpu.memory_space<vmem>>
    %dma_start3A_33 = tpu.memref_squeeze %dma_start3A_32 : memref<1x128xi32, #tpu.memory_space<vmem>> -> memref<128xi32, #tpu.memory_space<vmem>>
    %dma_start3A_34 = arith.constant 0 : i32
    %dma_start3A_35 = arith.constant 0 : i32
    %dma_start3A_36 = tpu.memref_slice %arg3[%dma_start3A_34, %dma_start3A_35] : memref<100000x64xf32, #tpu.memory_space<hbm>> -> memref<100000x64xf32, #tpu.memory_space<hbm>>
    tpu.enqueue_indirect_dma source(%dma_start3A_36 : memref<100000x64xf32, #tpu.memory_space<hbm>>) target(%arg12 : memref<128x64xf32, #tpu.memory_space<vmem>>) offsets(%dma_start3A_33 : memref<128xi32, #tpu.memory_space<vmem>>) semaphore(%arg20 : memref<!tpu.dma_semaphore, #tpu.memory_space<semaphore_mem>>)
    %dma_start3A_37 = arith.constant 5 : i32
    %dma_start3A_38 = arith.constant 0 : i32
    %dma_start3A_39 = tpu.memref_slice %arg6[%dma_start3A_37, %dma_start3A_38] : memref<200x128xi32, #tpu.memory_space<vmem>> -> memref<1x128xi32, #tpu.memory_space<vmem>>
    %dma_start3A_40 = tpu.memref_squeeze %dma_start3A_39 : memref<1x128xi32, #tpu.memory_space<vmem>> -> memref<128xi32, #tpu.memory_space<vmem>>
    %dma_start3A_41 = arith.constant 0 : i32
    %dma_start3A_42 = arith.constant 0 : i32
    %dma_start3A_43 = tpu.memref_slice %arg3[%dma_start3A_41, %dma_start3A_42] : memref<100000x64xf32, #tpu.memory_space<hbm>> -> memref<100000x64xf32, #tpu.memory_space<hbm>>
    tpu.enqueue_indirect_dma source(%dma_start3A_43 : memref<100000x64xf32, #tpu.memory_space<hbm>>) target(%arg13 : memref<128x64xf32, #tpu.memory_space<vmem>>) offsets(%dma_start3A_40 : memref<128xi32, #tpu.memory_space<vmem>>) semaphore(%arg21 : memref<!tpu.dma_semaphore, #tpu.memory_space<semaphore_mem>>)
    %dma_start3A_44 = arith.constant 6 : i32
    %dma_start3A_45 = arith.constant 0 : i32
    %dma_start3A_46 = tpu.memref_slice %arg6[%dma_start3A_44, %dma_start3A_45] : memref<200x128xi32, #tpu.memory_space<vmem>> -> memref<1x128xi32, #tpu.memory_space<vmem>>
    %dma_start3A_47 = tpu.memref_squeeze %dma_start3A_46 : memref<1x128xi32, #tpu.memory_space<vmem>> -> memref<128xi32, #tpu.memory_space<vmem>>
    %dma_start3A_48 = arith.constant 0 : i32
    %dma_start3A_49 = arith.constant 0 : i32
    %dma_start3A_50 = tpu.memref_slice %arg3[%dma_start3A_48, %dma_start3A_49] : memref<100000x64xf32, #tpu.memory_space<hbm>> -> memref<100000x64xf32, #tpu.memory_space<hbm>>
    tpu.enqueue_indirect_dma source(%dma_start3A_50 : memref<100000x64xf32, #tpu.memory_space<hbm>>) target(%arg14 : memref<128x64xf32, #tpu.memory_space<vmem>>) offsets(%dma_start3A_47 : memref<128xi32, #tpu.memory_space<vmem>>) semaphore(%arg22 : memref<!tpu.dma_semaphore, #tpu.memory_space<semaphore_mem>>)
    %scan3A = arith.constant 0 : i32
    %scan3A_51 = arith.constant 0 : i32
    %scan3A_52 = arith.constant 25 : i32
    %scan3A_53 = arith.addi %scan3A_51, %scan3A_52 : i32
    %scan3A_54 = arith.constant 1 : i32
    scf.for %scan3A_135 = %scan3A_51 to %scan3A_53 step %scan3A_54  : i32 {
      %mul3A_136 = arith.constant 8 : i32
      %mul3A_137 = arith.muli %scan3A_135, %mul3A_136 : i32
      %add3A_138 = arith.constant 0 : i32
      %add3A_139 = arith.addi %mul3A_137, %add3A_138 : i32
      %dma_wait3A_140 = arith.constant 0 : i32
      %dma_wait3A_141 = tpu.memref_slice %arg6[%add3A_139, %dma_wait3A_140] : memref<200x128xi32, #tpu.memory_space<vmem>> -> memref<1x128xi32, #tpu.memory_space<vmem>>
      %dma_wait3A_142 = tpu.memref_squeeze %dma_wait3A_141 : memref<1x128xi32, #tpu.memory_space<vmem>> -> memref<128xi32, #tpu.memory_space<vmem>>
      %dma_wait3A_143 = arith.constant 0 : i32
      %dma_wait3A_144 = arith.constant 0 : i32
      %dma_wait3A_145 = tpu.memref_slice %arg3[%dma_wait3A_143, %dma_wait3A_144] : memref<100000x64xf32, #tpu.memory_space<hbm>> -> memref<100000x64xf32, #tpu.memory_space<hbm>>
      tpu.wait_indirect_dma semaphore(%arg16 : memref<!tpu.dma_semaphore, #tpu.memory_space<semaphore_mem>>) src(%dma_wait3A_145 : memref<100000x64xf32, #tpu.memory_space<hbm>>) dst(%arg8 : memref<128x64xf32, #tpu.memory_space<vmem>>)
      %mul3A_146 = arith.constant 128 : i32
      %mul3A_147 = arith.muli %add3A_139, %mul3A_146 : i32
      %rem3A = arith.constant 200 : i32
      %rem3A_148 = arith.remsi %mul3A_147, %rem3A : i32
      %parallel_loop3A = arith.constant 0 : i32
      %parallel_loop3A_149 = arith.constant 128 : i32
      %parallel_loop3A_150 = arith.constant 1 : i32
      scf.for %parallel_loop3A_396 = %parallel_loop3A to %parallel_loop3A_149 step %parallel_loop3A_150  : i32 {
        %parallel_loop3A_397 = arith.addi %rem3A_148, %parallel_loop3A_396 : i32
        %parallel_loop3A_398 = arith.index_cast %parallel_loop3A_397 : i32 to index
        %parallel_loop3A_399 = arith.constant 0 : index
        %parallel_loop3A_400 = tpu.vector_load %arg7[%parallel_loop3A_398, %parallel_loop3A_399] {strides = array<i32>} : memref<400x64xf32, #tpu.memory_space<vmem>>, vector<1x16xf32>,
        %parallel_loop3A_401 = vector.shape_cast %parallel_loop3A_400 : vector<1x16xf32> to vector<16xf32>
        %parallel_loop3A_402 = arith.index_cast %parallel_loop3A_396 : i32 to index
        %parallel_loop3A_403 = arith.constant 0 : index
        %parallel_loop3A_404 = tpu.vector_load %arg8[%parallel_loop3A_402, %parallel_loop3A_403] {strides = array<i32>} : memref<128x64xf32, #tpu.memory_space<vmem>>, vector<1x16xf32>,
        %parallel_loop3A_405 = vector.shape_cast %parallel_loop3A_404 : vector<1x16xf32> to vector<16xf32>
        %parallel_loop3A_406 = vector.shape_cast %parallel_loop3A_401 : vector<16xf32> to vector<1x16xf32>
        tpu.vector_store %arg8[%parallel_loop3A_402, %parallel_loop3A_403], %parallel_loop3A_406 {add = true, strides = array<i32>} : memref<128x64xf32, #tpu.memory_space<vmem>>, vector<1x16xf32>,
        %parallel_loop3A_407 = arith.addi %rem3A_148, %parallel_loop3A_396 : i32
        %parallel_loop3A_408 = arith.index_cast %parallel_loop3A_407 : i32 to index
        %parallel_loop3A_409 = arith.constant 16 : index
        %parallel_loop3A_410 = tpu.vector_load %arg7[%parallel_loop3A_408, %parallel_loop3A_409] {strides = array<i32>} : memref<400x64xf32, #tpu.memory_space<vmem>>, vector<1x16xf32>,
        %parallel_loop3A_411 = vector.shape_cast %parallel_loop3A_410 : vector<1x16xf32> to vector<16xf32>
        %parallel_loop3A_412 = arith.index_cast %parallel_loop3A_396 : i32 to index
        %parallel_loop3A_413 = arith.constant 16 : index
        %parallel_loop3A_414 = tpu.vector_load %arg8[%parallel_loop3A_412, %parallel_loop3A_413] {strides = array<i32>} : memref<128x64xf32, #tpu.memory_space<vmem>>, vector<1x16xf32>,
        %parallel_loop3A_415 = vector.shape_cast %parallel_loop3A_414 : vector<1x16xf32> to vector<16xf32>
        %parallel_loop3A_416 = vector.shape_cast %parallel_loop3A_411 : vector<16xf32> to vector<1x16xf32>
        tpu.vector_store %arg8[%parallel_loop3A_412, %parallel_loop3A_413], %parallel_loop3A_416 {add = true, strides = array<i32>} : memref<128x64xf32, #tpu.memory_space<vmem>>, vector<1x16xf32>,
        %parallel_loop3A_417 = arith.addi %rem3A_148, %parallel_loop3A_396 : i32
        %parallel_loop3A_418 = arith.index_cast %parallel_loop3A_417 : i32 to index
        %parallel_loop3A_419 = arith.constant 32 : index
        %parallel_loop3A_420 = tpu.vector_load %arg7[%parallel_loop3A_418, %parallel_loop3A_419] {strides = array<i32>} : memref<400x64xf32, #tpu.memory_space<vmem>>, vector<1x16xf32>,
        %parallel_loop3A_421 = vector.shape_cast %parallel_loop3A_420 : vector<1x16xf32> to vector<16xf32>
        %parallel_loop3A_422 = arith.index_cast %parallel_loop3A_396 : i32 to index
        %parallel_loop3A_423 = arith.constant 32 : index
        %parallel_loop3A_424 = tpu.vector_load %arg8[%parallel_loop3A_422, %parallel_loop3A_423] {strides = array<i32>} : memref<128x64xf32, #tpu.memory_space<vmem>>, vector<1x16xf32>,
        %parallel_loop3A_425 = vector.shape_cast %parallel_loop3A_424 : vector<1x16xf32> to vector<16xf32>
        %parallel_loop3A_426 = vector.shape_cast %parallel_loop3A_421 : vector<16xf32> to vector<1x16xf32>
        tpu.vector_store %arg8[%parallel_loop3A_422, %parallel_loop3A_423], %parallel_loop3A_426 {add = true, strides = array<i32>} : memref<128x64xf32, #tpu.memory_space<vmem>>, vector<1x16xf32>,
        %parallel_loop3A_427 = arith.addi %rem3A_148, %parallel_loop3A_396 : i32
        %parallel_loop3A_428 = arith.index_cast %parallel_loop3A_427 : i32 to index
        %parallel_loop3A_429 = arith.constant 48 : index
        %parallel_loop3A_430 = tpu.vector_load %arg7[%parallel_loop3A_428, %parallel_loop3A_429] {strides = array<i32>} : memref<400x64xf32, #tpu.memory_space<vmem>>, vector<1x16xf32>,
        %parallel_loop3A_431 = vector.shape_cast %parallel_loop3A_430 : vector<1x16xf32> to vector<16xf32>
        %parallel_loop3A_432 = arith.index_cast %parallel_loop3A_396 : i32 to index
        %parallel_loop3A_433 = arith.constant 48 : index
        %parallel_loop3A_434 = tpu.vector_load %arg8[%parallel_loop3A_432, %parallel_loop3A_433] {strides = array<i32>} : memref<128x64xf32, #tpu.memory_space<vmem>>, vector<1x16xf32>,
        %parallel_loop3A_435 = vector.shape_cast %parallel_loop3A_434 : vector<1x16xf32> to vector<16xf32>
        %parallel_loop3A_436 = vector.shape_cast %parallel_loop3A_431 : vector<16xf32> to vector<1x16xf32>
        tpu.vector_store %arg8[%parallel_loop3A_432, %parallel_loop3A_433], %parallel_loop3A_436 {add = true, strides = array<i32>} : memref<128x64xf32, #tpu.memory_space<vmem>>, vector<1x16xf32>,
      } {sc.loop_unroll_factor = 8 : i64, sc.parallel_access}
      %add3A_151 = arith.addi %mul3A_2, %add3A_139 : i32
      %dma_start3A_152 = arith.constant 0 : i32
      %dma_start3A_153 = arith.constant 0 : i32
      %dma_start3A_154 = tpu.memref_slice %arg5[%add3A_151, %dma_start3A_152, %dma_start3A_153] : memref<6400x128x64xf32, #tpu.memory_space<hbm>> -> memref<1x128x64xf32, #tpu.memory_space<hbm>>
      %dma_start3A_155 = tpu.memref_squeeze %dma_start3A_154 : memref<1x128x64xf32, #tpu.memory_space<hbm>> -> memref<128x64xf32, #tpu.memory_space<hbm>>
      %dma_start3A_156 = arith.constant 0 : i32
      %dma_start3A_157 = arith.constant 0 : i32
      %dma_start3A_158 = tpu.memref_slice %arg5[%add3A_151, %dma_start3A_156, %dma_start3A_157] : memref<6400x128x64xf32, #tpu.memory_space<hbm>> -> memref<1x128x64xf32, #tpu.memory_space<hbm>>
      %dma_start3A_159 = tpu.memref_squeeze %dma_start3A_158 : memref<1x128x64xf32, #tpu.memory_space<hbm>> -> memref<128x64xf32, #tpu.memory_space<hbm>>
      tpu.enqueue_dma source(%arg8 : memref<128x64xf32, #tpu.memory_space<vmem>>) target(%dma_start3A_159 : memref<128x64xf32, #tpu.memory_space<hbm>>) target_semaphore(%arg24 : memref<!tpu.dma_semaphore, #tpu.memory_space<semaphore_mem>>)
      %add3A_160 = arith.constant 8 : i32
      %add3A_161 = arith.addi %add3A_139, %add3A_160 : i32
      %sub3A = arith.constant 1 : i32
      %sub3A_162 = arith.subi %add3A_161, %sub3A : i32
      %lt3A = arith.constant 200 : i32
      %lt3A_163 = arith.cmpi slt, %sub3A_162, %lt3A : i32
      %convert_element_type3A = arith.extui %lt3A_163 : i1 to i32
      %cond3A = arith.constant 0 : i32
      %cond3A_164 = arith.cmpi ne, %convert_element_type3A, %cond3A : i32
      scf.if %cond3A_164 {
        %ge3A = arith.constant 1 : i32
        %ge3A_396 = arith.cmpi sge, %add3A_139, %ge3A : i32
        %convert_element_type3A_397 = arith.extui %ge3A_396 : i1 to i32
        %cond3A_398 = arith.constant 0 : i32
        %cond3A_399 = arith.cmpi ne, %convert_element_type3A_397, %cond3A_398 : i32
        scf.if %cond3A_399 {
          %add3A_410 = arith.addi %mul3A_2, %add3A_139 : i32
          %sub3A_411 = arith.constant 1 : i32
          %sub3A_412 = arith.subi %add3A_410, %sub3A_411 : i32
          %dma_wait3A_413 = arith.constant 0 : i32
          %dma_wait3A_414 = arith.constant 0 : i32
          %dma_wait3A_415 = tpu.memref_slice %arg5[%sub3A_412, %dma_wait3A_413, %dma_wait3A_414] : memref<6400x128x64xf32, #tpu.memory_space<hbm>> -> memref<1x128x64xf32, #tpu.memory_space<hbm>>
          %dma_wait3A_416 = tpu.memref_squeeze %dma_wait3A_415 : memref<1x128x64xf32, #tpu.memory_space<hbm>> -> memref<128x64xf32, #tpu.memory_space<hbm>>
          %dma_wait3A_417 = arith.constant 0 : i32
          %dma_wait3A_418 = arith.constant 0 : i32
          %dma_wait3A_419 = tpu.memref_slice %arg5[%sub3A_412, %dma_wait3A_417, %dma_wait3A_418] : memref<6400x128x64xf32, #tpu.memory_space<hbm>> -> memref<1x128x64xf32, #tpu.memory_space<hbm>>
          %dma_wait3A_420 = tpu.memref_squeeze %dma_wait3A_419 : memref<1x128x64xf32, #tpu.memory_space<hbm>> -> memref<128x64xf32, #tpu.memory_space<hbm>>
          tpu.wait_dma2 semaphore(%arg31 : memref<!tpu.dma_semaphore, #tpu.memory_space<semaphore_mem>>) src(%arg15 : memref<128x64xf32, #tpu.memory_space<vmem>>) dst(%dma_wait3A_420 : memref<128x64xf32, #tpu.memory_space<hbm>>)
        } else {
        }
        %add3A_400 = arith.constant 8 : i32
        %add3A_401 = arith.addi %add3A_139, %add3A_400 : i32
        %sub3A_402 = arith.constant 1 : i32
        %sub3A_403 = arith.subi %add3A_401, %sub3A_402 : i32
        %dma_start3A_404 = arith.constant 0 : i32
        %dma_start3A_405 = tpu.memref_slice %arg6[%sub3A_403, %dma_start3A_404] : memref<200x128xi32, #tpu.memory_space<vmem>> -> memref<1x128xi32, #tpu.memory_space<vmem>>
        %dma_start3A_406 = tpu.memref_squeeze %dma_start3A_405 : memref<1x128xi32, #tpu.memory_space<vmem>> -> memref<128xi32, #tpu.memory_space<vmem>>
        %dma_start3A_407 = arith.constant 0 : i32
        %dma_start3A_408 = arith.constant 0 : i32
        %dma_start3A_409 = tpu.memref_slice %arg3[%dma_start3A_407, %dma_start3A_408] : memref<100000x64xf32, #tpu.memory_space<hbm>> -> memref<100000x64xf32, #tpu.memory_space<hbm>>
        tpu.enqueue_indirect_dma source(%dma_start3A_409 : memref<100000x64xf32, #tpu.memory_space<hbm>>) target(%arg15 : memref<128x64xf32, #tpu.memory_space<vmem>>) offsets(%dma_start3A_406 : memref<128xi32, #tpu.memory_space<vmem>>) semaphore(%arg23 : memref<!tpu.dma_semaphore, #tpu.memory_space<semaphore_mem>>)
      } else {
      }
      %add3A_165 = arith.constant 1 : i32
      %add3A_166 = arith.addi %mul3A_137, %add3A_165 : i32
      %dma_wait3A_167 = arith.constant 0 : i32
      %dma_wait3A_168 = tpu.memref_slice %arg6[%add3A_166, %dma_wait3A_167] : memref<200x128xi32, #tpu.memory_space<vmem>> -> memref<1x128xi32, #tpu.memory_space<vmem>>
      %dma_wait3A_169 = tpu.memref_squeeze %dma_wait3A_168 : memref<1x128xi32, #tpu.memory_space<vmem>> -> memref<128xi32, #tpu.memory_space<vmem>>
      %dma_wait3A_170 = arith.constant 0 : i32
      %dma_wait3A_171 = arith.constant 0 : i32
      %dma_wait3A_172 = tpu.memref_slice %arg3[%dma_wait3A_170, %dma_wait3A_171] : memref<100000x64xf32, #tpu.memory_space<hbm>> -> memref<100000x64xf32, #tpu.memory_space<hbm>>
      tpu.wait_indirect_dma semaphore(%arg17 : memref<!tpu.dma_semaphore, #tpu.memory_space<semaphore_mem>>) src(%dma_wait3A_172 : memref<100000x64xf32, #tpu.memory_space<hbm>>) dst(%arg9 : memref<128x64xf32, #tpu.memory_space<vmem>>)
      %mul3A_173 = arith.constant 128 : i32
      %mul3A_174 = arith.muli %add3A_166, %mul3A_173 : i32
      %rem3A_175 = arith.constant 200 : i32
      %rem3A_176 = arith.remsi %mul3A_174, %rem3A_175 : i32
      %parallel_loop3A_177 = arith.constant 0 : i32
      %parallel_loop3A_178 = arith.constant 128 : i32
      %parallel_loop3A_179 = arith.constant 1 : i32
      scf.for %parallel_loop3A_396 = %parallel_loop3A_177 to %parallel_loop3A_178 step %parallel_loop3A_179  : i32 {
        %parallel_loop3A_397 = arith.addi %rem3A_176, %parallel_loop3A_396 : i32
        %parallel_loop3A_398 = arith.index_cast %parallel_loop3A_397 : i32 to index
        %parallel_loop3A_399 = arith.constant 0 : index
        %parallel_loop3A_400 = tpu.vector_load %arg7[%parallel_loop3A_398, %parallel_loop3A_399] {strides = array<i32>} : memref<400x64xf32, #tpu.memory_space<vmem>>, vector<1x16xf32>,
        %parallel_loop3A_401 = vector.shape_cast %parallel_loop3A_400 : vector<1x16xf32> to vector<16xf32>
        %parallel_loop3A_402 = arith.index_cast %parallel_loop3A_396 : i32 to index
        %parallel_loop3A_403 = arith.constant 0 : index
        %parallel_loop3A_404 = tpu.vector_load %arg9[%parallel_loop3A_402, %parallel_loop3A_403] {strides = array<i32>} : memref<128x64xf32, #tpu.memory_space<vmem>>, vector<1x16xf32>,
        %parallel_loop3A_405 = vector.shape_cast %parallel_loop3A_404 : vector<1x16xf32> to vector<16xf32>
        %parallel_loop3A_406 = vector.shape_cast %parallel_loop3A_401 : vector<16xf32> to vector<1x16xf32>
        tpu.vector_store %arg9[%parallel_loop3A_402, %parallel_loop3A_403], %parallel_loop3A_406 {add = true, strides = array<i32>} : memref<128x64xf32, #tpu.memory_space<vmem>>, vector<1x16xf32>,
        %parallel_loop3A_407 = arith.addi %rem3A_176, %parallel_loop3A_396 : i32
        %parallel_loop3A_408 = arith.index_cast %parallel_loop3A_407 : i32 to index
        %parallel_loop3A_409 = arith.constant 16 : index
        %parallel_loop3A_410 = tpu.vector_load %arg7[%parallel_loop3A_408, %parallel_loop3A_409] {strides = array<i32>} : memref<400x64xf32, #tpu.memory_space<vmem>>, vector<1x16xf32>,
        %parallel_loop3A_411 = vector.shape_cast %parallel_loop3A_410 : vector<1x16xf32> to vector<16xf32>
        %parallel_loop3A_412 = arith.index_cast %parallel_loop3A_396 : i32 to index
        %parallel_loop3A_413 = arith.constant 16 : index
        %parallel_loop3A_414 = tpu.vector_load %arg9[%parallel_loop3A_412, %parallel_loop3A_413] {strides = array<i32>} : memref<128x64xf32, #tpu.memory_space<vmem>>, vector<1x16xf32>,
        %parallel_loop3A_415 = vector.shape_cast %parallel_loop3A_414 : vector<1x16xf32> to vector<16xf32>
        %parallel_loop3A_416 = vector.shape_cast %parallel_loop3A_411 : vector<16xf32> to vector<1x16xf32>
        tpu.vector_store %arg9[%parallel_loop3A_412, %parallel_loop3A_413], %parallel_loop3A_416 {add = true, strides = array<i32>} : memref<128x64xf32, #tpu.memory_space<vmem>>, vector<1x16xf32>,
        %parallel_loop3A_417 = arith.addi %rem3A_176, %parallel_loop3A_396 : i32
        %parallel_loop3A_418 = arith.index_cast %parallel_loop3A_417 : i32 to index
        %parallel_loop3A_419 = arith.constant 32 : index
        %parallel_loop3A_420 = tpu.vector_load %arg7[%parallel_loop3A_418, %parallel_loop3A_419] {strides = array<i32>} : memref<400x64xf32, #tpu.memory_space<vmem>>, vector<1x16xf32>,
        %parallel_loop3A_421 = vector.shape_cast %parallel_loop3A_420 : vector<1x16xf32> to vector<16xf32>
        %parallel_loop3A_422 = arith.index_cast %parallel_loop3A_396 : i32 to index
        %parallel_loop3A_423 = arith.constant 32 : index
        %parallel_loop3A_424 = tpu.vector_load %arg9[%parallel_loop3A_422, %parallel_loop3A_423] {strides = array<i32>} : memref<128x64xf32, #tpu.memory_space<vmem>>, vector<1x16xf32>,
        %parallel_loop3A_425 = vector.shape_cast %parallel_loop3A_424 : vector<1x16xf32> to vector<16xf32>
        %parallel_loop3A_426 = vector.shape_cast %parallel_loop3A_421 : vector<16xf32> to vector<1x16xf32>
        tpu.vector_store %arg9[%parallel_loop3A_422, %parallel_loop3A_423], %parallel_loop3A_426 {add = true, strides = array<i32>} : memref<128x64xf32, #tpu.memory_space<vmem>>, vector<1x16xf32>,
        %parallel_loop3A_427 = arith.addi %rem3A_176, %parallel_loop3A_396 : i32
        %parallel_loop3A_428 = arith.index_cast %parallel_loop3A_427 : i32 to index
        %parallel_loop3A_429 = arith.constant 48 : index
        %parallel_loop3A_430 = tpu.vector_load %arg7[%parallel_loop3A_428, %parallel_loop3A_429] {strides = array<i32>} : memref<400x64xf32, #tpu.memory_space<vmem>>, vector<1x16xf32>,
        %parallel_loop3A_431 = vector.shape_cast %parallel_loop3A_430 : vector<1x16xf32> to vector<16xf32>
        %parallel_loop3A_432 = arith.index_cast %parallel_loop3A_396 : i32 to index
        %parallel_loop3A_433 = arith.constant 48 : index
        %parallel_loop3A_434 = tpu.vector_load %arg9[%parallel_loop3A_432, %parallel_loop3A_433] {strides = array<i32>} : memref<128x64xf32, #tpu.memory_space<vmem>>, vector<1x16xf32>,
        %parallel_loop3A_435 = vector.shape_cast %parallel_loop3A_434 : vector<1x16xf32> to vector<16xf32>
        %parallel_loop3A_436 = vector.shape_cast %parallel_loop3A_431 : vector<16xf32> to vector<1x16xf32>
        tpu.vector_store %arg9[%parallel_loop3A_432, %parallel_loop3A_433], %parallel_loop3A_436 {add = true, strides = array<i32>} : memref<128x64xf32, #tpu.memory_space<vmem>>, vector<1x16xf32>,
      } {sc.loop_unroll_factor = 8 : i64, sc.parallel_access}
      %add3A_180 = arith.addi %mul3A_2, %add3A_166 : i32
      %dma_start3A_181 = arith.constant 0 : i32
      %dma_start3A_182 = arith.constant 0 : i32
      %dma_start3A_183 = tpu.memref_slice %arg5[%add3A_180, %dma_start3A_181, %dma_start3A_182] : memref<6400x128x64xf32, #tpu.memory_space<hbm>> -> memref<1x128x64xf32, #tpu.memory_space<hbm>>
      %dma_start3A_184 = tpu.memref_squeeze %dma_start3A_183 : memref<1x128x64xf32, #tpu.memory_space<hbm>> -> memref<128x64xf32, #tpu.memory_space<hbm>>
      %dma_start3A_185 = arith.constant 0 : i32
      %dma_start3A_186 = arith.constant 0 : i32
      %dma_start3A_187 = tpu.memref_slice %arg5[%add3A_180, %dma_start3A_185, %dma_start3A_186] : memref<6400x128x64xf32, #tpu.memory_space<hbm>> -> memref<1x128x64xf32, #tpu.memory_space<hbm>>
      %dma_start3A_188 = tpu.memref_squeeze %dma_start3A_187 : memref<1x128x64xf32, #tpu.memory_space<hbm>> -> memref<128x64xf32, #tpu.memory_space<hbm>>
      tpu.enqueue_dma source(%arg9 : memref<128x64xf32, #tpu.memory_space<vmem>>) target(%dma_start3A_188 : memref<128x64xf32, #tpu.memory_space<hbm>>) target_semaphore(%arg25 : memref<!tpu.dma_semaphore, #tpu.memory_space<semaphore_mem>>)
      %add3A_189 = arith.constant 8 : i32
      %add3A_190 = arith.addi %add3A_166, %add3A_189 : i32
      %sub3A_191 = arith.constant 1 : i32
      %sub3A_192 = arith.subi %add3A_190, %sub3A_191 : i32
      %lt3A_193 = arith.constant 200 : i32
      %lt3A_194 = arith.cmpi slt, %sub3A_192, %lt3A_193 : i32
      %convert_element_type3A_195 = arith.extui %lt3A_194 : i1 to i32
      %cond3A_196 = arith.constant 0 : i32
      %cond3A_197 = arith.cmpi ne, %convert_element_type3A_195, %cond3A_196 : i32
      scf.if %cond3A_197 {
        %ge3A = arith.constant 1 : i32
        %ge3A_396 = arith.cmpi sge, %add3A_166, %ge3A : i32
        %convert_element_type3A_397 = arith.extui %ge3A_396 : i1 to i32
        %cond3A_398 = arith.constant 0 : i32
        %cond3A_399 = arith.cmpi ne, %convert_element_type3A_397, %cond3A_398 : i32
        scf.if %cond3A_399 {
          %add3A_410 = arith.addi %mul3A_2, %add3A_166 : i32
          %sub3A_411 = arith.constant 1 : i32
          %sub3A_412 = arith.subi %add3A_410, %sub3A_411 : i32
          %dma_wait3A_413 = arith.constant 0 : i32
          %dma_wait3A_414 = arith.constant 0 : i32
          %dma_wait3A_415 = tpu.memref_slice %arg5[%sub3A_412, %dma_wait3A_413, %dma_wait3A_414] : memref<6400x128x64xf32, #tpu.memory_space<hbm>> -> memref<1x128x64xf32, #tpu.memory_space<hbm>>
          %dma_wait3A_416 = tpu.memref_squeeze %dma_wait3A_415 : memref<1x128x64xf32, #tpu.memory_space<hbm>> -> memref<128x64xf32, #tpu.memory_space<hbm>>
          %dma_wait3A_417 = arith.constant 0 : i32
          %dma_wait3A_418 = arith.constant 0 : i32
          %dma_wait3A_419 = tpu.memref_slice %arg5[%sub3A_412, %dma_wait3A_417, %dma_wait3A_418] : memref<6400x128x64xf32, #tpu.memory_space<hbm>> -> memref<1x128x64xf32, #tpu.memory_space<hbm>>
          %dma_wait3A_420 = tpu.memref_squeeze %dma_wait3A_419 : memref<1x128x64xf32, #tpu.memory_space<hbm>> -> memref<128x64xf32, #tpu.memory_space<hbm>>
          tpu.wait_dma2 semaphore(%arg24 : memref<!tpu.dma_semaphore, #tpu.memory_space<semaphore_mem>>) src(%arg8 : memref<128x64xf32, #tpu.memory_space<vmem>>) dst(%dma_wait3A_420 : memref<128x64xf32, #tpu.memory_space<hbm>>)
        } else {
        }
        %add3A_400 = arith.constant 8 : i32
        %add3A_401 = arith.addi %add3A_166, %add3A_400 : i32
        %sub3A_402 = arith.constant 1 : i32
        %sub3A_403 = arith.subi %add3A_401, %sub3A_402 : i32
        %dma_start3A_404 = arith.constant 0 : i32
        %dma_start3A_405 = tpu.memref_slice %arg6[%sub3A_403, %dma_start3A_404] : memref<200x128xi32, #tpu.memory_space<vmem>> -> memref<1x128xi32, #tpu.memory_space<vmem>>
        %dma_start3A_406 = tpu.memref_squeeze %dma_start3A_405 : memref<1x128xi32, #tpu.memory_space<vmem>> -> memref<128xi32, #tpu.memory_space<vmem>>
        %dma_start3A_407 = arith.constant 0 : i32
        %dma_start3A_408 = arith.constant 0 : i32
        %dma_start3A_409 = tpu.memref_slice %arg3[%dma_start3A_407, %dma_start3A_408] : memref<100000x64xf32, #tpu.memory_space<hbm>> -> memref<100000x64xf32, #tpu.memory_space<hbm>>
        tpu.enqueue_indirect_dma source(%dma_start3A_409 : memref<100000x64xf32, #tpu.memory_space<hbm>>) target(%arg8 : memref<128x64xf32, #tpu.memory_space<vmem>>) offsets(%dma_start3A_406 : memref<128xi32, #tpu.memory_space<vmem>>) semaphore(%arg16 : memref<!tpu.dma_semaphore, #tpu.memory_space<semaphore_mem>>)
      } else {
      }
      %add3A_198 = arith.constant 2 : i32
      %add3A_199 = arith.addi %mul3A_137, %add3A_198 : i32
      %dma_wait3A_200 = arith.constant 0 : i32
      %dma_wait3A_201 = tpu.memref_slice %arg6[%add3A_199, %dma_wait3A_200] : memref<200x128xi32, #tpu.memory_space<vmem>> -> memref<1x128xi32, #tpu.memory_space<vmem>>
      %dma_wait3A_202 = tpu.memref_squeeze %dma_wait3A_201 : memref<1x128xi32, #tpu.memory_space<vmem>> -> memref<128xi32, #tpu.memory_space<vmem>>
      %dma_wait3A_203 = arith.constant 0 : i32
      %dma_wait3A_204 = arith.constant 0 : i32
      %dma_wait3A_205 = tpu.memref_slice %arg3[%dma_wait3A_203, %dma_wait3A_204] : memref<100000x64xf32, #tpu.memory_space<hbm>> -> memref<100000x64xf32, #tpu.memory_space<hbm>>
      tpu.wait_indirect_dma semaphore(%arg18 : memref<!tpu.dma_semaphore, #tpu.memory_space<semaphore_mem>>) src(%dma_wait3A_205 : memref<100000x64xf32, #tpu.memory_space<hbm>>) dst(%arg10 : memref<128x64xf32, #tpu.memory_space<vmem>>)
      %mul3A_206 = arith.constant 128 : i32
      %mul3A_207 = arith.muli %add3A_199, %mul3A_206 : i32
      %rem3A_208 = arith.constant 200 : i32
      %rem3A_209 = arith.remsi %mul3A_207, %rem3A_208 : i32
      %parallel_loop3A_210 = arith.constant 0 : i32
      %parallel_loop3A_211 = arith.constant 128 : i32
      %parallel_loop3A_212 = arith.constant 1 : i32
      scf.for %parallel_loop3A_396 = %parallel_loop3A_210 to %parallel_loop3A_211 step %parallel_loop3A_212  : i32 {
        %parallel_loop3A_397 = arith.addi %rem3A_209, %parallel_loop3A_396 : i32
        %parallel_loop3A_398 = arith.index_cast %parallel_loop3A_397 : i32 to index
        %parallel_loop3A_399 = arith.constant 0 : index
        %parallel_loop3A_400 = tpu.vector_load %arg7[%parallel_loop3A_398, %parallel_loop3A_399] {strides = array<i32>} : memref<400x64xf32, #tpu.memory_space<vmem>>, vector<1x16xf32>,
        %parallel_loop3A_401 = vector.shape_cast %parallel_loop3A_400 : vector<1x16xf32> to vector<16xf32>
        %parallel_loop3A_402 = arith.index_cast %parallel_loop3A_396 : i32 to index
        %parallel_loop3A_403 = arith.constant 0 : index
        %parallel_loop3A_404 = tpu.vector_load %arg10[%parallel_loop3A_402, %parallel_loop3A_403] {strides = array<i32>} : memref<128x64xf32, #tpu.memory_space<vmem>>, vector<1x16xf32>,
        %parallel_loop3A_405 = vector.shape_cast %parallel_loop3A_404 : vector<1x16xf32> to vector<16xf32>
        %parallel_loop3A_406 = vector.shape_cast %parallel_loop3A_401 : vector<16xf32> to vector<1x16xf32>
        tpu.vector_store %arg10[%parallel_loop3A_402, %parallel_loop3A_403], %parallel_loop3A_406 {add = true, strides = array<i32>} : memref<128x64xf32, #tpu.memory_space<vmem>>, vector<1x16xf32>,
        %parallel_loop3A_407 = arith.addi %rem3A_209, %parallel_loop3A_396 : i32
        %parallel_loop3A_408 = arith.index_cast %parallel_loop3A_407 : i32 to index
        %parallel_loop3A_409 = arith.constant 16 : index
        %parallel_loop3A_410 = tpu.vector_load %arg7[%parallel_loop3A_408, %parallel_loop3A_409] {strides = array<i32>} : memref<400x64xf32, #tpu.memory_space<vmem>>, vector<1x16xf32>,
        %parallel_loop3A_411 = vector.shape_cast %parallel_loop3A_410 : vector<1x16xf32> to vector<16xf32>
        %parallel_loop3A_412 = arith.index_cast %parallel_loop3A_396 : i32 to index
        %parallel_loop3A_413 = arith.constant 16 : index
        %parallel_loop3A_414 = tpu.vector_load %arg10[%parallel_loop3A_412, %parallel_loop3A_413] {strides = array<i32>} : memref<128x64xf32, #tpu.memory_space<vmem>>, vector<1x16xf32>,
        %parallel_loop3A_415 = vector.shape_cast %parallel_loop3A_414 : vector<1x16xf32> to vector<16xf32>
        %parallel_loop3A_416 = vector.shape_cast %parallel_loop3A_411 : vector<16xf32> to vector<1x16xf32>
        tpu.vector_store %arg10[%parallel_loop3A_412, %parallel_loop3A_413], %parallel_loop3A_416 {add = true, strides = array<i32>} : memref<128x64xf32, #tpu.memory_space<vmem>>, vector<1x16xf32>,
        %parallel_loop3A_417 = arith.addi %rem3A_209, %parallel_loop3A_396 : i32
        %parallel_loop3A_418 = arith.index_cast %parallel_loop3A_417 : i32 to index
        %parallel_loop3A_419 = arith.constant 32 : index
        %parallel_loop3A_420 = tpu.vector_load %arg7[%parallel_loop3A_418, %parallel_loop3A_419] {strides = array<i32>} : memref<400x64xf32, #tpu.memory_space<vmem>>, vector<1x16xf32>,
        %parallel_loop3A_421 = vector.shape_cast %parallel_loop3A_420 : vector<1x16xf32> to vector<16xf32>
        %parallel_loop3A_422 = arith.index_cast %parallel_loop3A_396 : i32 to index
        %parallel_loop3A_423 = arith.constant 32 : index
        %parallel_loop3A_424 = tpu.vector_load %arg10[%parallel_loop3A_422, %parallel_loop3A_423] {strides = array<i32>} : memref<128x64xf32, #tpu.memory_space<vmem>>, vector<1x16xf32>,
        %parallel_loop3A_425 = vector.shape_cast %parallel_loop3A_424 : vector<1x16xf32> to vector<16xf32>
        %parallel_loop3A_426 = vector.shape_cast %parallel_loop3A_421 : vector<16xf32> to vector<1x16xf32>
        tpu.vector_store %arg10[%parallel_loop3A_422, %parallel_loop3A_423], %parallel_loop3A_426 {add = true, strides = array<i32>} : memref<128x64xf32, #tpu.memory_space<vmem>>, vector<1x16xf32>,
        %parallel_loop3A_427 = arith.addi %rem3A_209, %parallel_loop3A_396 : i32
        %parallel_loop3A_428 = arith.index_cast %parallel_loop3A_427 : i32 to index
        %parallel_loop3A_429 = arith.constant 48 : index
        %parallel_loop3A_430 = tpu.vector_load %arg7[%parallel_loop3A_428, %parallel_loop3A_429] {strides = array<i32>} : memref<400x64xf32, #tpu.memory_space<vmem>>, vector<1x16xf32>,
        %parallel_loop3A_431 = vector.shape_cast %parallel_loop3A_430 : vector<1x16xf32> to vector<16xf32>
        %parallel_loop3A_432 = arith.index_cast %parallel_loop3A_396 : i32 to index
        %parallel_loop3A_433 = arith.constant 48 : index
        %parallel_loop3A_434 = tpu.vector_load %arg10[%parallel_loop3A_432, %parallel_loop3A_433] {strides = array<i32>} : memref<128x64xf32, #tpu.memory_space<vmem>>, vector<1x16xf32>,
        %parallel_loop3A_435 = vector.shape_cast %parallel_loop3A_434 : vector<1x16xf32> to vector<16xf32>
        %parallel_loop3A_436 = vector.shape_cast %parallel_loop3A_431 : vector<16xf32> to vector<1x16xf32>
        tpu.vector_store %arg10[%parallel_loop3A_432, %parallel_loop3A_433], %parallel_loop3A_436 {add = true, strides = array<i32>} : memref<128x64xf32, #tpu.memory_space<vmem>>, vector<1x16xf32>,
      } {sc.loop_unroll_factor = 8 : i64, sc.parallel_access}
      %add3A_213 = arith.addi %mul3A_2, %add3A_199 : i32
      %dma_start3A_214 = arith.constant 0 : i32
      %dma_start3A_215 = arith.constant 0 : i32
      %dma_start3A_216 = tpu.memref_slice %arg5[%add3A_213, %dma_start3A_214, %dma_start3A_215] : memref<6400x128x64xf32, #tpu.memory_space<hbm>> -> memref<1x128x64xf32, #tpu.memory_space<hbm>>
      %dma_start3A_217 = tpu.memref_squeeze %dma_start3A_216 : memref<1x128x64xf32, #tpu.memory_space<hbm>> -> memref<128x64xf32, #tpu.memory_space<hbm>>
      %dma_start3A_218 = arith.constant 0 : i32
      %dma_start3A_219 = arith.constant 0 : i32
      %dma_start3A_220 = tpu.memref_slice %arg5[%add3A_213, %dma_start3A_218, %dma_start3A_219] : memref<6400x128x64xf32, #tpu.memory_space<hbm>> -> memref<1x128x64xf32, #tpu.memory_space<hbm>>
      %dma_start3A_221 = tpu.memref_squeeze %dma_start3A_220 : memref<1x128x64xf32, #tpu.memory_space<hbm>> -> memref<128x64xf32, #tpu.memory_space<hbm>>
      tpu.enqueue_dma source(%arg10 : memref<128x64xf32, #tpu.memory_space<vmem>>) target(%dma_start3A_221 : memref<128x64xf32, #tpu.memory_space<hbm>>) target_semaphore(%arg26 : memref<!tpu.dma_semaphore, #tpu.memory_space<semaphore_mem>>)
      %add3A_222 = arith.constant 8 : i32
      %add3A_223 = arith.addi %add3A_199, %add3A_222 : i32
      %sub3A_224 = arith.constant 1 : i32
      %sub3A_225 = arith.subi %add3A_223, %sub3A_224 : i32
      %lt3A_226 = arith.constant 200 : i32
      %lt3A_227 = arith.cmpi slt, %sub3A_225, %lt3A_226 : i32
      %convert_element_type3A_228 = arith.extui %lt3A_227 : i1 to i32
      %cond3A_229 = arith.constant 0 : i32
      %cond3A_230 = arith.cmpi ne, %convert_element_type3A_228, %cond3A_229 : i32
      scf.if %cond3A_230 {
        %ge3A = arith.constant 1 : i32
        %ge3A_396 = arith.cmpi sge, %add3A_199, %ge3A : i32
        %convert_element_type3A_397 = arith.extui %ge3A_396 : i1 to i32
        %cond3A_398 = arith.constant 0 : i32
        %cond3A_399 = arith.cmpi ne, %convert_element_type3A_397, %cond3A_398 : i32
        scf.if %cond3A_399 {
          %add3A_410 = arith.addi %mul3A_2, %add3A_199 : i32
          %sub3A_411 = arith.constant 1 : i32
          %sub3A_412 = arith.subi %add3A_410, %sub3A_411 : i32
          %dma_wait3A_413 = arith.constant 0 : i32
          %dma_wait3A_414 = arith.constant 0 : i32
          %dma_wait3A_415 = tpu.memref_slice %arg5[%sub3A_412, %dma_wait3A_413, %dma_wait3A_414] : memref<6400x128x64xf32, #tpu.memory_space<hbm>> -> memref<1x128x64xf32, #tpu.memory_space<hbm>>
          %dma_wait3A_416 = tpu.memref_squeeze %dma_wait3A_415 : memref<1x128x64xf32, #tpu.memory_space<hbm>> -> memref<128x64xf32, #tpu.memory_space<hbm>>
          %dma_wait3A_417 = arith.constant 0 : i32
          %dma_wait3A_418 = arith.constant 0 : i32
          %dma_wait3A_419 = tpu.memref_slice %arg5[%sub3A_412, %dma_wait3A_417, %dma_wait3A_418] : memref<6400x128x64xf32, #tpu.memory_space<hbm>> -> memref<1x128x64xf32, #tpu.memory_space<hbm>>
          %dma_wait3A_420 = tpu.memref_squeeze %dma_wait3A_419 : memref<1x128x64xf32, #tpu.memory_space<hbm>> -> memref<128x64xf32, #tpu.memory_space<hbm>>
          tpu.wait_dma2 semaphore(%arg25 : memref<!tpu.dma_semaphore, #tpu.memory_space<semaphore_mem>>) src(%arg9 : memref<128x64xf32, #tpu.memory_space<vmem>>) dst(%dma_wait3A_420 : memref<128x64xf32, #tpu.memory_space<hbm>>)
        } else {
        }
        %add3A_400 = arith.constant 8 : i32
        %add3A_401 = arith.addi %add3A_199, %add3A_400 : i32
        %sub3A_402 = arith.constant 1 : i32
        %sub3A_403 = arith.subi %add3A_401, %sub3A_402 : i32
        %dma_start3A_404 = arith.constant 0 : i32
        %dma_start3A_405 = tpu.memref_slice %arg6[%sub3A_403, %dma_start3A_404] : memref<200x128xi32, #tpu.memory_space<vmem>> -> memref<1x128xi32, #tpu.memory_space<vmem>>
        %dma_start3A_406 = tpu.memref_squeeze %dma_start3A_405 : memref<1x128xi32, #tpu.memory_space<vmem>> -> memref<128xi32, #tpu.memory_space<vmem>>
        %dma_start3A_407 = arith.constant 0 : i32
        %dma_start3A_408 = arith.constant 0 : i32
        %dma_start3A_409 = tpu.memref_slice %arg3[%dma_start3A_407, %dma_start3A_408] : memref<100000x64xf32, #tpu.memory_space<hbm>> -> memref<100000x64xf32, #tpu.memory_space<hbm>>
        tpu.enqueue_indirect_dma source(%dma_start3A_409 : memref<100000x64xf32, #tpu.memory_space<hbm>>) target(%arg9 : memref<128x64xf32, #tpu.memory_space<vmem>>) offsets(%dma_start3A_406 : memref<128xi32, #tpu.memory_space<vmem>>) semaphore(%arg17 : memref<!tpu.dma_semaphore, #tpu.memory_space<semaphore_mem>>)
      } else {
      }
      %add3A_231 = arith.constant 3 : i32
      %add3A_232 = arith.addi %mul3A_137, %add3A_231 : i32
      %dma_wait3A_233 = arith.constant 0 : i32
      %dma_wait3A_234 = tpu.memref_slice %arg6[%add3A_232, %dma_wait3A_233] : memref<200x128xi32, #tpu.memory_space<vmem>> -> memref<1x128xi32, #tpu.memory_space<vmem>>
      %dma_wait3A_235 = tpu.memref_squeeze %dma_wait3A_234 : memref<1x128xi32, #tpu.memory_space<vmem>> -> memref<128xi32, #tpu.memory_space<vmem>>
      %dma_wait3A_236 = arith.constant 0 : i32
      %dma_wait3A_237 = arith.constant 0 : i32
      %dma_wait3A_238 = tpu.memref_slice %arg3[%dma_wait3A_236, %dma_wait3A_237] : memref<100000x64xf32, #tpu.memory_space<hbm>> -> memref<100000x64xf32, #tpu.memory_space<hbm>>
      tpu.wait_indirect_dma semaphore(%arg19 : memref<!tpu.dma_semaphore, #tpu.memory_space<semaphore_mem>>) src(%dma_wait3A_238 : memref<100000x64xf32, #tpu.memory_space<hbm>>) dst(%arg11 : memref<128x64xf32, #tpu.memory_space<vmem>>)
      %mul3A_239 = arith.constant 128 : i32
      %mul3A_240 = arith.muli %add3A_232, %mul3A_239 : i32
      %rem3A_241 = arith.constant 200 : i32
      %rem3A_242 = arith.remsi %mul3A_240, %rem3A_241 : i32
      %parallel_loop3A_243 = arith.constant 0 : i32
      %parallel_loop3A_244 = arith.constant 128 : i32
      %parallel_loop3A_245 = arith.constant 1 : i32
      scf.for %parallel_loop3A_396 = %parallel_loop3A_243 to %parallel_loop3A_244 step %parallel_loop3A_245  : i32 {
        %parallel_loop3A_397 = arith.addi %rem3A_242, %parallel_loop3A_396 : i32
        %parallel_loop3A_398 = arith.index_cast %parallel_loop3A_397 : i32 to index
        %parallel_loop3A_399 = arith.constant 0 : index
        %parallel_loop3A_400 = tpu.vector_load %arg7[%parallel_loop3A_398, %parallel_loop3A_399] {strides = array<i32>} : memref<400x64xf32, #tpu.memory_space<vmem>>, vector<1x16xf32>,
        %parallel_loop3A_401 = vector.shape_cast %parallel_loop3A_400 : vector<1x16xf32> to vector<16xf32>
        %parallel_loop3A_402 = arith.index_cast %parallel_loop3A_396 : i32 to index
        %parallel_loop3A_403 = arith.constant 0 : index
        %parallel_loop3A_404 = tpu.vector_load %arg11[%parallel_loop3A_402, %parallel_loop3A_403] {strides = array<i32>} : memref<128x64xf32, #tpu.memory_space<vmem>>, vector<1x16xf32>,
        %parallel_loop3A_405 = vector.shape_cast %parallel_loop3A_404 : vector<1x16xf32> to vector<16xf32>
        %parallel_loop3A_406 = vector.shape_cast %parallel_loop3A_401 : vector<16xf32> to vector<1x16xf32>
        tpu.vector_store %arg11[%parallel_loop3A_402, %parallel_loop3A_403], %parallel_loop3A_406 {add = true, strides = array<i32>} : memref<128x64xf32, #tpu.memory_space<vmem>>, vector<1x16xf32>,
        %parallel_loop3A_407 = arith.addi %rem3A_242, %parallel_loop3A_396 : i32
        %parallel_loop3A_408 = arith.index_cast %parallel_loop3A_407 : i32 to index
        %parallel_loop3A_409 = arith.constant 16 : index
        %parallel_loop3A_410 = tpu.vector_load %arg7[%parallel_loop3A_408, %parallel_loop3A_409] {strides = array<i32>} : memref<400x64xf32, #tpu.memory_space<vmem>>, vector<1x16xf32>,
        %parallel_loop3A_411 = vector.shape_cast %parallel_loop3A_410 : vector<1x16xf32> to vector<16xf32>
        %parallel_loop3A_412 = arith.index_cast %parallel_loop3A_396 : i32 to index
        %parallel_loop3A_413 = arith.constant 16 : index
        %parallel_loop3A_414 = tpu.vector_load %arg11[%parallel_loop3A_412, %parallel_loop3A_413] {strides = array<i32>} : memref<128x64xf32, #tpu.memory_space<vmem>>, vector<1x16xf32>,
        %parallel_loop3A_415 = vector.shape_cast %parallel_loop3A_414 : vector<1x16xf32> to vector<16xf32>
        %parallel_loop3A_416 = vector.shape_cast %parallel_loop3A_411 : vector<16xf32> to vector<1x16xf32>
        tpu.vector_store %arg11[%parallel_loop3A_412, %parallel_loop3A_413], %parallel_loop3A_416 {add = true, strides = array<i32>} : memref<128x64xf32, #tpu.memory_space<vmem>>, vector<1x16xf32>,
        %parallel_loop3A_417 = arith.addi %rem3A_242, %parallel_loop3A_396 : i32
        %parallel_loop3A_418 = arith.index_cast %parallel_loop3A_417 : i32 to index
        %parallel_loop3A_419 = arith.constant 32 : index
        %parallel_loop3A_420 = tpu.vector_load %arg7[%parallel_loop3A_418, %parallel_loop3A_419] {strides = array<i32>} : memref<400x64xf32, #tpu.memory_space<vmem>>, vector<1x16xf32>,
        %parallel_loop3A_421 = vector.shape_cast %parallel_loop3A_420 : vector<1x16xf32> to vector<16xf32>
        %parallel_loop3A_422 = arith.index_cast %parallel_loop3A_396 : i32 to index
        %parallel_loop3A_423 = arith.constant 32 : index
        %parallel_loop3A_424 = tpu.vector_load %arg11[%parallel_loop3A_422, %parallel_loop3A_423] {strides = array<i32>} : memref<128x64xf32, #tpu.memory_space<vmem>>, vector<1x16xf32>,
        %parallel_loop3A_425 = vector.shape_cast %parallel_loop3A_424 : vector<1x16xf32> to vector<16xf32>
        %parallel_loop3A_426 = vector.shape_cast %parallel_loop3A_421 : vector<16xf32> to vector<1x16xf32>
        tpu.vector_store %arg11[%parallel_loop3A_422, %parallel_loop3A_423], %parallel_loop3A_426 {add = true, strides = array<i32>} : memref<128x64xf32, #tpu.memory_space<vmem>>, vector<1x16xf32>,
        %parallel_loop3A_427 = arith.addi %rem3A_242, %parallel_loop3A_396 : i32
        %parallel_loop3A_428 = arith.index_cast %parallel_loop3A_427 : i32 to index
        %parallel_loop3A_429 = arith.constant 48 : index
        %parallel_loop3A_430 = tpu.vector_load %arg7[%parallel_loop3A_428, %parallel_loop3A_429] {strides = array<i32>} : memref<400x64xf32, #tpu.memory_space<vmem>>, vector<1x16xf32>,
        %parallel_loop3A_431 = vector.shape_cast %parallel_loop3A_430 : vector<1x16xf32> to vector<16xf32>
        %parallel_loop3A_432 = arith.index_cast %parallel_loop3A_396 : i32 to index
        %parallel_loop3A_433 = arith.constant 48 : index
        %parallel_loop3A_434 = tpu.vector_load %arg11[%parallel_loop3A_432, %parallel_loop3A_433] {strides = array<i32>} : memref<128x64xf32, #tpu.memory_space<vmem>>, vector<1x16xf32>,
        %parallel_loop3A_435 = vector.shape_cast %parallel_loop3A_434 : vector<1x16xf32> to vector<16xf32>
        %parallel_loop3A_436 = vector.shape_cast %parallel_loop3A_431 : vector<16xf32> to vector<1x16xf32>
        tpu.vector_store %arg11[%parallel_loop3A_432, %parallel_loop3A_433], %parallel_loop3A_436 {add = true, strides = array<i32>} : memref<128x64xf32, #tpu.memory_space<vmem>>, vector<1x16xf32>,
      } {sc.loop_unroll_factor = 8 : i64, sc.parallel_access}
      %add3A_246 = arith.addi %mul3A_2, %add3A_232 : i32
      %dma_start3A_247 = arith.constant 0 : i32
      %dma_start3A_248 = arith.constant 0 : i32
      %dma_start3A_249 = tpu.memref_slice %arg5[%add3A_246, %dma_start3A_247, %dma_start3A_248] : memref<6400x128x64xf32, #tpu.memory_space<hbm>> -> memref<1x128x64xf32, #tpu.memory_space<hbm>>
      %dma_start3A_250 = tpu.memref_squeeze %dma_start3A_249 : memref<1x128x64xf32, #tpu.memory_space<hbm>> -> memref<128x64xf32, #tpu.memory_space<hbm>>
      %dma_start3A_251 = arith.constant 0 : i32
      %dma_start3A_252 = arith.constant 0 : i32
      %dma_start3A_253 = tpu.memref_slice %arg5[%add3A_246, %dma_start3A_251, %dma_start3A_252] : memref<6400x128x64xf32, #tpu.memory_space<hbm>> -> memref<1x128x64xf32, #tpu.memory_space<hbm>>
      %dma_start3A_254 = tpu.memref_squeeze %dma_start3A_253 : memref<1x128x64xf32, #tpu.memory_space<hbm>> -> memref<128x64xf32, #tpu.memory_space<hbm>>
      tpu.enqueue_dma source(%arg11 : memref<128x64xf32, #tpu.memory_space<vmem>>) target(%dma_start3A_254 : memref<128x64xf32, #tpu.memory_space<hbm>>) target_semaphore(%arg27 : memref<!tpu.dma_semaphore, #tpu.memory_space<semaphore_mem>>)
      %add3A_255 = arith.constant 8 : i32
      %add3A_256 = arith.addi %add3A_232, %add3A_255 : i32
      %sub3A_257 = arith.constant 1 : i32
      %sub3A_258 = arith.subi %add3A_256, %sub3A_257 : i32
      %lt3A_259 = arith.constant 200 : i32
      %lt3A_260 = arith.cmpi slt, %sub3A_258, %lt3A_259 : i32
      %convert_element_type3A_261 = arith.extui %lt3A_260 : i1 to i32
      %cond3A_262 = arith.constant 0 : i32
      %cond3A_263 = arith.cmpi ne, %convert_element_type3A_261, %cond3A_262 : i32
      scf.if %cond3A_263 {
        %ge3A = arith.constant 1 : i32
        %ge3A_396 = arith.cmpi sge, %add3A_232, %ge3A : i32
        %convert_element_type3A_397 = arith.extui %ge3A_396 : i1 to i32
        %cond3A_398 = arith.constant 0 : i32
        %cond3A_399 = arith.cmpi ne, %convert_element_type3A_397, %cond3A_398 : i32
        scf.if %cond3A_399 {
          %add3A_410 = arith.addi %mul3A_2, %add3A_232 : i32
          %sub3A_411 = arith.constant 1 : i32
          %sub3A_412 = arith.subi %add3A_410, %sub3A_411 : i32
          %dma_wait3A_413 = arith.constant 0 : i32
          %dma_wait3A_414 = arith.constant 0 : i32
          %dma_wait3A_415 = tpu.memref_slice %arg5[%sub3A_412, %dma_wait3A_413, %dma_wait3A_414] : memref<6400x128x64xf32, #tpu.memory_space<hbm>> -> memref<1x128x64xf32, #tpu.memory_space<hbm>>
          %dma_wait3A_416 = tpu.memref_squeeze %dma_wait3A_415 : memref<1x128x64xf32, #tpu.memory_space<hbm>> -> memref<128x64xf32, #tpu.memory_space<hbm>>
          %dma_wait3A_417 = arith.constant 0 : i32
          %dma_wait3A_418 = arith.constant 0 : i32
          %dma_wait3A_419 = tpu.memref_slice %arg5[%sub3A_412, %dma_wait3A_417, %dma_wait3A_418] : memref<6400x128x64xf32, #tpu.memory_space<hbm>> -> memref<1x128x64xf32, #tpu.memory_space<hbm>>
          %dma_wait3A_420 = tpu.memref_squeeze %dma_wait3A_419 : memref<1x128x64xf32, #tpu.memory_space<hbm>> -> memref<128x64xf32, #tpu.memory_space<hbm>>
          tpu.wait_dma2 semaphore(%arg26 : memref<!tpu.dma_semaphore, #tpu.memory_space<semaphore_mem>>) src(%arg10 : memref<128x64xf32, #tpu.memory_space<vmem>>) dst(%dma_wait3A_420 : memref<128x64xf32, #tpu.memory_space<hbm>>)
        } else {
        }
        %add3A_400 = arith.constant 8 : i32
        %add3A_401 = arith.addi %add3A_232, %add3A_400 : i32
        %sub3A_402 = arith.constant 1 : i32
        %sub3A_403 = arith.subi %add3A_401, %sub3A_402 : i32
        %dma_start3A_404 = arith.constant 0 : i32
        %dma_start3A_405 = tpu.memref_slice %arg6[%sub3A_403, %dma_start3A_404] : memref<200x128xi32, #tpu.memory_space<vmem>> -> memref<1x128xi32, #tpu.memory_space<vmem>>
        %dma_start3A_406 = tpu.memref_squeeze %dma_start3A_405 : memref<1x128xi32, #tpu.memory_space<vmem>> -> memref<128xi32, #tpu.memory_space<vmem>>
        %dma_start3A_407 = arith.constant 0 : i32
        %dma_start3A_408 = arith.constant 0 : i32
        %dma_start3A_409 = tpu.memref_slice %arg3[%dma_start3A_407, %dma_start3A_408] : memref<100000x64xf32, #tpu.memory_space<hbm>> -> memref<100000x64xf32, #tpu.memory_space<hbm>>
        tpu.enqueue_indirect_dma source(%dma_start3A_409 : memref<100000x64xf32, #tpu.memory_space<hbm>>) target(%arg10 : memref<128x64xf32, #tpu.memory_space<vmem>>) offsets(%dma_start3A_406 : memref<128xi32, #tpu.memory_space<vmem>>) semaphore(%arg18 : memref<!tpu.dma_semaphore, #tpu.memory_space<semaphore_mem>>)
      } else {
      }
      %add3A_264 = arith.constant 4 : i32
      %add3A_265 = arith.addi %mul3A_137, %add3A_264 : i32
      %dma_wait3A_266 = arith.constant 0 : i32
      %dma_wait3A_267 = tpu.memref_slice %arg6[%add3A_265, %dma_wait3A_266] : memref<200x128xi32, #tpu.memory_space<vmem>> -> memref<1x128xi32, #tpu.memory_space<vmem>>
      %dma_wait3A_268 = tpu.memref_squeeze %dma_wait3A_267 : memref<1x128xi32, #tpu.memory_space<vmem>> -> memref<128xi32, #tpu.memory_space<vmem>>
      %dma_wait3A_269 = arith.constant 0 : i32
      %dma_wait3A_270 = arith.constant 0 : i32
      %dma_wait3A_271 = tpu.memref_slice %arg3[%dma_wait3A_269, %dma_wait3A_270] : memref<100000x64xf32, #tpu.memory_space<hbm>> -> memref<100000x64xf32, #tpu.memory_space<hbm>>
      tpu.wait_indirect_dma semaphore(%arg20 : memref<!tpu.dma_semaphore, #tpu.memory_space<semaphore_mem>>) src(%dma_wait3A_271 : memref<100000x64xf32, #tpu.memory_space<hbm>>) dst(%arg12 : memref<128x64xf32, #tpu.memory_space<vmem>>)
      %mul3A_272 = arith.constant 128 : i32
      %mul3A_273 = arith.muli %add3A_265, %mul3A_272 : i32
      %rem3A_274 = arith.constant 200 : i32
      %rem3A_275 = arith.remsi %mul3A_273, %rem3A_274 : i32
      %parallel_loop3A_276 = arith.constant 0 : i32
      %parallel_loop3A_277 = arith.constant 128 : i32
      %parallel_loop3A_278 = arith.constant 1 : i32
      scf.for %parallel_loop3A_396 = %parallel_loop3A_276 to %parallel_loop3A_277 step %parallel_loop3A_278  : i32 {
        %parallel_loop3A_397 = arith.addi %rem3A_275, %parallel_loop3A_396 : i32
        %parallel_loop3A_398 = arith.index_cast %parallel_loop3A_397 : i32 to index
        %parallel_loop3A_399 = arith.constant 0 : index
        %parallel_loop3A_400 = tpu.vector_load %arg7[%parallel_loop3A_398, %parallel_loop3A_399] {strides = array<i32>} : memref<400x64xf32, #tpu.memory_space<vmem>>, vector<1x16xf32>,
        %parallel_loop3A_401 = vector.shape_cast %parallel_loop3A_400 : vector<1x16xf32> to vector<16xf32>
        %parallel_loop3A_402 = arith.index_cast %parallel_loop3A_396 : i32 to index
        %parallel_loop3A_403 = arith.constant 0 : index
        %parallel_loop3A_404 = tpu.vector_load %arg12[%parallel_loop3A_402, %parallel_loop3A_403] {strides = array<i32>} : memref<128x64xf32, #tpu.memory_space<vmem>>, vector<1x16xf32>,
        %parallel_loop3A_405 = vector.shape_cast %parallel_loop3A_404 : vector<1x16xf32> to vector<16xf32>
        %parallel_loop3A_406 = vector.shape_cast %parallel_loop3A_401 : vector<16xf32> to vector<1x16xf32>
        tpu.vector_store %arg12[%parallel_loop3A_402, %parallel_loop3A_403], %parallel_loop3A_406 {add = true, strides = array<i32>} : memref<128x64xf32, #tpu.memory_space<vmem>>, vector<1x16xf32>,
        %parallel_loop3A_407 = arith.addi %rem3A_275, %parallel_loop3A_396 : i32
        %parallel_loop3A_408 = arith.index_cast %parallel_loop3A_407 : i32 to index
        %parallel_loop3A_409 = arith.constant 16 : index
        %parallel_loop3A_410 = tpu.vector_load %arg7[%parallel_loop3A_408, %parallel_loop3A_409] {strides = array<i32>} : memref<400x64xf32, #tpu.memory_space<vmem>>, vector<1x16xf32>,
        %parallel_loop3A_411 = vector.shape_cast %parallel_loop3A_410 : vector<1x16xf32> to vector<16xf32>
        %parallel_loop3A_412 = arith.index_cast %parallel_loop3A_396 : i32 to index
        %parallel_loop3A_413 = arith.constant 16 : index
        %parallel_loop3A_414 = tpu.vector_load %arg12[%parallel_loop3A_412, %parallel_loop3A_413] {strides = array<i32>} : memref<128x64xf32, #tpu.memory_space<vmem>>, vector<1x16xf32>,
        %parallel_loop3A_415 = vector.shape_cast %parallel_loop3A_414 : vector<1x16xf32> to vector<16xf32>
        %parallel_loop3A_416 = vector.shape_cast %parallel_loop3A_411 : vector<16xf32> to vector<1x16xf32>
        tpu.vector_store %arg12[%parallel_loop3A_412, %parallel_loop3A_413], %parallel_loop3A_416 {add = true, strides = array<i32>} : memref<128x64xf32, #tpu.memory_space<vmem>>, vector<1x16xf32>,
        %parallel_loop3A_417 = arith.addi %rem3A_275, %parallel_loop3A_396 : i32
        %parallel_loop3A_418 = arith.index_cast %parallel_loop3A_417 : i32 to index
        %parallel_loop3A_419 = arith.constant 32 : index
        %parallel_loop3A_420 = tpu.vector_load %arg7[%parallel_loop3A_418, %parallel_loop3A_419] {strides = array<i32>} : memref<400x64xf32, #tpu.memory_space<vmem>>, vector<1x16xf32>,
        %parallel_loop3A_421 = vector.shape_cast %parallel_loop3A_420 : vector<1x16xf32> to vector<16xf32>
        %parallel_loop3A_422 = arith.index_cast %parallel_loop3A_396 : i32 to index
        %parallel_loop3A_423 = arith.constant 32 : index
        %parallel_loop3A_424 = tpu.vector_load %arg12[%parallel_loop3A_422, %parallel_loop3A_423] {strides = array<i32>} : memref<128x64xf32, #tpu.memory_space<vmem>>, vector<1x16xf32>,
        %parallel_loop3A_425 = vector.shape_cast %parallel_loop3A_424 : vector<1x16xf32> to vector<16xf32>
        %parallel_loop3A_426 = vector.shape_cast %parallel_loop3A_421 : vector<16xf32> to vector<1x16xf32>
        tpu.vector_store %arg12[%parallel_loop3A_422, %parallel_loop3A_423], %parallel_loop3A_426 {add = true, strides = array<i32>} : memref<128x64xf32, #tpu.memory_space<vmem>>, vector<1x16xf32>,
        %parallel_loop3A_427 = arith.addi %rem3A_275, %parallel_loop3A_396 : i32
        %parallel_loop3A_428 = arith.index_cast %parallel_loop3A_427 : i32 to index
        %parallel_loop3A_429 = arith.constant 48 : index
        %parallel_loop3A_430 = tpu.vector_load %arg7[%parallel_loop3A_428, %parallel_loop3A_429] {strides = array<i32>} : memref<400x64xf32, #tpu.memory_space<vmem>>, vector<1x16xf32>,
        %parallel_loop3A_431 = vector.shape_cast %parallel_loop3A_430 : vector<1x16xf32> to vector<16xf32>
        %parallel_loop3A_432 = arith.index_cast %parallel_loop3A_396 : i32 to index
        %parallel_loop3A_433 = arith.constant 48 : index
        %parallel_loop3A_434 = tpu.vector_load %arg12[%parallel_loop3A_432, %parallel_loop3A_433] {strides = array<i32>} : memref<128x64xf32, #tpu.memory_space<vmem>>, vector<1x16xf32>,
        %parallel_loop3A_435 = vector.shape_cast %parallel_loop3A_434 : vector<1x16xf32> to vector<16xf32>
        %parallel_loop3A_436 = vector.shape_cast %parallel_loop3A_431 : vector<16xf32> to vector<1x16xf32>
        tpu.vector_store %arg12[%parallel_loop3A_432, %parallel_loop3A_433], %parallel_loop3A_436 {add = true, strides = array<i32>} : memref<128x64xf32, #tpu.memory_space<vmem>>, vector<1x16xf32>,
      } {sc.loop_unroll_factor = 8 : i64, sc.parallel_access}
      %add3A_279 = arith.addi %mul3A_2, %add3A_265 : i32
      %dma_start3A_280 = arith.constant 0 : i32
      %dma_start3A_281 = arith.constant 0 : i32
      %dma_start3A_282 = tpu.memref_slice %arg5[%add3A_279, %dma_start3A_280, %dma_start3A_281] : memref<6400x128x64xf32, #tpu.memory_space<hbm>> -> memref<1x128x64xf32, #tpu.memory_space<hbm>>
      %dma_start3A_283 = tpu.memref_squeeze %dma_start3A_282 : memref<1x128x64xf32, #tpu.memory_space<hbm>> -> memref<128x64xf32, #tpu.memory_space<hbm>>
      %dma_start3A_284 = arith.constant 0 : i32
      %dma_start3A_285 = arith.constant 0 : i32
      %dma_start3A_286 = tpu.memref_slice %arg5[%add3A_279, %dma_start3A_284, %dma_start3A_285] : memref<6400x128x64xf32, #tpu.memory_space<hbm>> -> memref<1x128x64xf32, #tpu.memory_space<hbm>>
      %dma_start3A_287 = tpu.memref_squeeze %dma_start3A_286 : memref<1x128x64xf32, #tpu.memory_space<hbm>> -> memref<128x64xf32, #tpu.memory_space<hbm>>
      tpu.enqueue_dma source(%arg12 : memref<128x64xf32, #tpu.memory_space<vmem>>) target(%dma_start3A_287 : memref<128x64xf32, #tpu.memory_space<hbm>>) target_semaphore(%arg28 : memref<!tpu.dma_semaphore, #tpu.memory_space<semaphore_mem>>)
      %add3A_288 = arith.constant 8 : i32
      %add3A_289 = arith.addi %add3A_265, %add3A_288 : i32
      %sub3A_290 = arith.constant 1 : i32
      %sub3A_291 = arith.subi %add3A_289, %sub3A_290 : i32
      %lt3A_292 = arith.constant 200 : i32
      %lt3A_293 = arith.cmpi slt, %sub3A_291, %lt3A_292 : i32
      %convert_element_type3A_294 = arith.extui %lt3A_293 : i1 to i32
      %cond3A_295 = arith.constant 0 : i32
      %cond3A_296 = arith.cmpi ne, %convert_element_type3A_294, %cond3A_295 : i32
      scf.if %cond3A_296 {
        %ge3A = arith.constant 1 : i32
        %ge3A_396 = arith.cmpi sge, %add3A_265, %ge3A : i32
        %convert_element_type3A_397 = arith.extui %ge3A_396 : i1 to i32
        %cond3A_398 = arith.constant 0 : i32
        %cond3A_399 = arith.cmpi ne, %convert_element_type3A_397, %cond3A_398 : i32
        scf.if %cond3A_399 {
          %add3A_410 = arith.addi %mul3A_2, %add3A_265 : i32
          %sub3A_411 = arith.constant 1 : i32
          %sub3A_412 = arith.subi %add3A_410, %sub3A_411 : i32
          %dma_wait3A_413 = arith.constant 0 : i32
          %dma_wait3A_414 = arith.constant 0 : i32
          %dma_wait3A_415 = tpu.memref_slice %arg5[%sub3A_412, %dma_wait3A_413, %dma_wait3A_414] : memref<6400x128x64xf32, #tpu.memory_space<hbm>> -> memref<1x128x64xf32, #tpu.memory_space<hbm>>
          %dma_wait3A_416 = tpu.memref_squeeze %dma_wait3A_415 : memref<1x128x64xf32, #tpu.memory_space<hbm>> -> memref<128x64xf32, #tpu.memory_space<hbm>>
          %dma_wait3A_417 = arith.constant 0 : i32
          %dma_wait3A_418 = arith.constant 0 : i32
          %dma_wait3A_419 = tpu.memref_slice %arg5[%sub3A_412, %dma_wait3A_417, %dma_wait3A_418] : memref<6400x128x64xf32, #tpu.memory_space<hbm>> -> memref<1x128x64xf32, #tpu.memory_space<hbm>>
          %dma_wait3A_420 = tpu.memref_squeeze %dma_wait3A_419 : memref<1x128x64xf32, #tpu.memory_space<hbm>> -> memref<128x64xf32, #tpu.memory_space<hbm>>
          tpu.wait_dma2 semaphore(%arg27 : memref<!tpu.dma_semaphore, #tpu.memory_space<semaphore_mem>>) src(%arg11 : memref<128x64xf32, #tpu.memory_space<vmem>>) dst(%dma_wait3A_420 : memref<128x64xf32, #tpu.memory_space<hbm>>)
        } else {
        }
        %add3A_400 = arith.constant 8 : i32
        %add3A_401 = arith.addi %add3A_265, %add3A_400 : i32
        %sub3A_402 = arith.constant 1 : i32
        %sub3A_403 = arith.subi %add3A_401, %sub3A_402 : i32
        %dma_start3A_404 = arith.constant 0 : i32
        %dma_start3A_405 = tpu.memref_slice %arg6[%sub3A_403, %dma_start3A_404] : memref<200x128xi32, #tpu.memory_space<vmem>> -> memref<1x128xi32, #tpu.memory_space<vmem>>
        %dma_start3A_406 = tpu.memref_squeeze %dma_start3A_405 : memref<1x128xi32, #tpu.memory_space<vmem>> -> memref<128xi32, #tpu.memory_space<vmem>>
        %dma_start3A_407 = arith.constant 0 : i32
        %dma_start3A_408 = arith.constant 0 : i32
        %dma_start3A_409 = tpu.memref_slice %arg3[%dma_start3A_407, %dma_start3A_408] : memref<100000x64xf32, #tpu.memory_space<hbm>> -> memref<100000x64xf32, #tpu.memory_space<hbm>>
        tpu.enqueue_indirect_dma source(%dma_start3A_409 : memref<100000x64xf32, #tpu.memory_space<hbm>>) target(%arg11 : memref<128x64xf32, #tpu.memory_space<vmem>>) offsets(%dma_start3A_406 : memref<128xi32, #tpu.memory_space<vmem>>) semaphore(%arg19 : memref<!tpu.dma_semaphore, #tpu.memory_space<semaphore_mem>>)
      } else {
      }
      %add3A_297 = arith.constant 5 : i32
      %add3A_298 = arith.addi %mul3A_137, %add3A_297 : i32
      %dma_wait3A_299 = arith.constant 0 : i32
      %dma_wait3A_300 = tpu.memref_slice %arg6[%add3A_298, %dma_wait3A_299] : memref<200x128xi32, #tpu.memory_space<vmem>> -> memref<1x128xi32, #tpu.memory_space<vmem>>
      %dma_wait3A_301 = tpu.memref_squeeze %dma_wait3A_300 : memref<1x128xi32, #tpu.memory_space<vmem>> -> memref<128xi32, #tpu.memory_space<vmem>>
      %dma_wait3A_302 = arith.constant 0 : i32
      %dma_wait3A_303 = arith.constant 0 : i32
      %dma_wait3A_304 = tpu.memref_slice %arg3[%dma_wait3A_302, %dma_wait3A_303] : memref<100000x64xf32, #tpu.memory_space<hbm>> -> memref<100000x64xf32, #tpu.memory_space<hbm>>
      tpu.wait_indirect_dma semaphore(%arg21 : memref<!tpu.dma_semaphore, #tpu.memory_space<semaphore_mem>>) src(%dma_wait3A_304 : memref<100000x64xf32, #tpu.memory_space<hbm>>) dst(%arg13 : memref<128x64xf32, #tpu.memory_space<vmem>>)
      %mul3A_305 = arith.constant 128 : i32
      %mul3A_306 = arith.muli %add3A_298, %mul3A_305 : i32
      %rem3A_307 = arith.constant 200 : i32
      %rem3A_308 = arith.remsi %mul3A_306, %rem3A_307 : i32
      %parallel_loop3A_309 = arith.constant 0 : i32
      %parallel_loop3A_310 = arith.constant 128 : i32
      %parallel_loop3A_311 = arith.constant 1 : i32
      scf.for %parallel_loop3A_396 = %parallel_loop3A_309 to %parallel_loop3A_310 step %parallel_loop3A_311  : i32 {
        %parallel_loop3A_397 = arith.addi %rem3A_308, %parallel_loop3A_396 : i32
        %parallel_loop3A_398 = arith.index_cast %parallel_loop3A_397 : i32 to index
        %parallel_loop3A_399 = arith.constant 0 : index
        %parallel_loop3A_400 = tpu.vector_load %arg7[%parallel_loop3A_398, %parallel_loop3A_399] {strides = array<i32>} : memref<400x64xf32, #tpu.memory_space<vmem>>, vector<1x16xf32>,
        %parallel_loop3A_401 = vector.shape_cast %parallel_loop3A_400 : vector<1x16xf32> to vector<16xf32>
        %parallel_loop3A_402 = arith.index_cast %parallel_loop3A_396 : i32 to index
        %parallel_loop3A_403 = arith.constant 0 : index
        %parallel_loop3A_404 = tpu.vector_load %arg13[%parallel_loop3A_402, %parallel_loop3A_403] {strides = array<i32>} : memref<128x64xf32, #tpu.memory_space<vmem>>, vector<1x16xf32>,
        %parallel_loop3A_405 = vector.shape_cast %parallel_loop3A_404 : vector<1x16xf32> to vector<16xf32>
        %parallel_loop3A_406 = vector.shape_cast %parallel_loop3A_401 : vector<16xf32> to vector<1x16xf32>
        tpu.vector_store %arg13[%parallel_loop3A_402, %parallel_loop3A_403], %parallel_loop3A_406 {add = true, strides = array<i32>} : memref<128x64xf32, #tpu.memory_space<vmem>>, vector<1x16xf32>,
        %parallel_loop3A_407 = arith.addi %rem3A_308, %parallel_loop3A_396 : i32
        %parallel_loop3A_408 = arith.index_cast %parallel_loop3A_407 : i32 to index
        %parallel_loop3A_409 = arith.constant 16 : index
        %parallel_loop3A_410 = tpu.vector_load %arg7[%parallel_loop3A_408, %parallel_loop3A_409] {strides = array<i32>} : memref<400x64xf32, #tpu.memory_space<vmem>>, vector<1x16xf32>,
        %parallel_loop3A_411 = vector.shape_cast %parallel_loop3A_410 : vector<1x16xf32> to vector<16xf32>
        %parallel_loop3A_412 = arith.index_cast %parallel_loop3A_396 : i32 to index
        %parallel_loop3A_413 = arith.constant 16 : index
        %parallel_loop3A_414 = tpu.vector_load %arg13[%parallel_loop3A_412, %parallel_loop3A_413] {strides = array<i32>} : memref<128x64xf32, #tpu.memory_space<vmem>>, vector<1x16xf32>,
        %parallel_loop3A_415 = vector.shape_cast %parallel_loop3A_414 : vector<1x16xf32> to vector<16xf32>
        %parallel_loop3A_416 = vector.shape_cast %parallel_loop3A_411 : vector<16xf32> to vector<1x16xf32>
        tpu.vector_store %arg13[%parallel_loop3A_412, %parallel_loop3A_413], %parallel_loop3A_416 {add = true, strides = array<i32>} : memref<128x64xf32, #tpu.memory_space<vmem>>, vector<1x16xf32>,
        %parallel_loop3A_417 = arith.addi %rem3A_308, %parallel_loop3A_396 : i32
        %parallel_loop3A_418 = arith.index_cast %parallel_loop3A_417 : i32 to index
        %parallel_loop3A_419 = arith.constant 32 : index
        %parallel_loop3A_420 = tpu.vector_load %arg7[%parallel_loop3A_418, %parallel_loop3A_419] {strides = array<i32>} : memref<400x64xf32, #tpu.memory_space<vmem>>, vector<1x16xf32>,
        %parallel_loop3A_421 = vector.shape_cast %parallel_loop3A_420 : vector<1x16xf32> to vector<16xf32>
        %parallel_loop3A_422 = arith.index_cast %parallel_loop3A_396 : i32 to index
        %parallel_loop3A_423 = arith.constant 32 : index
        %parallel_loop3A_424 = tpu.vector_load %arg13[%parallel_loop3A_422, %parallel_loop3A_423] {strides = array<i32>} : memref<128x64xf32, #tpu.memory_space<vmem>>, vector<1x16xf32>,
        %parallel_loop3A_425 = vector.shape_cast %parallel_loop3A_424 : vector<1x16xf32> to vector<16xf32>
        %parallel_loop3A_426 = vector.shape_cast %parallel_loop3A_421 : vector<16xf32> to vector<1x16xf32>
        tpu.vector_store %arg13[%parallel_loop3A_422, %parallel_loop3A_423], %parallel_loop3A_426 {add = true, strides = array<i32>} : memref<128x64xf32, #tpu.memory_space<vmem>>, vector<1x16xf32>,
        %parallel_loop3A_427 = arith.addi %rem3A_308, %parallel_loop3A_396 : i32
        %parallel_loop3A_428 = arith.index_cast %parallel_loop3A_427 : i32 to index
        %parallel_loop3A_429 = arith.constant 48 : index
        %parallel_loop3A_430 = tpu.vector_load %arg7[%parallel_loop3A_428, %parallel_loop3A_429] {strides = array<i32>} : memref<400x64xf32, #tpu.memory_space<vmem>>, vector<1x16xf32>,
        %parallel_loop3A_431 = vector.shape_cast %parallel_loop3A_430 : vector<1x16xf32> to vector<16xf32>
        %parallel_loop3A_432 = arith.index_cast %parallel_loop3A_396 : i32 to index
        %parallel_loop3A_433 = arith.constant 48 : index
        %parallel_loop3A_434 = tpu.vector_load %arg13[%parallel_loop3A_432, %parallel_loop3A_433] {strides = array<i32>} : memref<128x64xf32, #tpu.memory_space<vmem>>, vector<1x16xf32>,
        %parallel_loop3A_435 = vector.shape_cast %parallel_loop3A_434 : vector<1x16xf32> to vector<16xf32>
        %parallel_loop3A_436 = vector.shape_cast %parallel_loop3A_431 : vector<16xf32> to vector<1x16xf32>
        tpu.vector_store %arg13[%parallel_loop3A_432, %parallel_loop3A_433], %parallel_loop3A_436 {add = true, strides = array<i32>} : memref<128x64xf32, #tpu.memory_space<vmem>>, vector<1x16xf32>,
      } {sc.loop_unroll_factor = 8 : i64, sc.parallel_access}
      %add3A_312 = arith.addi %mul3A_2, %add3A_298 : i32
      %dma_start3A_313 = arith.constant 0 : i32
      %dma_start3A_314 = arith.constant 0 : i32
      %dma_start3A_315 = tpu.memref_slice %arg5[%add3A_312, %dma_start3A_313, %dma_start3A_314] : memref<6400x128x64xf32, #tpu.memory_space<hbm>> -> memref<1x128x64xf32, #tpu.memory_space<hbm>>
      %dma_start3A_316 = tpu.memref_squeeze %dma_start3A_315 : memref<1x128x64xf32, #tpu.memory_space<hbm>> -> memref<128x64xf32, #tpu.memory_space<hbm>>
      %dma_start3A_317 = arith.constant 0 : i32
      %dma_start3A_318 = arith.constant 0 : i32
      %dma_start3A_319 = tpu.memref_slice %arg5[%add3A_312, %dma_start3A_317, %dma_start3A_318] : memref<6400x128x64xf32, #tpu.memory_space<hbm>> -> memref<1x128x64xf32, #tpu.memory_space<hbm>>
      %dma_start3A_320 = tpu.memref_squeeze %dma_start3A_319 : memref<1x128x64xf32, #tpu.memory_space<hbm>> -> memref<128x64xf32, #tpu.memory_space<hbm>>
      tpu.enqueue_dma source(%arg13 : memref<128x64xf32, #tpu.memory_space<vmem>>) target(%dma_start3A_320 : memref<128x64xf32, #tpu.memory_space<hbm>>) target_semaphore(%arg29 : memref<!tpu.dma_semaphore, #tpu.memory_space<semaphore_mem>>)
      %add3A_321 = arith.constant 8 : i32
      %add3A_322 = arith.addi %add3A_298, %add3A_321 : i32
      %sub3A_323 = arith.constant 1 : i32
      %sub3A_324 = arith.subi %add3A_322, %sub3A_323 : i32
      %lt3A_325 = arith.constant 200 : i32
      %lt3A_326 = arith.cmpi slt, %sub3A_324, %lt3A_325 : i32
      %convert_element_type3A_327 = arith.extui %lt3A_326 : i1 to i32
      %cond3A_328 = arith.constant 0 : i32
      %cond3A_329 = arith.cmpi ne, %convert_element_type3A_327, %cond3A_328 : i32
      scf.if %cond3A_329 {
        %ge3A = arith.constant 1 : i32
        %ge3A_396 = arith.cmpi sge, %add3A_298, %ge3A : i32
        %convert_element_type3A_397 = arith.extui %ge3A_396 : i1 to i32
        %cond3A_398 = arith.constant 0 : i32
        %cond3A_399 = arith.cmpi ne, %convert_element_type3A_397, %cond3A_398 : i32
        scf.if %cond3A_399 {
          %add3A_410 = arith.addi %mul3A_2, %add3A_298 : i32
          %sub3A_411 = arith.constant 1 : i32
          %sub3A_412 = arith.subi %add3A_410, %sub3A_411 : i32
          %dma_wait3A_413 = arith.constant 0 : i32
          %dma_wait3A_414 = arith.constant 0 : i32
          %dma_wait3A_415 = tpu.memref_slice %arg5[%sub3A_412, %dma_wait3A_413, %dma_wait3A_414] : memref<6400x128x64xf32, #tpu.memory_space<hbm>> -> memref<1x128x64xf32, #tpu.memory_space<hbm>>
          %dma_wait3A_416 = tpu.memref_squeeze %dma_wait3A_415 : memref<1x128x64xf32, #tpu.memory_space<hbm>> -> memref<128x64xf32, #tpu.memory_space<hbm>>
          %dma_wait3A_417 = arith.constant 0 : i32
          %dma_wait3A_418 = arith.constant 0 : i32
          %dma_wait3A_419 = tpu.memref_slice %arg5[%sub3A_412, %dma_wait3A_417, %dma_wait3A_418] : memref<6400x128x64xf32, #tpu.memory_space<hbm>> -> memref<1x128x64xf32, #tpu.memory_space<hbm>>
          %dma_wait3A_420 = tpu.memref_squeeze %dma_wait3A_419 : memref<1x128x64xf32, #tpu.memory_space<hbm>> -> memref<128x64xf32, #tpu.memory_space<hbm>>
          tpu.wait_dma2 semaphore(%arg28 : memref<!tpu.dma_semaphore, #tpu.memory_space<semaphore_mem>>) src(%arg12 : memref<128x64xf32, #tpu.memory_space<vmem>>) dst(%dma_wait3A_420 : memref<128x64xf32, #tpu.memory_space<hbm>>)
        } else {
        }
        %add3A_400 = arith.constant 8 : i32
        %add3A_401 = arith.addi %add3A_298, %add3A_400 : i32
        %sub3A_402 = arith.constant 1 : i32
        %sub3A_403 = arith.subi %add3A_401, %sub3A_402 : i32
        %dma_start3A_404 = arith.constant 0 : i32
        %dma_start3A_405 = tpu.memref_slice %arg6[%sub3A_403, %dma_start3A_404] : memref<200x128xi32, #tpu.memory_space<vmem>> -> memref<1x128xi32, #tpu.memory_space<vmem>>
        %dma_start3A_406 = tpu.memref_squeeze %dma_start3A_405 : memref<1x128xi32, #tpu.memory_space<vmem>> -> memref<128xi32, #tpu.memory_space<vmem>>
        %dma_start3A_407 = arith.constant 0 : i32
        %dma_start3A_408 = arith.constant 0 : i32
        %dma_start3A_409 = tpu.memref_slice %arg3[%dma_start3A_407, %dma_start3A_408] : memref<100000x64xf32, #tpu.memory_space<hbm>> -> memref<100000x64xf32, #tpu.memory_space<hbm>>
        tpu.enqueue_indirect_dma source(%dma_start3A_409 : memref<100000x64xf32, #tpu.memory_space<hbm>>) target(%arg12 : memref<128x64xf32, #tpu.memory_space<vmem>>) offsets(%dma_start3A_406 : memref<128xi32, #tpu.memory_space<vmem>>) semaphore(%arg20 : memref<!tpu.dma_semaphore, #tpu.memory_space<semaphore_mem>>)
      } else {
      }
      %add3A_330 = arith.constant 6 : i32
      %add3A_331 = arith.addi %mul3A_137, %add3A_330 : i32
      %dma_wait3A_332 = arith.constant 0 : i32
      %dma_wait3A_333 = tpu.memref_slice %arg6[%add3A_331, %dma_wait3A_332] : memref<200x128xi32, #tpu.memory_space<vmem>> -> memref<1x128xi32, #tpu.memory_space<vmem>>
      %dma_wait3A_334 = tpu.memref_squeeze %dma_wait3A_333 : memref<1x128xi32, #tpu.memory_space<vmem>> -> memref<128xi32, #tpu.memory_space<vmem>>
      %dma_wait3A_335 = arith.constant 0 : i32
      %dma_wait3A_336 = arith.constant 0 : i32
      %dma_wait3A_337 = tpu.memref_slice %arg3[%dma_wait3A_335, %dma_wait3A_336] : memref<100000x64xf32, #tpu.memory_space<hbm>> -> memref<100000x64xf32, #tpu.memory_space<hbm>>
      tpu.wait_indirect_dma semaphore(%arg22 : memref<!tpu.dma_semaphore, #tpu.memory_space<semaphore_mem>>) src(%dma_wait3A_337 : memref<100000x64xf32, #tpu.memory_space<hbm>>) dst(%arg14 : memref<128x64xf32, #tpu.memory_space<vmem>>)
      %mul3A_338 = arith.constant 128 : i32
      %mul3A_339 = arith.muli %add3A_331, %mul3A_338 : i32
      %rem3A_340 = arith.constant 200 : i32
      %rem3A_341 = arith.remsi %mul3A_339, %rem3A_340 : i32
      %parallel_loop3A_342 = arith.constant 0 : i32
      %parallel_loop3A_343 = arith.constant 128 : i32
      %parallel_loop3A_344 = arith.constant 1 : i32
      scf.for %parallel_loop3A_396 = %parallel_loop3A_342 to %parallel_loop3A_343 step %parallel_loop3A_344  : i32 {
        %parallel_loop3A_397 = arith.addi %rem3A_341, %parallel_loop3A_396 : i32
        %parallel_loop3A_398 = arith.index_cast %parallel_loop3A_397 : i32 to index
        %parallel_loop3A_399 = arith.constant 0 : index
        %parallel_loop3A_400 = tpu.vector_load %arg7[%parallel_loop3A_398, %parallel_loop3A_399] {strides = array<i32>} : memref<400x64xf32, #tpu.memory_space<vmem>>, vector<1x16xf32>,
        %parallel_loop3A_401 = vector.shape_cast %parallel_loop3A_400 : vector<1x16xf32> to vector<16xf32>
        %parallel_loop3A_402 = arith.index_cast %parallel_loop3A_396 : i32 to index
        %parallel_loop3A_403 = arith.constant 0 : index
        %parallel_loop3A_404 = tpu.vector_load %arg14[%parallel_loop3A_402, %parallel_loop3A_403] {strides = array<i32>} : memref<128x64xf32, #tpu.memory_space<vmem>>, vector<1x16xf32>,
        %parallel_loop3A_405 = vector.shape_cast %parallel_loop3A_404 : vector<1x16xf32> to vector<16xf32>
        %parallel_loop3A_406 = vector.shape_cast %parallel_loop3A_401 : vector<16xf32> to vector<1x16xf32>
        tpu.vector_store %arg14[%parallel_loop3A_402, %parallel_loop3A_403], %parallel_loop3A_406 {add = true, strides = array<i32>} : memref<128x64xf32, #tpu.memory_space<vmem>>, vector<1x16xf32>,
        %parallel_loop3A_407 = arith.addi %rem3A_341, %parallel_loop3A_396 : i32
        %parallel_loop3A_408 = arith.index_cast %parallel_loop3A_407 : i32 to index
        %parallel_loop3A_409 = arith.constant 16 : index
        %parallel_loop3A_410 = tpu.vector_load %arg7[%parallel_loop3A_408, %parallel_loop3A_409] {strides = array<i32>} : memref<400x64xf32, #tpu.memory_space<vmem>>, vector<1x16xf32>,
        %parallel_loop3A_411 = vector.shape_cast %parallel_loop3A_410 : vector<1x16xf32> to vector<16xf32>
        %parallel_loop3A_412 = arith.index_cast %parallel_loop3A_396 : i32 to index
        %parallel_loop3A_413 = arith.constant 16 : index
        %parallel_loop3A_414 = tpu.vector_load %arg14[%parallel_loop3A_412, %parallel_loop3A_413] {strides = array<i32>} : memref<128x64xf32, #tpu.memory_space<vmem>>, vector<1x16xf32>,
        %parallel_loop3A_415 = vector.shape_cast %parallel_loop3A_414 : vector<1x16xf32> to vector<16xf32>
        %parallel_loop3A_416 = vector.shape_cast %parallel_loop3A_411 : vector<16xf32> to vector<1x16xf32>
        tpu.vector_store %arg14[%parallel_loop3A_412, %parallel_loop3A_413], %parallel_loop3A_416 {add = true, strides = array<i32>} : memref<128x64xf32, #tpu.memory_space<vmem>>, vector<1x16xf32>,
        %parallel_loop3A_417 = arith.addi %rem3A_341, %parallel_loop3A_396 : i32
        %parallel_loop3A_418 = arith.index_cast %parallel_loop3A_417 : i32 to index
        %parallel_loop3A_419 = arith.constant 32 : index
        %parallel_loop3A_420 = tpu.vector_load %arg7[%parallel_loop3A_418, %parallel_loop3A_419] {strides = array<i32>} : memref<400x64xf32, #tpu.memory_space<vmem>>, vector<1x16xf32>,
        %parallel_loop3A_421 = vector.shape_cast %parallel_loop3A_420 : vector<1x16xf32> to vector<16xf32>
        %parallel_loop3A_422 = arith.index_cast %parallel_loop3A_396 : i32 to index
        %parallel_loop3A_423 = arith.constant 32 : index
        %parallel_loop3A_424 = tpu.vector_load %arg14[%parallel_loop3A_422, %parallel_loop3A_423] {strides = array<i32>} : memref<128x64xf32, #tpu.memory_space<vmem>>, vector<1x16xf32>,
        %parallel_loop3A_425 = vector.shape_cast %parallel_loop3A_424 : vector<1x16xf32> to vector<16xf32>
        %parallel_loop3A_426 = vector.shape_cast %parallel_loop3A_421 : vector<16xf32> to vector<1x16xf32>
        tpu.vector_store %arg14[%parallel_loop3A_422, %parallel_loop3A_423], %parallel_loop3A_426 {add = true, strides = array<i32>} : memref<128x64xf32, #tpu.memory_space<vmem>>, vector<1x16xf32>,
        %parallel_loop3A_427 = arith.addi %rem3A_341, %parallel_loop3A_396 : i32
        %parallel_loop3A_428 = arith.index_cast %parallel_loop3A_427 : i32 to index
        %parallel_loop3A_429 = arith.constant 48 : index
        %parallel_loop3A_430 = tpu.vector_load %arg7[%parallel_loop3A_428, %parallel_loop3A_429] {strides = array<i32>} : memref<400x64xf32, #tpu.memory_space<vmem>>, vector<1x16xf32>,
        %parallel_loop3A_431 = vector.shape_cast %parallel_loop3A_430 : vector<1x16xf32> to vector<16xf32>
        %parallel_loop3A_432 = arith.index_cast %parallel_loop3A_396 : i32 to index
        %parallel_loop3A_433 = arith.constant 48 : index
        %parallel_loop3A_434 = tpu.vector_load %arg14[%parallel_loop3A_432, %parallel_loop3A_433] {strides = array<i32>} : memref<128x64xf32, #tpu.memory_space<vmem>>, vector<1x16xf32>,
        %parallel_loop3A_435 = vector.shape_cast %parallel_loop3A_434 : vector<1x16xf32> to vector<16xf32>
        %parallel_loop3A_436 = vector.shape_cast %parallel_loop3A_431 : vector<16xf32> to vector<1x16xf32>
        tpu.vector_store %arg14[%parallel_loop3A_432, %parallel_loop3A_433], %parallel_loop3A_436 {add = true, strides = array<i32>} : memref<128x64xf32, #tpu.memory_space<vmem>>, vector<1x16xf32>,
      } {sc.loop_unroll_factor = 8 : i64, sc.parallel_access}
      %add3A_345 = arith.addi %mul3A_2, %add3A_331 : i32
      %dma_start3A_346 = arith.constant 0 : i32
      %dma_start3A_347 = arith.constant 0 : i32
      %dma_start3A_348 = tpu.memref_slice %arg5[%add3A_345, %dma_start3A_346, %dma_start3A_347] : memref<6400x128x64xf32, #tpu.memory_space<hbm>> -> memref<1x128x64xf32, #tpu.memory_space<hbm>>
      %dma_start3A_349 = tpu.memref_squeeze %dma_start3A_348 : memref<1x128x64xf32, #tpu.memory_space<hbm>> -> memref<128x64xf32, #tpu.memory_space<hbm>>
      %dma_start3A_350 = arith.constant 0 : i32
      %dma_start3A_351 = arith.constant 0 : i32
      %dma_start3A_352 = tpu.memref_slice %arg5[%add3A_345, %dma_start3A_350, %dma_start3A_351] : memref<6400x128x64xf32, #tpu.memory_space<hbm>> -> memref<1x128x64xf32, #tpu.memory_space<hbm>>
      %dma_start3A_353 = tpu.memref_squeeze %dma_start3A_352 : memref<1x128x64xf32, #tpu.memory_space<hbm>> -> memref<128x64xf32, #tpu.memory_space<hbm>>
      tpu.enqueue_dma source(%arg14 : memref<128x64xf32, #tpu.memory_space<vmem>>) target(%dma_start3A_353 : memref<128x64xf32, #tpu.memory_space<hbm>>) target_semaphore(%arg30 : memref<!tpu.dma_semaphore, #tpu.memory_space<semaphore_mem>>)
      %add3A_354 = arith.constant 8 : i32
      %add3A_355 = arith.addi %add3A_331, %add3A_354 : i32
      %sub3A_356 = arith.constant 1 : i32
      %sub3A_357 = arith.subi %add3A_355, %sub3A_356 : i32
      %lt3A_358 = arith.constant 200 : i32
      %lt3A_359 = arith.cmpi slt, %sub3A_357, %lt3A_358 : i32
      %convert_element_type3A_360 = arith.extui %lt3A_359 : i1 to i32
      %cond3A_361 = arith.constant 0 : i32
      %cond3A_362 = arith.cmpi ne, %convert_element_type3A_360, %cond3A_361 : i32
      scf.if %cond3A_362 {
        %ge3A = arith.constant 1 : i32
        %ge3A_396 = arith.cmpi sge, %add3A_331, %ge3A : i32
        %convert_element_type3A_397 = arith.extui %ge3A_396 : i1 to i32
        %cond3A_398 = arith.constant 0 : i32
        %cond3A_399 = arith.cmpi ne, %convert_element_type3A_397, %cond3A_398 : i32
        scf.if %cond3A_399 {
          %add3A_410 = arith.addi %mul3A_2, %add3A_331 : i32
          %sub3A_411 = arith.constant 1 : i32
          %sub3A_412 = arith.subi %add3A_410, %sub3A_411 : i32
          %dma_wait3A_413 = arith.constant 0 : i32
          %dma_wait3A_414 = arith.constant 0 : i32
          %dma_wait3A_415 = tpu.memref_slice %arg5[%sub3A_412, %dma_wait3A_413, %dma_wait3A_414] : memref<6400x128x64xf32, #tpu.memory_space<hbm>> -> memref<1x128x64xf32, #tpu.memory_space<hbm>>
          %dma_wait3A_416 = tpu.memref_squeeze %dma_wait3A_415 : memref<1x128x64xf32, #tpu.memory_space<hbm>> -> memref<128x64xf32, #tpu.memory_space<hbm>>
          %dma_wait3A_417 = arith.constant 0 : i32
          %dma_wait3A_418 = arith.constant 0 : i32
          %dma_wait3A_419 = tpu.memref_slice %arg5[%sub3A_412, %dma_wait3A_417, %dma_wait3A_418] : memref<6400x128x64xf32, #tpu.memory_space<hbm>> -> memref<1x128x64xf32, #tpu.memory_space<hbm>>
          %dma_wait3A_420 = tpu.memref_squeeze %dma_wait3A_419 : memref<1x128x64xf32, #tpu.memory_space<hbm>> -> memref<128x64xf32, #tpu.memory_space<hbm>>
          tpu.wait_dma2 semaphore(%arg29 : memref<!tpu.dma_semaphore, #tpu.memory_space<semaphore_mem>>) src(%arg13 : memref<128x64xf32, #tpu.memory_space<vmem>>) dst(%dma_wait3A_420 : memref<128x64xf32, #tpu.memory_space<hbm>>)
        } else {
        }
        %add3A_400 = arith.constant 8 : i32
        %add3A_401 = arith.addi %add3A_331, %add3A_400 : i32
        %sub3A_402 = arith.constant 1 : i32
        %sub3A_403 = arith.subi %add3A_401, %sub3A_402 : i32
        %dma_start3A_404 = arith.constant 0 : i32
        %dma_start3A_405 = tpu.memref_slice %arg6[%sub3A_403, %dma_start3A_404] : memref<200x128xi32, #tpu.memory_space<vmem>> -> memref<1x128xi32, #tpu.memory_space<vmem>>
        %dma_start3A_406 = tpu.memref_squeeze %dma_start3A_405 : memref<1x128xi32, #tpu.memory_space<vmem>> -> memref<128xi32, #tpu.memory_space<vmem>>
        %dma_start3A_407 = arith.constant 0 : i32
        %dma_start3A_408 = arith.constant 0 : i32
        %dma_start3A_409 = tpu.memref_slice %arg3[%dma_start3A_407, %dma_start3A_408] : memref<100000x64xf32, #tpu.memory_space<hbm>> -> memref<100000x64xf32, #tpu.memory_space<hbm>>
        tpu.enqueue_indirect_dma source(%dma_start3A_409 : memref<100000x64xf32, #tpu.memory_space<hbm>>) target(%arg13 : memref<128x64xf32, #tpu.memory_space<vmem>>) offsets(%dma_start3A_406 : memref<128xi32, #tpu.memory_space<vmem>>) semaphore(%arg21 : memref<!tpu.dma_semaphore, #tpu.memory_space<semaphore_mem>>)
      } else {
      }
      %add3A_363 = arith.constant 7 : i32
      %add3A_364 = arith.addi %mul3A_137, %add3A_363 : i32
      %dma_wait3A_365 = arith.constant 0 : i32
      %dma_wait3A_366 = tpu.memref_slice %arg6[%add3A_364, %dma_wait3A_365] : memref<200x128xi32, #tpu.memory_space<vmem>> -> memref<1x128xi32, #tpu.memory_space<vmem>>
      %dma_wait3A_367 = tpu.memref_squeeze %dma_wait3A_366 : memref<1x128xi32, #tpu.memory_space<vmem>> -> memref<128xi32, #tpu.memory_space<vmem>>
      %dma_wait3A_368 = arith.constant 0 : i32
      %dma_wait3A_369 = arith.constant 0 : i32
      %dma_wait3A_370 = tpu.memref_slice %arg3[%dma_wait3A_368, %dma_wait3A_369] : memref<100000x64xf32, #tpu.memory_space<hbm>> -> memref<100000x64xf32, #tpu.memory_space<hbm>>
      tpu.wait_indirect_dma semaphore(%arg23 : memref<!tpu.dma_semaphore, #tpu.memory_space<semaphore_mem>>) src(%dma_wait3A_370 : memref<100000x64xf32, #tpu.memory_space<hbm>>) dst(%arg15 : memref<128x64xf32, #tpu.memory_space<vmem>>)
      %mul3A_371 = arith.constant 128 : i32
      %mul3A_372 = arith.muli %add3A_364, %mul3A_371 : i32
      %rem3A_373 = arith.constant 200 : i32
      %rem3A_374 = arith.remsi %mul3A_372, %rem3A_373 : i32
      %parallel_loop3A_375 = arith.constant 0 : i32
      %parallel_loop3A_376 = arith.constant 128 : i32
      %parallel_loop3A_377 = arith.constant 1 : i32
      scf.for %parallel_loop3A_396 = %parallel_loop3A_375 to %parallel_loop3A_376 step %parallel_loop3A_377  : i32 {
        %parallel_loop3A_397 = arith.addi %rem3A_374, %parallel_loop3A_396 : i32
        %parallel_loop3A_398 = arith.index_cast %parallel_loop3A_397 : i32 to index
        %parallel_loop3A_399 = arith.constant 0 : index
        %parallel_loop3A_400 = tpu.vector_load %arg7[%parallel_loop3A_398, %parallel_loop3A_399] {strides = array<i32>} : memref<400x64xf32, #tpu.memory_space<vmem>>, vector<1x16xf32>,
        %parallel_loop3A_401 = vector.shape_cast %parallel_loop3A_400 : vector<1x16xf32> to vector<16xf32>
        %parallel_loop3A_402 = arith.index_cast %parallel_loop3A_396 : i32 to index
        %parallel_loop3A_403 = arith.constant 0 : index
        %parallel_loop3A_404 = tpu.vector_load %arg15[%parallel_loop3A_402, %parallel_loop3A_403] {strides = array<i32>} : memref<128x64xf32, #tpu.memory_space<vmem>>, vector<1x16xf32>,
        %parallel_loop3A_405 = vector.shape_cast %parallel_loop3A_404 : vector<1x16xf32> to vector<16xf32>
        %parallel_loop3A_406 = vector.shape_cast %parallel_loop3A_401 : vector<16xf32> to vector<1x16xf32>
        tpu.vector_store %arg15[%parallel_loop3A_402, %parallel_loop3A_403], %parallel_loop3A_406 {add = true, strides = array<i32>} : memref<128x64xf32, #tpu.memory_space<vmem>>, vector<1x16xf32>,
        %parallel_loop3A_407 = arith.addi %rem3A_374, %parallel_loop3A_396 : i32
        %parallel_loop3A_408 = arith.index_cast %parallel_loop3A_407 : i32 to index
        %parallel_loop3A_409 = arith.constant 16 : index
        %parallel_loop3A_410 = tpu.vector_load %arg7[%parallel_loop3A_408, %parallel_loop3A_409] {strides = array<i32>} : memref<400x64xf32, #tpu.memory_space<vmem>>, vector<1x16xf32>,
        %parallel_loop3A_411 = vector.shape_cast %parallel_loop3A_410 : vector<1x16xf32> to vector<16xf32>
        %parallel_loop3A_412 = arith.index_cast %parallel_loop3A_396 : i32 to index
        %parallel_loop3A_413 = arith.constant 16 : index
        %parallel_loop3A_414 = tpu.vector_load %arg15[%parallel_loop3A_412, %parallel_loop3A_413] {strides = array<i32>} : memref<128x64xf32, #tpu.memory_space<vmem>>, vector<1x16xf32>,
        %parallel_loop3A_415 = vector.shape_cast %parallel_loop3A_414 : vector<1x16xf32> to vector<16xf32>
        %parallel_loop3A_416 = vector.shape_cast %parallel_loop3A_411 : vector<16xf32> to vector<1x16xf32>
        tpu.vector_store %arg15[%parallel_loop3A_412, %parallel_loop3A_413], %parallel_loop3A_416 {add = true, strides = array<i32>} : memref<128x64xf32, #tpu.memory_space<vmem>>, vector<1x16xf32>,
        %parallel_loop3A_417 = arith.addi %rem3A_374, %parallel_loop3A_396 : i32
        %parallel_loop3A_418 = arith.index_cast %parallel_loop3A_417 : i32 to index
        %parallel_loop3A_419 = arith.constant 32 : index
        %parallel_loop3A_420 = tpu.vector_load %arg7[%parallel_loop3A_418, %parallel_loop3A_419] {strides = array<i32>} : memref<400x64xf32, #tpu.memory_space<vmem>>, vector<1x16xf32>,
        %parallel_loop3A_421 = vector.shape_cast %parallel_loop3A_420 : vector<1x16xf32> to vector<16xf32>
        %parallel_loop3A_422 = arith.index_cast %parallel_loop3A_396 : i32 to index
        %parallel_loop3A_423 = arith.constant 32 : index
        %parallel_loop3A_424 = tpu.vector_load %arg15[%parallel_loop3A_422, %parallel_loop3A_423] {strides = array<i32>} : memref<128x64xf32, #tpu.memory_space<vmem>>, vector<1x16xf32>,
        %parallel_loop3A_425 = vector.shape_cast %parallel_loop3A_424 : vector<1x16xf32> to vector<16xf32>
        %parallel_loop3A_426 = vector.shape_cast %parallel_loop3A_421 : vector<16xf32> to vector<1x16xf32>
        tpu.vector_store %arg15[%parallel_loop3A_422, %parallel_loop3A_423], %parallel_loop3A_426 {add = true, strides = array<i32>} : memref<128x64xf32, #tpu.memory_space<vmem>>, vector<1x16xf32>,
        %parallel_loop3A_427 = arith.addi %rem3A_374, %parallel_loop3A_396 : i32
        %parallel_loop3A_428 = arith.index_cast %parallel_loop3A_427 : i32 to index
        %parallel_loop3A_429 = arith.constant 48 : index
        %parallel_loop3A_430 = tpu.vector_load %arg7[%parallel_loop3A_428, %parallel_loop3A_429] {strides = array<i32>} : memref<400x64xf32, #tpu.memory_space<vmem>>, vector<1x16xf32>,
        %parallel_loop3A_431 = vector.shape_cast %parallel_loop3A_430 : vector<1x16xf32> to vector<16xf32>
        %parallel_loop3A_432 = arith.index_cast %parallel_loop3A_396 : i32 to index
        %parallel_loop3A_433 = arith.constant 48 : index
        %parallel_loop3A_434 = tpu.vector_load %arg15[%parallel_loop3A_432, %parallel_loop3A_433] {strides = array<i32>} : memref<128x64xf32, #tpu.memory_space<vmem>>, vector<1x16xf32>,
        %parallel_loop3A_435 = vector.shape_cast %parallel_loop3A_434 : vector<1x16xf32> to vector<16xf32>
        %parallel_loop3A_436 = vector.shape_cast %parallel_loop3A_431 : vector<16xf32> to vector<1x16xf32>
        tpu.vector_store %arg15[%parallel_loop3A_432, %parallel_loop3A_433], %parallel_loop3A_436 {add = true, strides = array<i32>} : memref<128x64xf32, #tpu.memory_space<vmem>>, vector<1x16xf32>,
      } {sc.loop_unroll_factor = 8 : i64, sc.parallel_access}
      %add3A_378 = arith.addi %mul3A_2, %add3A_364 : i32
      %dma_start3A_379 = arith.constant 0 : i32
      %dma_start3A_380 = arith.constant 0 : i32
      %dma_start3A_381 = tpu.memref_slice %arg5[%add3A_378, %dma_start3A_379, %dma_start3A_380] : memref<6400x128x64xf32, #tpu.memory_space<hbm>> -> memref<1x128x64xf32, #tpu.memory_space<hbm>>
      %dma_start3A_382 = tpu.memref_squeeze %dma_start3A_381 : memref<1x128x64xf32, #tpu.memory_space<hbm>> -> memref<128x64xf32, #tpu.memory_space<hbm>>
      %dma_start3A_383 = arith.constant 0 : i32
      %dma_start3A_384 = arith.constant 0 : i32
      %dma_start3A_385 = tpu.memref_slice %arg5[%add3A_378, %dma_start3A_383, %dma_start3A_384] : memref<6400x128x64xf32, #tpu.memory_space<hbm>> -> memref<1x128x64xf32, #tpu.memory_space<hbm>>
      %dma_start3A_386 = tpu.memref_squeeze %dma_start3A_385 : memref<1x128x64xf32, #tpu.memory_space<hbm>> -> memref<128x64xf32, #tpu.memory_space<hbm>>
      tpu.enqueue_dma source(%arg15 : memref<128x64xf32, #tpu.memory_space<vmem>>) target(%dma_start3A_386 : memref<128x64xf32, #tpu.memory_space<hbm>>) target_semaphore(%arg31 : memref<!tpu.dma_semaphore, #tpu.memory_space<semaphore_mem>>)
      %add3A_387 = arith.constant 8 : i32
      %add3A_388 = arith.addi %add3A_364, %add3A_387 : i32
      %sub3A_389 = arith.constant 1 : i32
      %sub3A_390 = arith.subi %add3A_388, %sub3A_389 : i32
      %lt3A_391 = arith.constant 200 : i32
      %lt3A_392 = arith.cmpi slt, %sub3A_390, %lt3A_391 : i32
      %convert_element_type3A_393 = arith.extui %lt3A_392 : i1 to i32
      %cond3A_394 = arith.constant 0 : i32
      %cond3A_395 = arith.cmpi ne, %convert_element_type3A_393, %cond3A_394 : i32
      scf.if %cond3A_395 {
        %ge3A = arith.constant 1 : i32
        %ge3A_396 = arith.cmpi sge, %add3A_364, %ge3A : i32
        %convert_element_type3A_397 = arith.extui %ge3A_396 : i1 to i32
        %cond3A_398 = arith.constant 0 : i32
        %cond3A_399 = arith.cmpi ne, %convert_element_type3A_397, %cond3A_398 : i32
        scf.if %cond3A_399 {
          %add3A_410 = arith.addi %mul3A_2, %add3A_364 : i32
          %sub3A_411 = arith.constant 1 : i32
          %sub3A_412 = arith.subi %add3A_410, %sub3A_411 : i32
          %dma_wait3A_413 = arith.constant 0 : i32
          %dma_wait3A_414 = arith.constant 0 : i32
          %dma_wait3A_415 = tpu.memref_slice %arg5[%sub3A_412, %dma_wait3A_413, %dma_wait3A_414] : memref<6400x128x64xf32, #tpu.memory_space<hbm>> -> memref<1x128x64xf32, #tpu.memory_space<hbm>>
          %dma_wait3A_416 = tpu.memref_squeeze %dma_wait3A_415 : memref<1x128x64xf32, #tpu.memory_space<hbm>> -> memref<128x64xf32, #tpu.memory_space<hbm>>
          %dma_wait3A_417 = arith.constant 0 : i32
          %dma_wait3A_418 = arith.constant 0 : i32
          %dma_wait3A_419 = tpu.memref_slice %arg5[%sub3A_412, %dma_wait3A_417, %dma_wait3A_418] : memref<6400x128x64xf32, #tpu.memory_space<hbm>> -> memref<1x128x64xf32, #tpu.memory_space<hbm>>
          %dma_wait3A_420 = tpu.memref_squeeze %dma_wait3A_419 : memref<1x128x64xf32, #tpu.memory_space<hbm>> -> memref<128x64xf32, #tpu.memory_space<hbm>>
          tpu.wait_dma2 semaphore(%arg30 : memref<!tpu.dma_semaphore, #tpu.memory_space<semaphore_mem>>) src(%arg14 : memref<128x64xf32, #tpu.memory_space<vmem>>) dst(%dma_wait3A_420 : memref<128x64xf32, #tpu.memory_space<hbm>>)
        } else {
        }
        %add3A_400 = arith.constant 8 : i32
        %add3A_401 = arith.addi %add3A_364, %add3A_400 : i32
        %sub3A_402 = arith.constant 1 : i32
        %sub3A_403 = arith.subi %add3A_401, %sub3A_402 : i32
        %dma_start3A_404 = arith.constant 0 : i32
        %dma_start3A_405 = tpu.memref_slice %arg6[%sub3A_403, %dma_start3A_404] : memref<200x128xi32, #tpu.memory_space<vmem>> -> memref<1x128xi32, #tpu.memory_space<vmem>>
        %dma_start3A_406 = tpu.memref_squeeze %dma_start3A_405 : memref<1x128xi32, #tpu.memory_space<vmem>> -> memref<128xi32, #tpu.memory_space<vmem>>
        %dma_start3A_407 = arith.constant 0 : i32
        %dma_start3A_408 = arith.constant 0 : i32
        %dma_start3A_409 = tpu.memref_slice %arg3[%dma_start3A_407, %dma_start3A_408] : memref<100000x64xf32, #tpu.memory_space<hbm>> -> memref<100000x64xf32, #tpu.memory_space<hbm>>
        tpu.enqueue_indirect_dma source(%dma_start3A_409 : memref<100000x64xf32, #tpu.memory_space<hbm>>) target(%arg14 : memref<128x64xf32, #tpu.memory_space<vmem>>) offsets(%dma_start3A_406 : memref<128xi32, #tpu.memory_space<vmem>>) semaphore(%arg22 : memref<!tpu.dma_semaphore, #tpu.memory_space<semaphore_mem>>)
      } else {
      }
    }
    %scan3A_55 = arith.constant 25 : i32
    %add3A_56 = arith.constant 192 : i32
    %add3A_57 = arith.addi %mul3A_2, %add3A_56 : i32
    %dma_wait3A = arith.constant 0 : i32
    %dma_wait3A_58 = arith.constant 0 : i32
    %dma_wait3A_59 = tpu.memref_slice %arg5[%add3A_57, %dma_wait3A, %dma_wait3A_58] : memref<6400x128x64xf32, #tpu.memory_space<hbm>> -> memref<1x128x64xf32, #tpu.memory_space<hbm>>
    %dma_wait3A_60 = tpu.memref_squeeze %dma_wait3A_59 : memref<1x128x64xf32, #tpu.memory_space<hbm>> -> memref<128x64xf32, #tpu.memory_space<hbm>>
    %dma_wait3A_61 = arith.constant 0 : i32
    %dma_wait3A_62 = arith.constant 0 : i32
    %dma_wait3A_63 = tpu.memref_slice %arg5[%add3A_57, %dma_wait3A_61, %dma_wait3A_62] : memref<6400x128x64xf32, #tpu.memory_space<hbm>> -> memref<1x128x64xf32, #tpu.memory_space<hbm>>
    %dma_wait3A_64 = tpu.memref_squeeze %dma_wait3A_63 : memref<1x128x64xf32, #tpu.memory_space<hbm>> -> memref<128x64xf32, #tpu.memory_space<hbm>>
    tpu.wait_dma2 semaphore(%arg24 : memref<!tpu.dma_semaphore, #tpu.memory_space<semaphore_mem>>) src(%arg8 : memref<128x64xf32, #tpu.memory_space<vmem>>) dst(%dma_wait3A_64 : memref<128x64xf32, #tpu.memory_space<hbm>>)
    %add3A_65 = arith.constant 193 : i32
    %add3A_66 = arith.addi %mul3A_2, %add3A_65 : i32
    %dma_wait3A_67 = arith.constant 0 : i32
    %dma_wait3A_68 = arith.constant 0 : i32
    %dma_wait3A_69 = tpu.memref_slice %arg5[%add3A_66, %dma_wait3A_67, %dma_wait3A_68] : memref<6400x128x64xf32, #tpu.memory_space<hbm>> -> memref<1x128x64xf32, #tpu.memory_space<hbm>>
    %dma_wait3A_70 = tpu.memref_squeeze %dma_wait3A_69 : memref<1x128x64xf32, #tpu.memory_space<hbm>> -> memref<128x64xf32, #tpu.memory_space<hbm>>
    %dma_wait3A_71 = arith.constant 0 : i32
    %dma_wait3A_72 = arith.constant 0 : i32
    %dma_wait3A_73 = tpu.memref_slice %arg5[%add3A_66, %dma_wait3A_71, %dma_wait3A_72] : memref<6400x128x64xf32, #tpu.memory_space<hbm>> -> memref<1x128x64xf32, #tpu.memory_space<hbm>>
    %dma_wait3A_74 = tpu.memref_squeeze %dma_wait3A_73 : memref<1x128x64xf32, #tpu.memory_space<hbm>> -> memref<128x64xf32, #tpu.memory_space<hbm>>
    tpu.wait_dma2 semaphore(%arg25 : memref<!tpu.dma_semaphore, #tpu.memory_space<semaphore_mem>>) src(%arg9 : memref<128x64xf32, #tpu.memory_space<vmem>>) dst(%dma_wait3A_74 : memref<128x64xf32, #tpu.memory_space<hbm>>)
    %add3A_75 = arith.constant 194 : i32
    %add3A_76 = arith.addi %mul3A_2, %add3A_75 : i32
    %dma_wait3A_77 = arith.constant 0 : i32
    %dma_wait3A_78 = arith.constant 0 : i32
    %dma_wait3A_79 = tpu.memref_slice %arg5[%add3A_76, %dma_wait3A_77, %dma_wait3A_78] : memref<6400x128x64xf32, #tpu.memory_space<hbm>> -> memref<1x128x64xf32, #tpu.memory_space<hbm>>
    %dma_wait3A_80 = tpu.memref_squeeze %dma_wait3A_79 : memref<1x128x64xf32, #tpu.memory_space<hbm>> -> memref<128x64xf32, #tpu.memory_space<hbm>>
    %dma_wait3A_81 = arith.constant 0 : i32
    %dma_wait3A_82 = arith.constant 0 : i32
    %dma_wait3A_83 = tpu.memref_slice %arg5[%add3A_76, %dma_wait3A_81, %dma_wait3A_82] : memref<6400x128x64xf32, #tpu.memory_space<hbm>> -> memref<1x128x64xf32, #tpu.memory_space<hbm>>
    %dma_wait3A_84 = tpu.memref_squeeze %dma_wait3A_83 : memref<1x128x64xf32, #tpu.memory_space<hbm>> -> memref<128x64xf32, #tpu.memory_space<hbm>>
    tpu.wait_dma2 semaphore(%arg26 : memref<!tpu.dma_semaphore, #tpu.memory_space<semaphore_mem>>) src(%arg10 : memref<128x64xf32, #tpu.memory_space<vmem>>) dst(%dma_wait3A_84 : memref<128x64xf32, #tpu.memory_space<hbm>>)
    %add3A_85 = arith.constant 195 : i32
    %add3A_86 = arith.addi %mul3A_2, %add3A_85 : i32
    %dma_wait3A_87 = arith.constant 0 : i32
    %dma_wait3A_88 = arith.constant 0 : i32
    %dma_wait3A_89 = tpu.memref_slice %arg5[%add3A_86, %dma_wait3A_87, %dma_wait3A_88] : memref<6400x128x64xf32, #tpu.memory_space<hbm>> -> memref<1x128x64xf32, #tpu.memory_space<hbm>>
    %dma_wait3A_90 = tpu.memref_squeeze %dma_wait3A_89 : memref<1x128x64xf32, #tpu.memory_space<hbm>> -> memref<128x64xf32, #tpu.memory_space<hbm>>
    %dma_wait3A_91 = arith.constant 0 : i32
    %dma_wait3A_92 = arith.constant 0 : i32
    %dma_wait3A_93 = tpu.memref_slice %arg5[%add3A_86, %dma_wait3A_91, %dma_wait3A_92] : memref<6400x128x64xf32, #tpu.memory_space<hbm>> -> memref<1x128x64xf32, #tpu.memory_space<hbm>>
    %dma_wait3A_94 = tpu.memref_squeeze %dma_wait3A_93 : memref<1x128x64xf32, #tpu.memory_space<hbm>> -> memref<128x64xf32, #tpu.memory_space<hbm>>
    tpu.wait_dma2 semaphore(%arg27 : memref<!tpu.dma_semaphore, #tpu.memory_space<semaphore_mem>>) src(%arg11 : memref<128x64xf32, #tpu.memory_space<vmem>>) dst(%dma_wait3A_94 : memref<128x64xf32, #tpu.memory_space<hbm>>)
    %add3A_95 = arith.constant 196 : i32
    %add3A_96 = arith.addi %mul3A_2, %add3A_95 : i32
    %dma_wait3A_97 = arith.constant 0 : i32
    %dma_wait3A_98 = arith.constant 0 : i32
    %dma_wait3A_99 = tpu.memref_slice %arg5[%add3A_96, %dma_wait3A_97, %dma_wait3A_98] : memref<6400x128x64xf32, #tpu.memory_space<hbm>> -> memref<1x128x64xf32, #tpu.memory_space<hbm>>
    %dma_wait3A_100 = tpu.memref_squeeze %dma_wait3A_99 : memref<1x128x64xf32, #tpu.memory_space<hbm>> -> memref<128x64xf32, #tpu.memory_space<hbm>>
    %dma_wait3A_101 = arith.constant 0 : i32
    %dma_wait3A_102 = arith.constant 0 : i32
    %dma_wait3A_103 = tpu.memref_slice %arg5[%add3A_96, %dma_wait3A_101, %dma_wait3A_102] : memref<6400x128x64xf32, #tpu.memory_space<hbm>> -> memref<1x128x64xf32, #tpu.memory_space<hbm>>
    %dma_wait3A_104 = tpu.memref_squeeze %dma_wait3A_103 : memref<1x128x64xf32, #tpu.memory_space<hbm>> -> memref<128x64xf32, #tpu.memory_space<hbm>>
    tpu.wait_dma2 semaphore(%arg28 : memref<!tpu.dma_semaphore, #tpu.memory_space<semaphore_mem>>) src(%arg12 : memref<128x64xf32, #tpu.memory_space<vmem>>) dst(%dma_wait3A_104 : memref<128x64xf32, #tpu.memory_space<hbm>>)
    %add3A_105 = arith.constant 197 : i32
    %add3A_106 = arith.addi %mul3A_2, %add3A_105 : i32
    %dma_wait3A_107 = arith.constant 0 : i32
    %dma_wait3A_108 = arith.constant 0 : i32
    %dma_wait3A_109 = tpu.memref_slice %arg5[%add3A_106, %dma_wait3A_107, %dma_wait3A_108] : memref<6400x128x64xf32, #tpu.memory_space<hbm>> -> memref<1x128x64xf32, #tpu.memory_space<hbm>>
    %dma_wait3A_110 = tpu.memref_squeeze %dma_wait3A_109 : memref<1x128x64xf32, #tpu.memory_space<hbm>> -> memref<128x64xf32, #tpu.memory_space<hbm>>
    %dma_wait3A_111 = arith.constant 0 : i32
    %dma_wait3A_112 = arith.constant 0 : i32
    %dma_wait3A_113 = tpu.memref_slice %arg5[%add3A_106, %dma_wait3A_111, %dma_wait3A_112] : memref<6400x128x64xf32, #tpu.memory_space<hbm>> -> memref<1x128x64xf32, #tpu.memory_space<hbm>>
    %dma_wait3A_114 = tpu.memref_squeeze %dma_wait3A_113 : memref<1x128x64xf32, #tpu.memory_space<hbm>> -> memref<128x64xf32, #tpu.memory_space<hbm>>
    tpu.wait_dma2 semaphore(%arg29 : memref<!tpu.dma_semaphore, #tpu.memory_space<semaphore_mem>>) src(%arg13 : memref<128x64xf32, #tpu.memory_space<vmem>>) dst(%dma_wait3A_114 : memref<128x64xf32, #tpu.memory_space<hbm>>)
    %add3A_115 = arith.constant 198 : i32
    %add3A_116 = arith.addi %mul3A_2, %add3A_115 : i32
    %dma_wait3A_117 = arith.constant 0 : i32
    %dma_wait3A_118 = arith.constant 0 : i32
    %dma_wait3A_119 = tpu.memref_slice %arg5[%add3A_116, %dma_wait3A_117, %dma_wait3A_118] : memref<6400x128x64xf32, #tpu.memory_space<hbm>> -> memref<1x128x64xf32, #tpu.memory_space<hbm>>
    %dma_wait3A_120 = tpu.memref_squeeze %dma_wait3A_119 : memref<1x128x64xf32, #tpu.memory_space<hbm>> -> memref<128x64xf32, #tpu.memory_space<hbm>>
    %dma_wait3A_121 = arith.constant 0 : i32
    %dma_wait3A_122 = arith.constant 0 : i32
    %dma_wait3A_123 = tpu.memref_slice %arg5[%add3A_116, %dma_wait3A_121, %dma_wait3A_122] : memref<6400x128x64xf32, #tpu.memory_space<hbm>> -> memref<1x128x64xf32, #tpu.memory_space<hbm>>
    %dma_wait3A_124 = tpu.memref_squeeze %dma_wait3A_123 : memref<1x128x64xf32, #tpu.memory_space<hbm>> -> memref<128x64xf32, #tpu.memory_space<hbm>>
    tpu.wait_dma2 semaphore(%arg30 : memref<!tpu.dma_semaphore, #tpu.memory_space<semaphore_mem>>) src(%arg14 : memref<128x64xf32, #tpu.memory_space<vmem>>) dst(%dma_wait3A_124 : memref<128x64xf32, #tpu.memory_space<hbm>>)
    %add3A_125 = arith.constant 199 : i32
    %add3A_126 = arith.addi %mul3A_2, %add3A_125 : i32
    %dma_wait3A_127 = arith.constant 0 : i32
    %dma_wait3A_128 = arith.constant 0 : i32
    %dma_wait3A_129 = tpu.memref_slice %arg5[%add3A_126, %dma_wait3A_127, %dma_wait3A_128] : memref<6400x128x64xf32, #tpu.memory_space<hbm>> -> memref<1x128x64xf32, #tpu.memory_space<hbm>>
    %dma_wait3A_130 = tpu.memref_squeeze %dma_wait3A_129 : memref<1x128x64xf32, #tpu.memory_space<hbm>> -> memref<128x64xf32, #tpu.memory_space<hbm>>
    %dma_wait3A_131 = arith.constant 0 : i32
    %dma_wait3A_132 = arith.constant 0 : i32
    %dma_wait3A_133 = tpu.memref_slice %arg5[%add3A_126, %dma_wait3A_131, %dma_wait3A_132] : memref<6400x128x64xf32, #tpu.memory_space<hbm>> -> memref<1x128x64xf32, #tpu.memory_space<hbm>>
    %dma_wait3A_134 = tpu.memref_squeeze %dma_wait3A_133 : memref<1x128x64xf32, #tpu.memory_space<hbm>> -> memref<128x64xf32, #tpu.memory_space<hbm>>
    tpu.wait_dma2 semaphore(%arg31 : memref<!tpu.dma_semaphore, #tpu.memory_space<semaphore_mem>>) src(%arg15 : memref<128x64xf32, #tpu.memory_space<vmem>>) dst(%dma_wait3A_134 : memref<128x64xf32, #tpu.memory_space<hbm>>)
    return
  }
}

</mosaic_0001>

<sc_bundles>
// kernel: kernel.3.cloned.1.call-start
scs
__scs_entry_jumppad:
0x0: {  	(pc) =	sbr.rel $0x88, $3  }
0x1: {  	(tag) =	ssettag $0x0;
	lr =	simm.s32 $0x1  }
0x2: {  	[smem:$0x3F9E] =	sst lr;
	_ =	strace $0xD0000000  }
0x3: {  	_ = 	snop  }
0x4: {  	_ = 	snop  }
0x5: {  	_ = 	snop  }
0x6: {  	_ = 	snop  }
0x7: {  	_ = 	snop  }
__scs_overlays_trampoline_lowered:
0x8: {  	[smem:$0x3FAD] =	sst s0  }
0x9: {  	[smem:$0x3FAE] =	sst s1  }
0xa: {  	[smem:$0x3FAF] =	sst s2  }
0xb: {  	[smem:$0x3FB0] =	sst s3  }
0xc: {  	[smem:$0x3FB1] =	sst s4  }
0xd: {  	[smem:$0x3FB2] =	sst s5  }
0xe: {  	[smem:$0x3FB3] =	sst s6  }
0xf: {  	[smem:$0x3FB4] =	sst s7  }
0x10: {  	[smem:$0x3FB5] =	sst s8  }
0x11: {  	[smem:$0x3FB6] =	sst s9;
	s0 =	simm.s32 @!p0 $0x0  }
0x12: {  	s1 =	sld [smem:$0x3F9C];
	s0 =	simm.s32 @p0 $0x1  }
0x13: {  	[smem:$0x3FB7] =	sst s0;
	s0 =	simm.s32 @!p1 $0x0  }
0x14: {  	s2 =	sld [smem:$0x3F9B];
	s0 =	simm.s32 @p1 $0x1  }
0x15: {  	[smem:$0x3FB8] =	sst s0;
	s0 =	simm.s32 @!p2 $0x0  }
0x16: {  	s3 =	sld [smem:$0x3FDB];
	s0 =	simm.s32 @p2 $0x1  }
0x17: {  	s4 =	simm.s32 $0x1BF5;
	[smem:$0x3FBA] =	sst s0  }
0x18: {  	s0 =	sld [smem:$0x3F9D];
	_ =	swait.ge [sflag:s4], $0x0  }
0x19: {  	s7 =	sld [smem:$0x3F9E]  }
0x1a: {  	s8 =	sadd.s32 $0xFFFFE003, lr  }
0x1b: {  	s9 =	sadd.s32 $0xFFFFFEF7, lr;
	s5 =	simm.s32 $0xFFFFFFFF;
	p2 =	slt.u32 s8, $0xFFFFF086  }
0x1c: {  	p1 =	slt.u32 s9, $0xF7A;
	s5 =	simm.s32 @!p2 $0x0  }
0x1d: {  	s5 =	simm.s32 @p1 $0x1;
	p0 =	seq.s32 s7, s2  }
0x1e: {  	s7 =	smul.u32 @!p0 $0xF7A, s2;
	p2 =	seq.s32 @!p0 s5, $0x0  }
0x1f: {  	s9 =	smul.u32 $0xF7A, s1;
	s8 =	simm.s32 @!p0 $0x1BF5;
	p2 =	por !p2, p0  }
0x20: {  	[sflag:s8] =	ssyncset.s32 @!p0 $0xFFFFF086;
	s6 =	sadd.s32 @!p0 s3, s7;
	s7 =	simm.s32 @!p0 $0x108  }
0x21: {  	s3 =	sadd.s32 s3, s9;
	s6 =	sadd.s32 @!p0 $0x88, s6;
	s7 =	simm.s32 @p2 $0x1082  }
0x22: {  	[simem:s7], [sflag:s8] =	dma.local @!p0 [hbm:s6], $0xF7A  }
0x23: {  	s9 =	sor.u32 $0xD0000000, s2;
	s6 =	simm.s32 $0x108;
	_ =	swait.ge @!p0 [sflag:s8], $0x0  }
0x24: {  	s3 =	sadd.s32 $0x88, s3;
	s6 =	simm.s32 @!p1 $0x1082;
	[sflag:s4] =	ssyncset.s32 $0xFFFFF086  }
0x25: {  	[simem:s6], [sflag:s4] =	dma.local [hbm:s3], $0xF7A  }
0x26: {  	[smem:$0x3F9E] =	sst s1;
	(tag) =	ssettag s2;
	_ =	strace s9  }
0x27: {  	s1 =	sld [smem:$0x3FAE]  }
0x28: {  	s2 =	sld [smem:$0x3FAF]  }
0x29: {  	s4 =	sld [smem:$0x3FB1]  }
0x2a: {  	p0 =	seq.s32 s5, $0x0;
	s5 =	sld [smem:$0x3FB2]  }
0x2b: {  	s6 =	sld [smem:$0x3FB3]  }
0x2c: {  	s7 =	sld [smem:$0x3FB4]  }
0x2d: {  	s3 =	simm.s32 $0x108;
	s8 =	sld [smem:$0x3FB5]  }
0x2e: {  	s3 =	simm.s32 @!p0 $0x1082;
	s9 =	sld [smem:$0x3FB6]  }
0x2f: {  	lr =	sadd.s32 s0, s3;
	s0 =	sld [smem:$0x3FAD]  }
0x30: {  	s3 =	sld [smem:$0x3FB0]  }
0x31: {  	[smem:$0x3FB9] =	sst s10  }
0x32: {  	s10 =	sld [smem:$0x3FB7];
	_ =	sdelay $0x3  }
0x33: {  	p0 =	seq.s32 s10, $0x1;
	s10 =	sld [smem:$0x3FB9];
	_ =	sdelay $0x3  }
0x34: {  	[smem:$0x3FB9] =	sst s10  }
0x35: {  	s10 =	sld [smem:$0x3FB8];
	_ =	sdelay $0x3  }
0x36: {  	p1 =	seq.s32 s10, $0x1;
	s10 =	sld [smem:$0x3FB9];
	_ =	sdelay $0x3  }
0x37: {  	[smem:$0x3FB9] =	sst s10  }
0x38: {  	s10 =	sld [smem:$0x3FBA]  }
0x39: {  	_ = 	snop;
	(pc) =	sbr.ind lr, $3  }
0x3a: {  	_ = 	snop  }
0x3b: {  	_ = 	snop  }
0x3c: {  	p2 =	seq.s32 s10, $0x1;
	s10 =	sld [smem:$0x3FB9]  }
0x3d: {  	_ =	shalt  }
0x3e: {  	_ =	shalt  }
0x3f: {  	_ =	shalt  }
0x40: {  	_ =	shalt  }
0x41: {  	_ =	shalt  }
0x42: {  	_ =	shalt  }
0x43: {  	_ =	shalt  }
0x44: {  	_ =	shalt  }
0x45: {  	_ =	shalt  }
0x46: {  	_ =	shalt  }
0x47: {  	_ =	shalt  }
0x48: {  	_ =	shalt  }
0x49: {  	_ =	shalt  }
0x4a: {  	_ =	shalt  }
0x4b: {  	_ =	shalt  }
0x4c: {  	_ =	shalt  }
0x4d: {  	_ =	shalt  }
0x4e: {  	_ =	shalt  }
0x4f: {  	_ =	shalt  }
0x50: {  	_ =	shalt  }
0x51: {  	_ =	shalt  }
0x52: {  	_ =	shalt  }
0x53: {  	_ =	shalt  }
0x54: {  	_ =	shalt  }
0x55: {  	_ =	shalt  }
0x56: {  	_ =	shalt  }
0x57: {  	_ =	shalt  }
0x58: {  	_ =	shalt  }
0x59: {  	_ =	shalt  }
0x5a: {  	_ =	shalt  }
0x5b: {  	_ =	shalt  }
0x5c: {  	_ =	shalt  }
0x5d: {  	_ =	shalt  }
0x5e: {  	_ =	shalt  }
0x5f: {  	_ =	shalt  }
0x60: {  	_ =	shalt  }
0x61: {  	_ =	shalt  }
0x62: {  	_ =	shalt  }
0x63: {  	_ =	shalt  }
0x64: {  	_ =	shalt  }
0x65: {  	_ =	shalt  }
0x66: {  	_ =	shalt  }
0x67: {  	_ =	shalt  }
0x68: {  	_ =	shalt  }
0x69: {  	_ =	shalt  }
0x6a: {  	_ =	shalt  }
0x6b: {  	_ =	shalt  }
0x6c: {  	_ =	shalt  }
0x6d: {  	_ =	shalt  }
0x6e: {  	_ =	shalt  }
0x6f: {  	_ =	shalt  }
0x70: {  	_ =	shalt  }
0x71: {  	_ =	shalt  }
0x72: {  	_ =	shalt  }
0x73: {  	_ =	shalt  }
0x74: {  	_ =	shalt  }
0x75: {  	_ =	shalt  }
0x76: {  	_ =	shalt  }
0x77: {  	_ =	shalt  }
0x78: {  	_ =	shalt  }
0x79: {  	_ =	shalt  }
0x7a: {  	_ =	shalt  }
0x7b: {  	_ =	shalt  }
0x7c: {  	_ =	shalt  }
0x7d: {  	_ =	shalt  }
0x7e: {  	_ =	shalt  }
0x7f: {  	_ =	shalt  }
0x80: {  	_ =	shalt  }
0x81: {  	_ =	shalt  }
0x82: {  	_ =	shalt  }
0x83: {  	_ =	shalt  }
0x84: {  	_ =	shalt  }
0x85: {  	_ =	shalt  }
0x86: {  	_ =	shalt  }
0x87: {  	_ =	shalt  }
.Lfunc_end0:
.L_simem_size_0:
called_computation.1_lowered:
.L_overlay_start_0:
0x88: {  	s2 =	sld [smem:$0x3FD9]  }
0x89: {  	s3 =	sld [smem:$0x3FFE];
	_ =	sdelay $0x1  }
0x8a: {  	s1 =	srdreg.scid  }
0x8b: {  	s0 =	sand.u32 $0x1, s1  }
0x8c: {  	s17 =	sshll.u32 s0, $0xA;
	s2 =	sadd.s32 s3, s2  }
0x8d: {  	s2 =	sadd.s32 s2, s17  }
0x8e: {  	[smem:$0x3FC5] =	sst s2  }
0x8f: {  	_ = 	snop  }
0x90: {  	s2 =	sld [smem:$0x3FD0];
	(tm) =	ssettm $0x1  }
0x91: {  	s18 =	sld [smem:$0x3FFB];
	_ =	sdelay $0x3  }
0x92: {  	_ =	strace s18  }
0x93: {  	s3 =	sld [smem:$0x3FFC];
	_ =	sdelay $0x3  }
0x94: {  	_ =	strace s3  }
0x95: {  	s3 =	sld [smem:$0x3FFD];
	_ =	sdelay $0x3  }
0x96: {  	_ =	strace s3  }
0x97: {  	_ =	strace $0x8FFFFFFF  }
0x98: {  	s19 =	sld [smem:$0x3FDB];
	_ =	sdelay $0x1  }
0x99: {  	s4 =	simm.s32 $_scs_section_size  }
0x9a: {  	s5 =	simm.s32 $_size__tile_overlayer_lowered;
	s6 =	simm.s32 $_tile_overlayer_lowered  }
0x9b: {  	s22 =	simm.s32 $0x1BFF;
	s21 =	sshll.u32 s6, $0x1;
	s3 =	sadd.s32 s4, s19  }
0x9c: {  	s7 =	simm.s32 $0x0;
	s20 =	sshll.u32 s5, $0x1;
	s5 =	sadd.s32 s21, s3  }
0x9d: {  	[timem:s7], [sflag:s22] =	dma.local [hbm:s5], s20  }
0x9e: {  	_ =	swait.ge [sflag:s22], s20  }
0x9f: {  	s4 =	ssub.s32 $0x0, s20;
	[sflag:s22] =	ssyncset.done $0x0  }
0xa0: {  	[sflag:s22] =	ssyncadd.s32 s4;
	_ =	sdelay $0x1  }
0xa1: {  	s23 =	simm.s32 $0x1B8B  }
0xa2: {  	_ =	swait.ge [sflag:s23], $0x1  }
0xa3: {  	[sflag:s23] =	ssyncset.done $0x0  }
0xa4: {  	s25 =	simm.s32 $0x1B8E;
	s24 =	sld [smem:$0x3FFE];
	[sflag:s23] =	ssyncadd.s32 $0xFFFFFFFF  }
0xa5: {  	s26 =	simm.s32 $execute0_lowered;
	[smem:$0x3FD2] =	sst s25  }
0xa6: {  	s5 =	sshll.u32 s26, $0x1;
	_ =	strace $0x80000046;
	[dreg:$0x1] =	wrdreg $0xFFFFFFFF  }
0xa7: {  	s28 =	simm.s32 $_size_execute0_lowered;
	s3 =	sadd.s32 s3, s5;
	[dreg:$0x0] =	wrdreg $0x0  }
0xa8: {  	s5 =	sshll.u32 s28, $0x1;
	[dreg:$0x2] =	wrdreg s3  }
0xa9: {  	[dreg:$0x3] =	wrdreg s5  }
0xaa: {  	[dreg:$0x4] =	wrdreg $0xC0  }
0xab: {  	_ =	task [dreg:s7], $0x5FFFF  }
0xac: {  	[dreg:$0x1] =	wrdreg $0xFFFFFFFF  }
0xad: {  	[dreg:$0x0] =	wrdreg $0x60  }
0xae: {  	[dreg:$0x2] =	wrdreg s24  }
0xaf: {  	[dreg:$0x3] =	wrdreg s2  }
0xb0: {  	[dreg:$0x4] =	wrdreg $0x9  }
0xb1: {  	_ =	task.clear_ibuf [dreg:s7], $0x5FFFF;
	_ =	strace $0x90000046  }
0xb2: {  	s29 =	simm.s32 $0x9;
	_ =	strace $0x80000048  }
0xb3: {  	_ =	swait.ge [sflag:s29], $0x1  }
0xb4: {  	[sflag:s29] =	ssyncadd.s32 $0xFFFFFFFF  }
0xb5: {  	_ =	strace $0x90000048  }
0xb6: {  	_ =	sfence  }
0xb7: {  	s30 =	sld [smem:$0x0];
	_ =	sdelay $0x2  }
0xb8: {  	s31 =	sshll.u32 s1, $0xD;
	s1 =	sshrl.u32 s1, $0x2  }
0xb9: {  	s3 =	sand.u32 $0x4000, s31;
	s1 =	sadd.s32 s1, s30  }
0xba: {  	s0 =	sor.u32 s3, s0;
	s1 =	sshll.u32 s1, $0x11  }
0xbb: {  	s0 =	sor.u32 s1, s0  }
0xbc: {  	s0 =	sadd.s32 $0x8F2B, s0  }
0xbd: {  	[sflag:s0] =	ssyncadd.remote.s32 $0x1  }
0xbe: {  	_ =	sfence.sel $0xFFFF  }
0xbf: {  	[dreg:$0x0] =	wrdreg $0xFFFFFFFF;
	(pc) =	sbr.abs _section_cstart, $3  }
0xc0: {  	[dreg:$0x1] =	wrdreg $0xFFFFFFFF  }
0xc1: {  	_ =	task.clear_ibuf [dreg:s7], $0x2FFFF;
	_ =	strace $0x9FFFFFFF  }
0xc2: {  	(tm) =	ssettm $0x7FFFFFFF  }
0xc3: {  	_ =	shalt  }
tec
execute0_lowered:
.L_overlay_start_1:
0x0: {  	(tag) =	ssettag $0x1  }
0x1: {  	s0 =	srdreg.scid;
	s2 =	stileid.u32  }
0x2: {  	s1 =	rddreg [dreg:$0x0];
	s0 =	sand.u32 $0x1, s0;
	s3 =	sshll.u32 s2, $0x1  }
0x3: {  	s2 =	rddreg [dreg:$0x1];
	s5 =	sor.u32 s0, s3;
	s0 =	ssub.s32 $0x2, s0  }
0x4: {  	s3 =	simm.s32 $0x0;
	s4 =	smul.u32 $0xC80, s5;
	s30 =	sshrl.u32 s0, $0x1  }
.Ltmp0:
0x5: {  	[smem:$0x7FF] =	sst s3;
	s0 =	ssub.s32 s0, s30;
	(pc) =	sbr.rel .LBB2_1-.Ltmp0, $4  }
0x6: {  	s7 =	sadd.s32 s4, s1;
	s4 =	sadd.s32 $0x1A000, s1;
	s1 =	sadd.s32 $0x800, s1  }
0x7: {  	_ =	strace $0x80000047;
	s0 =	smax.u32 s0, $0x1;
	[dreg:$0x3] =	wrdreg s1  }
0x8: {  	s23 =	simm.s32 $0x18800;
	s31 =	sadd.s32 $0x1000, s7;
	[dreg:$0x5] =	wrdreg s0  }
0x9: {  	s6 =	smul.u32 $0xC8, s5;
	s5 =	simm.s32 $0x0;
	[dreg:$0x4] =	wrdreg s31  }
.LBB2_20:
0xa: {  	s0 =	simm.s32 $0x9  }
0xb: {  	_ =	swait.ge [sflag:s0], $0x2000  }
0xc: {  	[sflag:s0] =	ssyncset.done $0x0  }
0xd: {  	s24 =	simm.s32 $0xA;
	[sflag:s0] =	ssyncadd.s32 $0xFFFFE000  }
0xe: {  	_ =	swait.ge [sflag:s24], $0x2000  }
0xf: {  	[sflag:s24] =	ssyncset.done $0x0  }
0x10: {  	s25 =	simm.s32 $0xB;
	[sflag:s24] =	ssyncadd.s32 $0xFFFFE000  }
0x11: {  	_ =	swait.ge [sflag:s25], $0x2000  }
0x12: {  	[sflag:s25] =	ssyncset.done $0x0  }
0x13: {  	s26 =	simm.s32 $0xC;
	[sflag:s25] =	ssyncadd.s32 $0xFFFFE000  }
0x14: {  	_ =	swait.ge [sflag:s26], $0x2000  }
0x15: {  	[sflag:s26] =	ssyncset.done $0x0  }
0x16: {  	s28 =	simm.s32 $0xD;
	[sflag:s26] =	ssyncadd.s32 $0xFFFFE000  }
0x17: {  	_ =	swait.ge [sflag:s28], $0x2000  }
0x18: {  	[sflag:s28] =	ssyncset.done $0x0  }
0x19: {  	s29 =	simm.s32 $0xE;
	[sflag:s28] =	ssyncadd.s32 $0xFFFFE000  }
0x1a: {  	_ =	swait.ge [sflag:s29], $0x2000  }
0x1b: {  	[sflag:s29] =	ssyncset.done $0x0  }
0x1c: {  	s30 =	simm.s32 $0xF;
	[sflag:s29] =	ssyncadd.s32 $0xFFFFE000  }
0x1d: {  	_ =	swait.ge [sflag:s30], $0x2000  }
0x1e: {  	[sflag:s30] =	ssyncset.done $0x0  }
0x1f: {  	s1 =	simm.s32 $0x10;
	[sflag:s30] =	ssyncadd.s32 $0xFFFFE000  }
0x20: {  	_ =	swait.ge [sflag:s1], $0x2000  }
0x21: {  	s5 =	rddreg [dreg:$0x6]  }
0x22: {  	s31 =	rddreg [dreg:$0x5];
	s5 =	sadd.s32 $0x1, s5  }
0x23: {  	p0 =	sne.s32 s5, s31  }
.Ltmp1:
0x24: {  	_ = 	snop;
	(pc) =	sbr.rel @!p0 .LBB2_21-.Ltmp1, $3  }
0x25: {  	_ =	sdelay $0x1  }
0x26: {  	[sflag:s1] =	ssyncset.done $0x0  }
0x27: {  	[sflag:s1] =	ssyncadd.s32 $0xFFFFE000  }
.LBB2_1:
0x28: {  	[dreg:$0x6] =	wrdreg s5  }
0x29: {  	s0 =	rddreg [dreg:$0x4];
	s1 =	simm.s32 $0x11  }
0x2a: {  	[tilespmem:s3], [sflag:$0x11] =	stream.linear.gather [hbm4b:s0+s3], $0x6400, $0x38;
	[tilespmem:$0x1C800] =	vst v63  }
0x2b: {  	_ =	swait.ge [sflag:s1], $0x6400  }
0x2c: {  	[sflag:s1] =	ssyncset.done $0x0  }
0x2d: {  	s20 =	simm.s32 $0x6400;
	s19 =	rddreg [dreg:$0x3];
	[sflag:s1] =	ssyncadd.s32 $0xFFFF9C00  }
0x2e: {  	[tilespmem:s20], [sflag:$0x11] =	stream.linear.gather [hbm4b:s19+s3], $0x3200, $0x38;
	[tilespmem:$0x1C800] =	vst v63  }
0x2f: {  	_ =	swait.ge [sflag:s1], $0x3200  }
0x30: {  	[sflag:s1] =	ssyncset.done $0x0  }
0x31: {  	s21 =	simm.s32 $0x9600;
	[sflag:s1] =	ssyncadd.s32 $0xFFFFCE00  }
0x32: {  	[tilespmem:s21], [sflag:$0x11] =	stream.linear.gather [hbm4b:s19+s3], $0x3200, $0x38;
	[tilespmem:$0x1C800] =	vst v63  }
0x33: {  	s22 =	simm.s32 $0xC800;
	s7 =	simm.s32 $0x80;
	_ =	swait.ge [sflag:s1], $0x3200  }
0x34: {  	s24 =	simm.s32 $0xE800;
	s31 =	simm.s32 $0x100;
	[sflag:s1] =	ssyncset.done $0x0  }
0x35: {  	s25 =	simm.s32 $0x10800;
	s26 =	simm.s32 $0x12800;
	[sflag:s1] =	ssyncadd.s32 $0xFFFFCE00  }
0x36: {  	[tilespmem:s22], [sflag:$0x1] =	stream.indirect.gather [hbm4b:s4+s7], $0x40, s3, s7, $0xb8;
	[tilespmem:$0x1C800] =	vst v63  }
0x37: {  	s28 =	simm.s32 $0x14800;
	s10 =	simm.s32 $0x280;
	s29 =	simm.s32 $0x16800  }
0x38: {  	[tilespmem:s24], [sflag:$0x2] =	stream.indirect.gather [hbm4b:s4+s7], $0x40, s7, s7, $0xb8;
	[tilespmem:$0x1C800] =	vst v63  }
0x39: {  	s11 =	simm.s32 $0x300;
	s8 =	simm.s32 $0x6500;
	s5 =	simm.s32 $0x8400  }
0x3a: {  	[tilespmem:s25], [sflag:$0x3] =	stream.indirect.gather [hbm4b:s4+s7], $0x40, s31, s7, $0xb8;
	[tilespmem:$0x1C800] =	vst v63  }
0x3b: {  	s9 =	simm.s32 $0xA400;
	s30 =	simm.s32 $0xC400;
	s1 =	simm.s32 $0x180  }
0x3c: {  	[tilespmem:s26], [sflag:$0x4] =	stream.indirect.gather [hbm4b:s4+s7], $0x40, s1, s7, $0xb8;
	[tilespmem:$0x1C800] =	vst v63  }
0x3d: {  	s12 =	simm.s32 $0xE400;
	s13 =	simm.s32 $0x10400;
	s0 =	simm.s32 $0x200  }
0x3e: {  	[tilespmem:s28], [sflag:$0x5] =	stream.indirect.gather [hbm4b:s4+s7], $0x40, s0, s7, $0xb8;
	[tilespmem:$0x1C800] =	vst v63  }
0x3f: {  	s14 =	simm.s32 $0x12400;
	s15 =	simm.s32 $0x14400;
	s16 =	simm.s32 $0x380  }
0x40: {  	[tilespmem:s29], [sflag:$0x6] =	stream.indirect.gather [hbm4b:s4+s7], $0x40, s10, s7, $0xb8;
	[tilespmem:$0x1C800] =	vst v63  }
0x41: {  	s17 =	simm.s32 $0x80;
	s18 =	simm.s32 $0x0;
	s21 =	simm.s32 $0x0  }
0x42: {  	[tilespmem:s23], [sflag:$0x7] =	stream.indirect.gather [hbm4b:s4+s7], $0x40, s11, s7, $0xb8;
	[tilespmem:$0x1C800] =	vst v63  }
.LBB2_2:
0x43: {  	s7 =	smulhi.u32 $0x51EB851F, s18;
	_ =	sdelay $0x1  }
0x44: {  	s7 =	sshrl.u32 s7, $0x6  }
0x45: {  	s7 =	smul.u32 $0xFFFF3800, s7;
	_ =	sdelay $0x1  }
0x46: {  	s7 =	sshra.s32 s7, $0x2  }
0x47: {  	s7 =	sadd.s32 s7, s8  }
0x48: {  	v0 =	vmov s7  }
0x49: {  	s24 =	simm.s32 $0x1  }
0x4a: {  	_ =	swait.ge [sflag:s24], $0x2000  }
0x4b: {  	[sflag:s24] =	ssyncset.done $0x0  }
0x4c: {  	s20 =	simm.s32 $0x0;
	[sflag:s24] =	ssyncadd.s32 $0xFFFFE000  }
0x4d: {  	v1 =	vld.idx.msk [tilespmem:v0+s20+$0xC0 ss:$0x1], $0xffff  }
0x4e: {  	v2 =	vld.idx.msk [tilespmem:v0+s20+$0xFFFFFF00 ss:$0x1], $0xffff  }
0x4f: {  	v3 =	vld.idx.msk [tilespmem:v0+s20+$0xFFFFFF40 ss:$0x1], $0xffff  }
0x50: {  	v4 =	vld.idx.msk [tilespmem:v0+s20+$0xFFFFFF80 ss:$0x1], $0xffff  }
0x51: {  	v5 =	vld.idx.msk [tilespmem:v0+s20+$0xFFFFFFC0 ss:$0x1], $0xffff  }
0x52: {  	v6 =	vld.idx.msk [tilespmem:v0+s20+$0x0 ss:$0x1], $0xffff  }
0x53: {  	v7 =	vld.idx.msk [tilespmem:v0+s20+$0x40 ss:$0x1], $0xffff  }
0x54: {  	v8 =	vld.idx.msk [tilespmem:v0+s20+$0x80 ss:$0x1], $0xffff  }
0x55: {  	[tilespmem:s20+$0xC9C0] =	vst.add.f32.msk $0xffff, v1  }
0x56: {  	[tilespmem:s20+$0xC800] =	vst.add.f32.msk $0xffff, v2  }
0x57: {  	[tilespmem:s20+$0xC840] =	vst.add.f32.msk $0xffff, v3  }
0x58: {  	[tilespmem:s20+$0xC880] =	vst.add.f32.msk $0xffff, v4  }
0x59: {  	[tilespmem:s20+$0xC8C0] =	vst.add.f32.msk $0xffff, v5  }
0x5a: {  	[tilespmem:s20+$0xC900] =	vst.add.f32.msk $0xffff, v6  }
0x5b: {  	[tilespmem:s20+$0xC940] =	vst.add.f32.msk $0xffff, v7  }
0x5c: {  	[tilespmem:s20+$0xC980] =	vst.add.f32.msk $0xffff, v8  }
0x5d: {  	v1 =	vld.idx.msk [tilespmem:v0+s20+$0xD0 ss:$0x1], $0xffff  }
0x5e: {  	v2 =	vld.idx.msk [tilespmem:v0+s20+$0xFFFFFF10 ss:$0x1], $0xffff  }
0x5f: {  	v3 =	vld.idx.msk [tilespmem:v0+s20+$0xFFFFFF50 ss:$0x1], $0xffff  }
0x60: {  	v4 =	vld.idx.msk [tilespmem:v0+s20+$0xFFFFFF90 ss:$0x1], $0xffff  }
0x61: {  	v5 =	vld.idx.msk [tilespmem:v0+s20+$0xFFFFFFD0 ss:$0x1], $0xffff  }
0x62: {  	v6 =	vld.idx.msk [tilespmem:v0+s20+$0x10 ss:$0x1], $0xffff  }
0x63: {  	v7 =	vld.idx.msk [tilespmem:v0+s20+$0x50 ss:$0x1], $0xffff  }
0x64: {  	[tilespmem:s20+$0xC9D0] =	vst.add.f32.msk $0xffff, v1  }
0x65: {  	[tilespmem:s20+$0xC810] =	vst.add.f32.msk $0xffff, v2  }
0x66: {  	[tilespmem:s20+$0xC850] =	vst.add.f32.msk $0xffff, v3  }
0x67: {  	[tilespmem:s20+$0xC890] =	vst.add.f32.msk $0xffff, v4  }
0x68: {  	[tilespmem:s20+$0xC8D0] =	vst.add.f32.msk $0xffff, v5  }
0x69: {  	[tilespmem:s20+$0xC910] =	vst.add.f32.msk $0xffff, v6  }
0x6a: {  	v1 =	vld.idx.msk [tilespmem:v0+s20+$0xE0 ss:$0x1], $0xffff  }
0x6b: {  	[tilespmem:s20+$0xC950] =	vst.add.f32.msk $0xffff, v7  }
0x6c: {  	v2 =	vld.idx.msk [tilespmem:v0+s20+$0xFFFFFF60 ss:$0x1], $0xffff  }
0x6d: {  	v3 =	vld.idx.msk [tilespmem:v0+s20+$0xFFFFFFA0 ss:$0x1], $0xffff  }
0x6e: {  	v56 =	vld.idx.msk [tilespmem:v0+s20+$0xFFFFFFE0 ss:$0x1], $0xffff  }
0x6f: {  	[tilespmem:s20+$0xC9E0] =	vst.add.f32.msk $0xffff, v1  }
0x70: {  	v1 =	vld.idx.msk [tilespmem:v0+s20+$0xF0 ss:$0x1], $0xffff  }
0x71: {  	v57 =	vld.idx.msk [tilespmem:v0+s20+$0x20 ss:$0x1], $0xffff  }
0x72: {  	v58 =	vld.idx.msk [tilespmem:v0+s20+$0x60 ss:$0x1], $0xffff  }
0x73: {  	[tilespmem:s20+$0xC860] =	vst.add.f32.msk $0xffff, v2  }
0x74: {  	[tilespmem:s20+$0xC8A0] =	vst.add.f32.msk $0xffff, v3  }
0x75: {  	[tilespmem:s20+$0xC9F0] =	vst.add.f32.msk $0xffff, v1  }
0x76: {  	v1 =	vld.idx.msk [tilespmem:v0+s20+$0x90 ss:$0x1], $0xffff  }
0x77: {  	[tilespmem:s20+$0xC8E0] =	vst.add.f32.msk $0xffff, v56  }
0x78: {  	[tilespmem:s20+$0xC920] =	vst.add.f32.msk $0xffff, v57  }
0x79: {  	[tilespmem:s20+$0xC960] =	vst.add.f32.msk $0xffff, v58  }
0x7a: {  	v3 =	vld.idx.msk [tilespmem:v0+s20+$0xFFFFFF70 ss:$0x1], $0xffff  }
0x7b: {  	s25 =	smulhi.u32 $0x51EB851F, s16;
	[tilespmem:s20+$0xC990] =	vst.add.f32.msk $0xffff, v1  }
0x7c: {  	s19 =	smulhi.u32 $0x51EB851F, s11;
	v1 =	vld.idx.msk [tilespmem:v0+s20+$0xFFFFFF20 ss:$0x1], $0xffff  }
0x7d: {  	s22 =	smulhi.u32 $0x51EB851F, s10;
	v59 =	vld.idx.msk [tilespmem:v0+s20+$0xA0 ss:$0x1], $0xffff  }
0x7e: {  	s23 =	smulhi.u32 $0x51EB851F, s0;
	s7 =	sshrl.u32 s25, $0x6;
	v60 =	vld.idx.msk [tilespmem:v0+s20+$0xFFFFFFB0 ss:$0x1], $0xffff  }
0x7f: {  	s7 =	smul.u32 $0xFFFF3800, s7;
	v61 =	vld.idx.msk [tilespmem:v0+s20+$0xFFFFFFF0 ss:$0x1], $0xffff  }
0x80: {  	s26 =	smulhi.u32 $0x51EB851F, s31;
	s19 =	sshrl.u32 s19, $0x6;
	v62 =	vld.idx.msk [tilespmem:v0+s20+$0x30 ss:$0x1], $0xffff  }
0x81: {  	s22 =	sshrl.u32 s22, $0x6;
	s19 =	smul.u32 $0xFFFF3800, s19;
	s7 =	sshra.s32 s7, $0x2;
	[tilespmem:s20+$0xC820] =	vst.add.f32.msk $0xffff, v1  }
0x82: {  	s23 =	sshrl.u32 s23, $0x6;
	s22 =	smul.u32 $0xFFFF3800, s22;
	s7 =	sadd.s32 s7, s15;
	[tilespmem:s20+$0xC9A0] =	vst.add.f32.msk $0xffff, v59  }
0x83: {  	s24 =	smulhi.u32 $0x51EB851F, s1;
	s19 =	sshra.s32 s19, $0x2;
	v2 =	vld.idx.msk [tilespmem:v0+s20+$0xFFFFFF30 ss:$0x1], $0xffff;
	[dreg:$0x7] =	wrdreg s7  }
0x84: {  	s23 =	smul.u32 $0xFFFF3800, s23;
	s19 =	sadd.s32 s19, s14;
	v63 =	vld.idx.msk [tilespmem:v0+s20+$0x70 ss:$0x1], $0xffff  }
0x85: {  	s24 =	sshrl.u32 s24, $0x6;
	s25 =	smulhi.u32 $0x51EB851F, s17;
	v1 =	vld.idx.msk [tilespmem:v0+s20+$0xB0 ss:$0x1], $0xffff;
	[dreg:$0x8] =	wrdreg s19  }
0x86: {  	s7 =	sshrl.u32 s26, $0x6;
	s19 =	smul.u32 $0xFFFF3800, s24;
	[tilespmem:s20+$0xC870] =	vst.add.f32.msk $0xffff, v3  }
0x87: {  	s22 =	sshra.s32 s22, $0x2;
	s26 =	sshrl.u32 s25, $0x6;
	s7 =	smul.u32 $0xFFFF3800, s7;
	[tilespmem:s20+$0xC8B0] =	vst.add.f32.msk $0xffff, v60  }
0x88: {  	s23 =	sshra.s32 s23, $0x2;
	s25 =	sadd.s32 s22, s13;
	s24 =	smul.u32 $0xFFFF3800, s26;
	[tilespmem:s20+$0xC8F0] =	vst.add.f32.msk $0xffff, v61  }
0x89: {  	s26 =	sadd.s32 s23, s12;
	[tilespmem:s20+$0xC930] =	vst.add.f32.msk $0xffff, v62;
	s19 =	sshra.s32 s19, $0x2;
	s7 =	sshra.s32 s7, $0x2  }
0x8a: {  	s24 =	sshra.s32 s24, $0x2;
	[tilespmem:s20+$0xC830] =	vst.add.f32.msk $0xffff, v2;
	s28 =	sadd.s32 s19, s30;
	s29 =	sadd.s32 s7, s9  }
0x8b: {  	s24 =	sadd.s32 s24, s5;
	s7 =	simm.s32 $0x0;
	s19 =	simm.s32 $0x800;
	[tilespmem:s20+$0xC970] =	vst.add.f32.msk $0xffff, v63  }
.LBB2_3:
0x8c: {  	s7 =	sadd.s32 $0x8, s7;
	[tilespmem:s20+$0xC9B0] =	vst.add.f32.msk $0xffff, v1;
	s20 =	sshra.s32 s19, $0x2  }
0x8d: {  	v1 =	vld.idx.msk [tilespmem:v0+s20+$0xC0 ss:$0x1], $0xffff;
	p0 =	slt.u32 s7, $0x78  }
0x8e: {  	v2 =	vld.idx.msk [tilespmem:v0+s20+$0xFFFFFF00 ss:$0x1], $0xffff  }
0x8f: {  	v3 =	vld.idx.msk [tilespmem:v0+s20+$0xFFFFFF40 ss:$0x1], $0xffff  }
0x90: {  	v4 =	vld.idx.msk [tilespmem:v0+s20+$0xFFFFFF80 ss:$0x1], $0xffff  }
0x91: {  	v5 =	vld.idx.msk [tilespmem:v0+s20+$0xFFFFFFC0 ss:$0x1], $0xffff  }
0x92: {  	v6 =	vld.idx.msk [tilespmem:v0+s20+$0x0 ss:$0x1], $0xffff  }
0x93: {  	[tilespmem:s20+$0xC9C0] =	vst.add.f32.msk $0xffff, v1  }
0x94: {  	v1 =	vld.idx.msk [tilespmem:v0+s20+$0xD0 ss:$0x1], $0xffff  }
0x95: {  	v7 =	vld.idx.msk [tilespmem:v0+s20+$0x40 ss:$0x1], $0xffff  }
0x96: {  	v8 =	vld.idx.msk [tilespmem:v0+s20+$0x80 ss:$0x1], $0xffff  }
0x97: {  	[tilespmem:s20+$0xC800] =	vst.add.f32.msk $0xffff, v2  }
0x98: {  	[tilespmem:s20+$0xC840] =	vst.add.f32.msk $0xffff, v3  }
0x99: {  	[tilespmem:s20+$0xC880] =	vst.add.f32.msk $0xffff, v4  }
0x9a: {  	[tilespmem:s20+$0xC9D0] =	vst.add.f32.msk $0xffff, v1  }
0x9b: {  	v1 =	vld.idx.msk [tilespmem:v0+s20+$0xE0 ss:$0x1], $0xffff  }
0x9c: {  	[tilespmem:s20+$0xC8C0] =	vst.add.f32.msk $0xffff, v5  }
0x9d: {  	[tilespmem:s20+$0xC900] =	vst.add.f32.msk $0xffff, v6  }
0x9e: {  	[tilespmem:s20+$0xC940] =	vst.add.f32.msk $0xffff, v7  }
0x9f: {  	[tilespmem:s20+$0xC980] =	vst.add.f32.msk $0xffff, v8  }
0xa0: {  	v2 =	vld.idx.msk [tilespmem:v0+s20+$0xFFFFFF10 ss:$0x1], $0xffff  }
0xa1: {  	[tilespmem:s20+$0xC9E0] =	vst.add.f32.msk $0xffff, v1  }
0xa2: {  	v1 =	vld.idx.msk [tilespmem:v0+s20+$0xF0 ss:$0x1], $0xffff  }
0xa3: {  	v3 =	vld.idx.msk [tilespmem:v0+s20+$0xFFFFFF50 ss:$0x1], $0xffff  }
0xa4: {  	v4 =	vld.idx.msk [tilespmem:v0+s20+$0xFFFFFF90 ss:$0x1], $0xffff  }
0xa5: {  	v5 =	vld.idx.msk [tilespmem:v0+s20+$0xFFFFFFD0 ss:$0x1], $0xffff  }
0xa6: {  	v6 =	vld.idx.msk [tilespmem:v0+s20+$0x10 ss:$0x1], $0xffff  }
0xa7: {  	v7 =	vld.idx.msk [tilespmem:v0+s20+$0x50 ss:$0x1], $0xffff  }
0xa8: {  	[tilespmem:s20+$0xC9F0] =	vst.add.f32.msk $0xffff, v1  }
0xa9: {  	v1 =	vld.idx.msk [tilespmem:v0+s20+$0x90 ss:$0x1], $0xffff  }
0xaa: {  	[tilespmem:s20+$0xC810] =	vst.add.f32.msk $0xffff, v2  }
0xab: {  	[tilespmem:s20+$0xC850] =	vst.add.f32.msk $0xffff, v3  }
0xac: {  	[tilespmem:s20+$0xC890] =	vst.add.f32.msk $0xffff, v4  }
0xad: {  	[tilespmem:s20+$0xC8D0] =	vst.add.f32.msk $0xffff, v5  }
0xae: {  	[tilespmem:s20+$0xC910] =	vst.add.f32.msk $0xffff, v6  }
0xaf: {  	[tilespmem:s20+$0xC950] =	vst.add.f32.msk $0xffff, v7  }
0xb0: {  	[tilespmem:s20+$0xC990] =	vst.add.f32.msk $0xffff, v1  }
0xb1: {  	v1 =	vld.idx.msk [tilespmem:v0+s20+$0xFFFFFF20 ss:$0x1], $0xffff  }
0xb2: {  	v2 =	vld.idx.msk [tilespmem:v0+s20+$0xFFFFFF60 ss:$0x1], $0xffff  }
0xb3: {  	v3 =	vld.idx.msk [tilespmem:v0+s20+$0xFFFFFFA0 ss:$0x1], $0xffff  }
0xb4: {  	v4 =	vld.idx.msk [tilespmem:v0+s20+$0xFFFFFFE0 ss:$0x1], $0xffff  }
0xb5: {  	v5 =	vld.idx.msk [tilespmem:v0+s20+$0x20 ss:$0x1], $0xffff  }
0xb6: {  	v6 =	vld.idx.msk [tilespmem:v0+s20+$0x60 ss:$0x1], $0xffff  }
0xb7: {  	v7 =	vld.idx.msk [tilespmem:v0+s20+$0xA0 ss:$0x1], $0xffff  }
0xb8: {  	[tilespmem:s20+$0xC820] =	vst.add.f32.msk $0xffff, v1  }
0xb9: {  	[tilespmem:s20+$0xC860] =	vst.add.f32.msk $0xffff, v2  }
0xba: {  	[tilespmem:s20+$0xC8A0] =	vst.add.f32.msk $0xffff, v3  }
0xbb: {  	[tilespmem:s20+$0xC8E0] =	vst.add.f32.msk $0xffff, v4  }
0xbc: {  	[tilespmem:s20+$0xC920] =	vst.add.f32.msk $0xffff, v5  }
0xbd: {  	[tilespmem:s20+$0xC960] =	vst.add.f32.msk $0xffff, v6  }
0xbe: {  	[tilespmem:s20+$0xC9A0] =	vst.add.f32.msk $0xffff, v7  }
0xbf: {  	v2 =	vld.idx.msk [tilespmem:v0+s20+$0xFFFFFF30 ss:$0x1], $0xffff  }
0xc0: {  	v3 =	vld.idx.msk [tilespmem:v0+s20+$0xFFFFFF70 ss:$0x1], $0xffff  }
0xc1: {  	v4 =	vld.idx.msk [tilespmem:v0+s20+$0xFFFFFFB0 ss:$0x1], $0xffff  }
0xc2: {  	v5 =	vld.idx.msk [tilespmem:v0+s20+$0xFFFFFFF0 ss:$0x1], $0xffff  }
0xc3: {  	v6 =	vld.idx.msk [tilespmem:v0+s20+$0x30 ss:$0x1], $0xffff  }
0xc4: {  	v7 =	vld.idx.msk [tilespmem:v0+s20+$0x70 ss:$0x1], $0xffff  }
0xc5: {  	v1 =	vld.idx.msk [tilespmem:v0+s20+$0xB0 ss:$0x1], $0xffff  }
0xc6: {  	[tilespmem:s20+$0xC830] =	vst.add.f32.msk $0xffff, v2  }
.Ltmp2:
0xc7: {  	[tilespmem:s20+$0xC870] =	vst.add.f32.msk $0xffff, v3;
	(pc) =	sbr.rel @p0 .LBB2_3-.Ltmp2, $4  }
0xc8: {  	[tilespmem:s20+$0xC8B0] =	vst.add.f32.msk $0xffff, v4  }
0xc9: {  	[tilespmem:s20+$0xC8F0] =	vst.add.f32.msk $0xffff, v5  }
0xca: {  	[tilespmem:s20+$0xC930] =	vst.add.f32.msk $0xffff, v6  }
0xcb: {  	s19 =	sadd.s32 $0x800, s19;
	[tilespmem:s20+$0xC970] =	vst.add.f32.msk $0xffff, v7  }
0xcc: {  	s23 =	sshll.u32 s21, $0x3  }
0xcd: {  	s7 =	sadd.s32 s6, s23  }
0xce: {  	s7 =	sshll.u32 s7, $0xA  }
0xcf: {  	[tilespmem:s20+$0xC9B0] =	vst.add.f32.msk $0xffff, v1;
	s19 =	simm.s32 $0xC800;
	p0 =	seq.s32 s21, $0x0;
	s7 =	sadd.s32 s2, s7  }
0xd0: {  	[hbm4b:s7+s3] =	stream.linear.scatter [tilespmem:s19], [sflag:$0x9], $0x2000, $0x38;
	[tilespmem:$0x1C800] =	vst v63  }
0xd1: {  	s7 =	simm.s32 @!p0 $0x10  }
0xd2: {  	s20 =	sshllo.u32 s21, $0x3;
	_ =	swait.ge @!p0 [sflag:s7], $0x2000  }
0xd3: {  	v0 =	vmov s24;
	s24 =	simm.s32 $0x80;
	s22 =	sshll.u32 s20, $0x7;
	[sflag:s7] =	ssyncset.done @!p0 $0x0  }
0xd4: {  	s19 =	sand.u32 $0x3FFFFF80, s22;
	s22 =	simm.s32 $0x1A800;
	[sflag:s7] =	ssyncadd.s32 @!p0 $0xFFFFE000  }
0xd5: {  	[tilespmem:s22], [sflag:$0x8] =	stream.indirect.gather [hbm4b:s4+s24], $0x40, s19, s24, $0xb8;
	[tilespmem:$0x1C800] =	vst v63  }
0xd6: {  	s24 =	simm.s32 $0x2  }
0xd7: {  	_ =	swait.ge [sflag:s24], $0x2000  }
0xd8: {  	[sflag:s24] =	ssyncset.done $0x0  }
0xd9: {  	[sflag:s24] =	ssyncadd.s32 $0xFFFFE000;
	s24 =	simm.s32 $0x0  }
0xda: {  	v1 =	vld.idx.msk [tilespmem:v0+s24+$0x1C0 ss:$0x1], $0xffff  }
0xdb: {  	v2 =	vld.idx.msk [tilespmem:v0+s24+$0x0 ss:$0x1], $0xffff  }
0xdc: {  	v3 =	vld.idx.msk [tilespmem:v0+s24+$0x40 ss:$0x1], $0xffff  }
0xdd: {  	v4 =	vld.idx.msk [tilespmem:v0+s24+$0x80 ss:$0x1], $0xffff  }
0xde: {  	v5 =	vld.idx.msk [tilespmem:v0+s24+$0xC0 ss:$0x1], $0xffff  }
0xdf: {  	v6 =	vld.idx.msk [tilespmem:v0+s24+$0x100 ss:$0x1], $0xffff  }
0xe0: {  	v7 =	vld.idx.msk [tilespmem:v0+s24+$0x140 ss:$0x1], $0xffff  }
0xe1: {  	v8 =	vld.idx.msk [tilespmem:v0+s24+$0x180 ss:$0x1], $0xffff  }
0xe2: {  	[tilespmem:s24+$0xE9C0] =	vst.add.f32.msk $0xffff, v1  }
0xe3: {  	[tilespmem:s24+$0xE800] =	vst.add.f32.msk $0xffff, v2  }
0xe4: {  	[tilespmem:s24+$0xE840] =	vst.add.f32.msk $0xffff, v3  }
0xe5: {  	[tilespmem:s24+$0xE880] =	vst.add.f32.msk $0xffff, v4  }
0xe6: {  	[tilespmem:s24+$0xE8C0] =	vst.add.f32.msk $0xffff, v5  }
0xe7: {  	[tilespmem:s24+$0xE900] =	vst.add.f32.msk $0xffff, v6  }
0xe8: {  	[tilespmem:s24+$0xE940] =	vst.add.f32.msk $0xffff, v7  }
0xe9: {  	[tilespmem:s24+$0xE980] =	vst.add.f32.msk $0xffff, v8  }
0xea: {  	v1 =	vld.idx.msk [tilespmem:v0+s24+$0x1D0 ss:$0x1], $0xffff  }
0xeb: {  	v2 =	vld.idx.msk [tilespmem:v0+s24+$0x10 ss:$0x1], $0xffff  }
0xec: {  	v3 =	vld.idx.msk [tilespmem:v0+s24+$0x50 ss:$0x1], $0xffff  }
0xed: {  	v4 =	vld.idx.msk [tilespmem:v0+s24+$0x90 ss:$0x1], $0xffff  }
0xee: {  	v5 =	vld.idx.msk [tilespmem:v0+s24+$0xD0 ss:$0x1], $0xffff  }
0xef: {  	v6 =	vld.idx.msk [tilespmem:v0+s24+$0x110 ss:$0x1], $0xffff  }
0xf0: {  	v7 =	vld.idx.msk [tilespmem:v0+s24+$0x150 ss:$0x1], $0xffff  }
0xf1: {  	[tilespmem:s24+$0xE9D0] =	vst.add.f32.msk $0xffff, v1  }
0xf2: {  	[tilespmem:s24+$0xE810] =	vst.add.f32.msk $0xffff, v2  }
0xf3: {  	[tilespmem:s24+$0xE850] =	vst.add.f32.msk $0xffff, v3  }
0xf4: {  	[tilespmem:s24+$0xE890] =	vst.add.f32.msk $0xffff, v4  }
0xf5: {  	[tilespmem:s24+$0xE8D0] =	vst.add.f32.msk $0xffff, v5  }
0xf6: {  	[tilespmem:s24+$0xE910] =	vst.add.f32.msk $0xffff, v6  }
0xf7: {  	[tilespmem:s24+$0xE950] =	vst.add.f32.msk $0xffff, v7  }
0xf8: {  	v1 =	vld.idx.msk [tilespmem:v0+s24+$0x1E0 ss:$0x1], $0xffff  }
0xf9: {  	v2 =	vld.idx.msk [tilespmem:v0+s24+$0x60 ss:$0x1], $0xffff  }
0xfa: {  	v3 =	vld.idx.msk [tilespmem:v0+s24+$0xA0 ss:$0x1], $0xffff  }
0xfb: {  	v56 =	vld.idx.msk [tilespmem:v0+s24+$0xE0 ss:$0x1], $0xffff  }
0xfc: {  	v57 =	vld.idx.msk [tilespmem:v0+s24+$0x120 ss:$0x1], $0xffff  }
0xfd: {  	v58 =	vld.idx.msk [tilespmem:v0+s24+$0x160 ss:$0x1], $0xffff  }
0xfe: {  	[tilespmem:s24+$0xE9E0] =	vst.add.f32.msk $0xffff, v1  }
0xff: {  	[tilespmem:s24+$0xE860] =	vst.add.f32.msk $0xffff, v2  }
0x100: {  	v1 =	vld.idx.msk [tilespmem:v0+s24+$0x1F0 ss:$0x1], $0xffff  }
0x101: {  	[tilespmem:s24+$0xE8A0] =	vst.add.f32.msk $0xffff, v3  }
0x102: {  	[tilespmem:s24+$0xE8E0] =	vst.add.f32.msk $0xffff, v56  }
0x103: {  	[tilespmem:s24+$0xE920] =	vst.add.f32.msk $0xffff, v57  }
0x104: {  	[tilespmem:s24+$0xE960] =	vst.add.f32.msk $0xffff, v58  }
0x105: {  	[tilespmem:s24+$0xE9F0] =	vst.add.f32.msk $0xffff, v1  }
0x106: {  	v1 =	vld.idx.msk [tilespmem:v0+s24+$0x190 ss:$0x1], $0xffff  }
0x107: {  	v3 =	vld.idx.msk [tilespmem:v0+s24+$0x70 ss:$0x1], $0xffff  }
0x108: {  	v60 =	vld.idx.msk [tilespmem:v0+s24+$0xB0 ss:$0x1], $0xffff  }
0x109: {  	v61 =	vld.idx.msk [tilespmem:v0+s24+$0xF0 ss:$0x1], $0xffff  }
0x10a: {  	v62 =	vld.idx.msk [tilespmem:v0+s24+$0x130 ss:$0x1], $0xffff  }
0x10b: {  	[tilespmem:s24+$0xE990] =	vst.add.f32.msk $0xffff, v1  }
0x10c: {  	v1 =	vld.idx.msk [tilespmem:v0+s24+$0x20 ss:$0x1], $0xffff  }
0x10d: {  	v59 =	vld.idx.msk [tilespmem:v0+s24+$0x1A0 ss:$0x1], $0xffff  }
0x10e: {  	v63 =	vld.idx.msk [tilespmem:v0+s24+$0x170 ss:$0x1], $0xffff  }
0x10f: {  	[tilespmem:s24+$0xE870] =	vst.add.f32.msk $0xffff, v3  }
0x110: {  	[tilespmem:s24+$0xE8B0] =	vst.add.f32.msk $0xffff, v60  }
0x111: {  	[tilespmem:s24+$0xE820] =	vst.add.f32.msk $0xffff, v1  }
0x112: {  	[tilespmem:s24+$0xE9A0] =	vst.add.f32.msk $0xffff, v59  }
0x113: {  	v2 =	vld.idx.msk [tilespmem:v0+s24+$0x30 ss:$0x1], $0xffff  }
0x114: {  	v1 =	vld.idx.msk [tilespmem:v0+s24+$0x1B0 ss:$0x1], $0xffff  }
0x115: {  	[tilespmem:s24+$0xE8F0] =	vst.add.f32.msk $0xffff, v61  }
0x116: {  	[tilespmem:s24+$0xE930] =	vst.add.f32.msk $0xffff, v62  }
0x117: {  	[tilespmem:s24+$0xE970] =	vst.add.f32.msk $0xffff, v63  }
0x118: {  	s7 =	sor.u32 $0x1, s23;
	s19 =	simm.s32 $0x0;
	s22 =	simm.s32 $0x800;
	[tilespmem:s24+$0xE830] =	vst.add.f32.msk $0xffff, v2  }
.LBB2_5:
0x119: {  	s19 =	sadd.s32 $0x8, s19;
	[tilespmem:s24+$0xE9B0] =	vst.add.f32.msk $0xffff, v1;
	s24 =	sshra.s32 s22, $0x2  }
0x11a: {  	v1 =	vld.idx.msk [tilespmem:v0+s24+$0x1C0 ss:$0x1], $0xffff;
	p0 =	slt.u32 s19, $0x78  }
0x11b: {  	v2 =	vld.idx.msk [tilespmem:v0+s24+$0x0 ss:$0x1], $0xffff  }
0x11c: {  	v3 =	vld.idx.msk [tilespmem:v0+s24+$0x40 ss:$0x1], $0xffff  }
0x11d: {  	v4 =	vld.idx.msk [tilespmem:v0+s24+$0x80 ss:$0x1], $0xffff  }
0x11e: {  	v5 =	vld.idx.msk [tilespmem:v0+s24+$0xC0 ss:$0x1], $0xffff  }
0x11f: {  	v6 =	vld.idx.msk [tilespmem:v0+s24+$0x100 ss:$0x1], $0xffff  }
0x120: {  	[tilespmem:s24+$0xE9C0] =	vst.add.f32.msk $0xffff, v1  }
0x121: {  	v1 =	vld.idx.msk [tilespmem:v0+s24+$0x1D0 ss:$0x1], $0xffff  }
0x122: {  	v7 =	vld.idx.msk [tilespmem:v0+s24+$0x140 ss:$0x1], $0xffff  }
0x123: {  	v8 =	vld.idx.msk [tilespmem:v0+s24+$0x180 ss:$0x1], $0xffff  }
0x124: {  	[tilespmem:s24+$0xE800] =	vst.add.f32.msk $0xffff, v2  }
0x125: {  	[tilespmem:s24+$0xE840] =	vst.add.f32.msk $0xffff, v3  }
0x126: {  	[tilespmem:s24+$0xE880] =	vst.add.f32.msk $0xffff, v4  }
0x127: {  	[tilespmem:s24+$0xE9D0] =	vst.add.f32.msk $0xffff, v1  }
0x128: {  	v1 =	vld.idx.msk [tilespmem:v0+s24+$0x1E0 ss:$0x1], $0xffff  }
0x129: {  	[tilespmem:s24+$0xE8C0] =	vst.add.f32.msk $0xffff, v5  }
0x12a: {  	[tilespmem:s24+$0xE900] =	vst.add.f32.msk $0xffff, v6  }
0x12b: {  	[tilespmem:s24+$0xE940] =	vst.add.f32.msk $0xffff, v7  }
0x12c: {  	[tilespmem:s24+$0xE980] =	vst.add.f32.msk $0xffff, v8  }
0x12d: {  	v2 =	vld.idx.msk [tilespmem:v0+s24+$0x10 ss:$0x1], $0xffff  }
0x12e: {  	[tilespmem:s24+$0xE9E0] =	vst.add.f32.msk $0xffff, v1  }
0x12f: {  	v1 =	vld.idx.msk [tilespmem:v0+s24+$0x1F0 ss:$0x1], $0xffff  }
0x130: {  	v3 =	vld.idx.msk [tilespmem:v0+s24+$0x50 ss:$0x1], $0xffff  }
0x131: {  	v4 =	vld.idx.msk [tilespmem:v0+s24+$0x90 ss:$0x1], $0xffff  }
0x132: {  	v5 =	vld.idx.msk [tilespmem:v0+s24+$0xD0 ss:$0x1], $0xffff  }
0x133: {  	v6 =	vld.idx.msk [tilespmem:v0+s24+$0x110 ss:$0x1], $0xffff  }
0x134: {  	v7 =	vld.idx.msk [tilespmem:v0+s24+$0x150 ss:$0x1], $0xffff  }
0x135: {  	[tilespmem:s24+$0xE9F0] =	vst.add.f32.msk $0xffff, v1  }
0x136: {  	v1 =	vld.idx.msk [tilespmem:v0+s24+$0x190 ss:$0x1], $0xffff  }
0x137: {  	[tilespmem:s24+$0xE810] =	vst.add.f32.msk $0xffff, v2  }
0x138: {  	[tilespmem:s24+$0xE850] =	vst.add.f32.msk $0xffff, v3  }
0x139: {  	[tilespmem:s24+$0xE890] =	vst.add.f32.msk $0xffff, v4  }
0x13a: {  	[tilespmem:s24+$0xE8D0] =	vst.add.f32.msk $0xffff, v5  }
0x13b: {  	[tilespmem:s24+$0xE910] =	vst.add.f32.msk $0xffff, v6  }
0x13c: {  	[tilespmem:s24+$0xE950] =	vst.add.f32.msk $0xffff, v7  }
0x13d: {  	[tilespmem:s24+$0xE990] =	vst.add.f32.msk $0xffff, v1  }
0x13e: {  	v1 =	vld.idx.msk [tilespmem:v0+s24+$0x20 ss:$0x1], $0xffff  }
0x13f: {  	v2 =	vld.idx.msk [tilespmem:v0+s24+$0x60 ss:$0x1], $0xffff  }
0x140: {  	v3 =	vld.idx.msk [tilespmem:v0+s24+$0xA0 ss:$0x1], $0xffff  }
0x141: {  	v4 =	vld.idx.msk [tilespmem:v0+s24+$0xE0 ss:$0x1], $0xffff  }
0x142: {  	v5 =	vld.idx.msk [tilespmem:v0+s24+$0x120 ss:$0x1], $0xffff  }
0x143: {  	v6 =	vld.idx.msk [tilespmem:v0+s24+$0x160 ss:$0x1], $0xffff  }
0x144: {  	v7 =	vld.idx.msk [tilespmem:v0+s24+$0x1A0 ss:$0x1], $0xffff  }
0x145: {  	[tilespmem:s24+$0xE820] =	vst.add.f32.msk $0xffff, v1  }
0x146: {  	[tilespmem:s24+$0xE860] =	vst.add.f32.msk $0xffff, v2  }
0x147: {  	[tilespmem:s24+$0xE8A0] =	vst.add.f32.msk $0xffff, v3  }
0x148: {  	[tilespmem:s24+$0xE8E0] =	vst.add.f32.msk $0xffff, v4  }
0x149: {  	[tilespmem:s24+$0xE920] =	vst.add.f32.msk $0xffff, v5  }
0x14a: {  	[tilespmem:s24+$0xE960] =	vst.add.f32.msk $0xffff, v6  }
0x14b: {  	[tilespmem:s24+$0xE9A0] =	vst.add.f32.msk $0xffff, v7  }
0x14c: {  	v2 =	vld.idx.msk [tilespmem:v0+s24+$0x30 ss:$0x1], $0xffff  }
0x14d: {  	v3 =	vld.idx.msk [tilespmem:v0+s24+$0x70 ss:$0x1], $0xffff  }
0x14e: {  	v4 =	vld.idx.msk [tilespmem:v0+s24+$0xB0 ss:$0x1], $0xffff  }
0x14f: {  	v5 =	vld.idx.msk [tilespmem:v0+s24+$0xF0 ss:$0x1], $0xffff  }
0x150: {  	v6 =	vld.idx.msk [tilespmem:v0+s24+$0x130 ss:$0x1], $0xffff  }
0x151: {  	v7 =	vld.idx.msk [tilespmem:v0+s24+$0x170 ss:$0x1], $0xffff  }
0x152: {  	v1 =	vld.idx.msk [tilespmem:v0+s24+$0x1B0 ss:$0x1], $0xffff  }
0x153: {  	[tilespmem:s24+$0xE830] =	vst.add.f32.msk $0xffff, v2  }
.Ltmp3:
0x154: {  	[tilespmem:s24+$0xE870] =	vst.add.f32.msk $0xffff, v3;
	(pc) =	sbr.rel @p0 .LBB2_5-.Ltmp3, $4  }
0x155: {  	[tilespmem:s24+$0xE8B0] =	vst.add.f32.msk $0xffff, v4  }
0x156: {  	[tilespmem:s24+$0xE8F0] =	vst.add.f32.msk $0xffff, v5  }
0x157: {  	[tilespmem:s24+$0xE930] =	vst.add.f32.msk $0xffff, v6  }
0x158: {  	s22 =	sadd.s32 $0x800, s22;
	[tilespmem:s24+$0xE970] =	vst.add.f32.msk $0xffff, v7  }
0x159: {  	s7 =	sadd.s32 s6, s7  }
0x15a: {  	s7 =	sshll.u32 s7, $0xA  }
0x15b: {  	s7 =	sand.u32 $0x1FFFE400, s7  }
0x15c: {  	[tilespmem:s24+$0xE9B0] =	vst.add.f32.msk $0xffff, v1;
	s19 =	simm.s32 $0xE800;
	p0 =	seq.s32 s21, $0x18;
	s7 =	sadd.s32 s2, s7  }
0x15d: {  	[hbm4b:s7+s3] =	stream.linear.scatter [tilespmem:s19], [sflag:$0xA], $0x2000, $0x38;
	[tilespmem:$0x1C800] =	vst v63  }
0x15e: {  	s7 =	simm.s32 @!p0 $0x9  }
0x15f: {  	s19 =	sshll.u32 @!p0 s21, $0xA;
	_ =	swait.ge @!p0 [sflag:s7], $0x2000  }
0x160: {  	s22 =	simm.s32 @!p0 $0xC800;
	s24 =	sand.u32 @!p0 $0x3FFFFC00, s19;
	[sflag:s7] =	ssyncset.done @!p0 $0x0  }
0x161: {  	s19 =	simm.s32 @!p0 $0x80;
	[sflag:s7] =	ssyncadd.s32 @!p0 $0xFFFFE000;
	s7 =	sadd.s32 @!p0 $0x400, s24  }
0x162: {  	v0 =	vmov s29;
	[tilespmem:s22], [sflag:$0x1] =	stream.indirect.gather @!p0 [hbm4b:s4+s19], $0x40, s7, s19, $0xb8;
	[tilespmem:$0x1C800] =	vst v63  }
0x163: {  	s22 =	simm.s32 $0x3  }
0x164: {  	_ =	swait.ge [sflag:s22], $0x2000  }
0x165: {  	[sflag:s22] =	ssyncset.done $0x0  }
0x166: {  	s29 =	simm.s32 $0x0;
	[sflag:s22] =	ssyncadd.s32 $0xFFFFE000  }
0x167: {  	v1 =	vld.idx.msk [tilespmem:v0+s29+$0x1C0 ss:$0x1], $0xffff  }
0x168: {  	v2 =	vld.idx.msk [tilespmem:v0+s29+$0x0 ss:$0x1], $0xffff  }
0x169: {  	v3 =	vld.idx.msk [tilespmem:v0+s29+$0x40 ss:$0x1], $0xffff  }
0x16a: {  	v4 =	vld.idx.msk [tilespmem:v0+s29+$0x80 ss:$0x1], $0xffff  }
0x16b: {  	v5 =	vld.idx.msk [tilespmem:v0+s29+$0xC0 ss:$0x1], $0xffff  }
0x16c: {  	v6 =	vld.idx.msk [tilespmem:v0+s29+$0x100 ss:$0x1], $0xffff  }
0x16d: {  	v7 =	vld.idx.msk [tilespmem:v0+s29+$0x140 ss:$0x1], $0xffff  }
0x16e: {  	v8 =	vld.idx.msk [tilespmem:v0+s29+$0x180 ss:$0x1], $0xffff  }
0x16f: {  	[tilespmem:s29+$0x109C0] =	vst.add.f32.msk $0xffff, v1  }
0x170: {  	[tilespmem:s29+$0x10800] =	vst.add.f32.msk $0xffff, v2  }
0x171: {  	[tilespmem:s29+$0x10840] =	vst.add.f32.msk $0xffff, v3  }
0x172: {  	[tilespmem:s29+$0x10880] =	vst.add.f32.msk $0xffff, v4  }
0x173: {  	[tilespmem:s29+$0x108C0] =	vst.add.f32.msk $0xffff, v5  }
0x174: {  	[tilespmem:s29+$0x10900] =	vst.add.f32.msk $0xffff, v6  }
0x175: {  	[tilespmem:s29+$0x10940] =	vst.add.f32.msk $0xffff, v7  }
0x176: {  	[tilespmem:s29+$0x10980] =	vst.add.f32.msk $0xffff, v8  }
0x177: {  	v1 =	vld.idx.msk [tilespmem:v0+s29+$0x1D0 ss:$0x1], $0xffff  }
0x178: {  	v2 =	vld.idx.msk [tilespmem:v0+s29+$0x10 ss:$0x1], $0xffff  }
0x179: {  	v3 =	vld.idx.msk [tilespmem:v0+s29+$0x50 ss:$0x1], $0xffff  }
0x17a: {  	v4 =	vld.idx.msk [tilespmem:v0+s29+$0x90 ss:$0x1], $0xffff  }
0x17b: {  	v5 =	vld.idx.msk [tilespmem:v0+s29+$0xD0 ss:$0x1], $0xffff  }
0x17c: {  	v6 =	vld.idx.msk [tilespmem:v0+s29+$0x110 ss:$0x1], $0xffff  }
0x17d: {  	v7 =	vld.idx.msk [tilespmem:v0+s29+$0x150 ss:$0x1], $0xffff  }
0x17e: {  	[tilespmem:s29+$0x109D0] =	vst.add.f32.msk $0xffff, v1  }
0x17f: {  	[tilespmem:s29+$0x10810] =	vst.add.f32.msk $0xffff, v2  }
0x180: {  	[tilespmem:s29+$0x10850] =	vst.add.f32.msk $0xffff, v3  }
0x181: {  	[tilespmem:s29+$0x10890] =	vst.add.f32.msk $0xffff, v4  }
0x182: {  	[tilespmem:s29+$0x108D0] =	vst.add.f32.msk $0xffff, v5  }
0x183: {  	[tilespmem:s29+$0x10910] =	vst.add.f32.msk $0xffff, v6  }
0x184: {  	[tilespmem:s29+$0x10950] =	vst.add.f32.msk $0xffff, v7  }
0x185: {  	v1 =	vld.idx.msk [tilespmem:v0+s29+$0x1E0 ss:$0x1], $0xffff  }
0x186: {  	v2 =	vld.idx.msk [tilespmem:v0+s29+$0x60 ss:$0x1], $0xffff  }
0x187: {  	v3 =	vld.idx.msk [tilespmem:v0+s29+$0xA0 ss:$0x1], $0xffff  }
0x188: {  	v56 =	vld.idx.msk [tilespmem:v0+s29+$0xE0 ss:$0x1], $0xffff  }
0x189: {  	v57 =	vld.idx.msk [tilespmem:v0+s29+$0x120 ss:$0x1], $0xffff  }
0x18a: {  	v58 =	vld.idx.msk [tilespmem:v0+s29+$0x160 ss:$0x1], $0xffff  }
0x18b: {  	[tilespmem:s29+$0x109E0] =	vst.add.f32.msk $0xffff, v1  }
0x18c: {  	[tilespmem:s29+$0x10860] =	vst.add.f32.msk $0xffff, v2  }
0x18d: {  	v1 =	vld.idx.msk [tilespmem:v0+s29+$0x1F0 ss:$0x1], $0xffff  }
0x18e: {  	[tilespmem:s29+$0x108A0] =	vst.add.f32.msk $0xffff, v3  }
0x18f: {  	[tilespmem:s29+$0x108E0] =	vst.add.f32.msk $0xffff, v56  }
0x190: {  	[tilespmem:s29+$0x10920] =	vst.add.f32.msk $0xffff, v57  }
0x191: {  	[tilespmem:s29+$0x10960] =	vst.add.f32.msk $0xffff, v58  }
0x192: {  	[tilespmem:s29+$0x109F0] =	vst.add.f32.msk $0xffff, v1  }
0x193: {  	v1 =	vld.idx.msk [tilespmem:v0+s29+$0x190 ss:$0x1], $0xffff  }
0x194: {  	v3 =	vld.idx.msk [tilespmem:v0+s29+$0x70 ss:$0x1], $0xffff  }
0x195: {  	v60 =	vld.idx.msk [tilespmem:v0+s29+$0xB0 ss:$0x1], $0xffff  }
0x196: {  	v61 =	vld.idx.msk [tilespmem:v0+s29+$0xF0 ss:$0x1], $0xffff  }
0x197: {  	v62 =	vld.idx.msk [tilespmem:v0+s29+$0x130 ss:$0x1], $0xffff  }
0x198: {  	[tilespmem:s29+$0x10990] =	vst.add.f32.msk $0xffff, v1  }
0x199: {  	v1 =	vld.idx.msk [tilespmem:v0+s29+$0x20 ss:$0x1], $0xffff  }
0x19a: {  	v59 =	vld.idx.msk [tilespmem:v0+s29+$0x1A0 ss:$0x1], $0xffff  }
0x19b: {  	v63 =	vld.idx.msk [tilespmem:v0+s29+$0x170 ss:$0x1], $0xffff  }
0x19c: {  	[tilespmem:s29+$0x10870] =	vst.add.f32.msk $0xffff, v3  }
0x19d: {  	[tilespmem:s29+$0x108B0] =	vst.add.f32.msk $0xffff, v60  }
0x19e: {  	[tilespmem:s29+$0x10820] =	vst.add.f32.msk $0xffff, v1  }
0x19f: {  	[tilespmem:s29+$0x109A0] =	vst.add.f32.msk $0xffff, v59  }
0x1a0: {  	v2 =	vld.idx.msk [tilespmem:v0+s29+$0x30 ss:$0x1], $0xffff  }
0x1a1: {  	v1 =	vld.idx.msk [tilespmem:v0+s29+$0x1B0 ss:$0x1], $0xffff  }
0x1a2: {  	[tilespmem:s29+$0x108F0] =	vst.add.f32.msk $0xffff, v61  }
0x1a3: {  	[tilespmem:s29+$0x10930] =	vst.add.f32.msk $0xffff, v62  }
0x1a4: {  	[tilespmem:s29+$0x10970] =	vst.add.f32.msk $0xffff, v63  }
0x1a5: {  	s7 =	sor.u32 $0x2, s23;
	s19 =	simm.s32 $0x0;
	s22 =	simm.s32 $0x800;
	[tilespmem:s29+$0x10830] =	vst.add.f32.msk $0xffff, v2  }
.LBB2_7:
0x1a6: {  	s19 =	sadd.s32 $0x8, s19;
	[tilespmem:s29+$0x109B0] =	vst.add.f32.msk $0xffff, v1;
	s29 =	sshra.s32 s22, $0x2  }
0x1a7: {  	v1 =	vld.idx.msk [tilespmem:v0+s29+$0x1C0 ss:$0x1], $0xffff;
	p1 =	slt.u32 s19, $0x78  }
0x1a8: {  	v2 =	vld.idx.msk [tilespmem:v0+s29+$0x0 ss:$0x1], $0xffff  }
0x1a9: {  	v3 =	vld.idx.msk [tilespmem:v0+s29+$0x40 ss:$0x1], $0xffff  }
0x1aa: {  	v4 =	vld.idx.msk [tilespmem:v0+s29+$0x80 ss:$0x1], $0xffff  }
0x1ab: {  	v5 =	vld.idx.msk [tilespmem:v0+s29+$0xC0 ss:$0x1], $0xffff  }
0x1ac: {  	v6 =	vld.idx.msk [tilespmem:v0+s29+$0x100 ss:$0x1], $0xffff  }
0x1ad: {  	[tilespmem:s29+$0x109C0] =	vst.add.f32.msk $0xffff, v1  }
0x1ae: {  	v1 =	vld.idx.msk [tilespmem:v0+s29+$0x1D0 ss:$0x1], $0xffff  }
0x1af: {  	v7 =	vld.idx.msk [tilespmem:v0+s29+$0x140 ss:$0x1], $0xffff  }
0x1b0: {  	v8 =	vld.idx.msk [tilespmem:v0+s29+$0x180 ss:$0x1], $0xffff  }
0x1b1: {  	[tilespmem:s29+$0x10800] =	vst.add.f32.msk $0xffff, v2  }
0x1b2: {  	[tilespmem:s29+$0x10840] =	vst.add.f32.msk $0xffff, v3  }
0x1b3: {  	[tilespmem:s29+$0x10880] =	vst.add.f32.msk $0xffff, v4  }
0x1b4: {  	[tilespmem:s29+$0x109D0] =	vst.add.f32.msk $0xffff, v1  }
0x1b5: {  	v1 =	vld.idx.msk [tilespmem:v0+s29+$0x1E0 ss:$0x1], $0xffff  }
0x1b6: {  	[tilespmem:s29+$0x108C0] =	vst.add.f32.msk $0xffff, v5  }
0x1b7: {  	[tilespmem:s29+$0x10900] =	vst.add.f32.msk $0xffff, v6  }
0x1b8: {  	[tilespmem:s29+$0x10940] =	vst.add.f32.msk $0xffff, v7  }
0x1b9: {  	[tilespmem:s29+$0x10980] =	vst.add.f32.msk $0xffff, v8  }
0x1ba: {  	v2 =	vld.idx.msk [tilespmem:v0+s29+$0x10 ss:$0x1], $0xffff  }
0x1bb: {  	[tilespmem:s29+$0x109E0] =	vst.add.f32.msk $0xffff, v1  }
0x1bc: {  	v1 =	vld.idx.msk [tilespmem:v0+s29+$0x1F0 ss:$0x1], $0xffff  }
0x1bd: {  	v3 =	vld.idx.msk [tilespmem:v0+s29+$0x50 ss:$0x1], $0xffff  }
0x1be: {  	v4 =	vld.idx.msk [tilespmem:v0+s29+$0x90 ss:$0x1], $0xffff  }
0x1bf: {  	v5 =	vld.idx.msk [tilespmem:v0+s29+$0xD0 ss:$0x1], $0xffff  }
0x1c0: {  	v6 =	vld.idx.msk [tilespmem:v0+s29+$0x110 ss:$0x1], $0xffff  }
0x1c1: {  	v7 =	vld.idx.msk [tilespmem:v0+s29+$0x150 ss:$0x1], $0xffff  }
0x1c2: {  	[tilespmem:s29+$0x109F0] =	vst.add.f32.msk $0xffff, v1  }
0x1c3: {  	v1 =	vld.idx.msk [tilespmem:v0+s29+$0x190 ss:$0x1], $0xffff  }
0x1c4: {  	[tilespmem:s29+$0x10810] =	vst.add.f32.msk $0xffff, v2  }
0x1c5: {  	[tilespmem:s29+$0x10850] =	vst.add.f32.msk $0xffff, v3  }
0x1c6: {  	[tilespmem:s29+$0x10890] =	vst.add.f32.msk $0xffff, v4  }
0x1c7: {  	[tilespmem:s29+$0x108D0] =	vst.add.f32.msk $0xffff, v5  }
0x1c8: {  	[tilespmem:s29+$0x10910] =	vst.add.f32.msk $0xffff, v6  }
0x1c9: {  	[tilespmem:s29+$0x10950] =	vst.add.f32.msk $0xffff, v7  }
0x1ca: {  	[tilespmem:s29+$0x10990] =	vst.add.f32.msk $0xffff, v1  }
0x1cb: {  	v1 =	vld.idx.msk [tilespmem:v0+s29+$0x20 ss:$0x1], $0xffff  }
0x1cc: {  	v2 =	vld.idx.msk [tilespmem:v0+s29+$0x60 ss:$0x1], $0xffff  }
0x1cd: {  	v3 =	vld.idx.msk [tilespmem:v0+s29+$0xA0 ss:$0x1], $0xffff  }
0x1ce: {  	v4 =	vld.idx.msk [tilespmem:v0+s29+$0xE0 ss:$0x1], $0xffff  }
0x1cf: {  	v5 =	vld.idx.msk [tilespmem:v0+s29+$0x120 ss:$0x1], $0xffff  }
0x1d0: {  	v6 =	vld.idx.msk [tilespmem:v0+s29+$0x160 ss:$0x1], $0xffff  }
0x1d1: {  	v7 =	vld.idx.msk [tilespmem:v0+s29+$0x1A0 ss:$0x1], $0xffff  }
0x1d2: {  	[tilespmem:s29+$0x10820] =	vst.add.f32.msk $0xffff, v1  }
0x1d3: {  	[tilespmem:s29+$0x10860] =	vst.add.f32.msk $0xffff, v2  }
0x1d4: {  	[tilespmem:s29+$0x108A0] =	vst.add.f32.msk $0xffff, v3  }
0x1d5: {  	[tilespmem:s29+$0x108E0] =	vst.add.f32.msk $0xffff, v4  }
0x1d6: {  	[tilespmem:s29+$0x10920] =	vst.add.f32.msk $0xffff, v5  }
0x1d7: {  	[tilespmem:s29+$0x10960] =	vst.add.f32.msk $0xffff, v6  }
0x1d8: {  	[tilespmem:s29+$0x109A0] =	vst.add.f32.msk $0xffff, v7  }
0x1d9: {  	v2 =	vld.idx.msk [tilespmem:v0+s29+$0x30 ss:$0x1], $0xffff  }
0x1da: {  	v3 =	vld.idx.msk [tilespmem:v0+s29+$0x70 ss:$0x1], $0xffff  }
0x1db: {  	v4 =	vld.idx.msk [tilespmem:v0+s29+$0xB0 ss:$0x1], $0xffff  }
0x1dc: {  	v5 =	vld.idx.msk [tilespmem:v0+s29+$0xF0 ss:$0x1], $0xffff  }
0x1dd: {  	v6 =	vld.idx.msk [tilespmem:v0+s29+$0x130 ss:$0x1], $0xffff  }
0x1de: {  	v7 =	vld.idx.msk [tilespmem:v0+s29+$0x170 ss:$0x1], $0xffff  }
0x1df: {  	v1 =	vld.idx.msk [tilespmem:v0+s29+$0x1B0 ss:$0x1], $0xffff  }
0x1e0: {  	[tilespmem:s29+$0x10830] =	vst.add.f32.msk $0xffff, v2  }
.Ltmp4:
0x1e1: {  	[tilespmem:s29+$0x10870] =	vst.add.f32.msk $0xffff, v3;
	(pc) =	sbr.rel @p1 .LBB2_7-.Ltmp4, $4  }
0x1e2: {  	[tilespmem:s29+$0x108B0] =	vst.add.f32.msk $0xffff, v4  }
0x1e3: {  	[tilespmem:s29+$0x108F0] =	vst.add.f32.msk $0xffff, v5  }
0x1e4: {  	[tilespmem:s29+$0x10930] =	vst.add.f32.msk $0xffff, v6  }
0x1e5: {  	s22 =	sadd.s32 $0x800, s22;
	[tilespmem:s29+$0x10970] =	vst.add.f32.msk $0xffff, v7  }
0x1e6: {  	s7 =	sadd.s32 s6, s7  }
0x1e7: {  	s7 =	sshll.u32 s7, $0xA  }
0x1e8: {  	s7 =	sand.u32 $0x1FFFE800, s7  }
0x1e9: {  	[tilespmem:s29+$0x109B0] =	vst.add.f32.msk $0xffff, v1;
	s19 =	simm.s32 $0x10800;
	s7 =	sadd.s32 s2, s7  }
0x1ea: {  	[hbm4b:s7+s3] =	stream.linear.scatter [tilespmem:s19], [sflag:$0xB], $0x2000, $0x38;
	[tilespmem:$0x1C800] =	vst v63  }
0x1eb: {  	s7 =	simm.s32 @!p0 $0xA  }
0x1ec: {  	_ =	swait.ge @!p0 [sflag:s7], $0x2000  }
0x1ed: {  	s22 =	simm.s32 @!p0 $0xE800;
	s29 =	simm.s32 $0x4;
	[sflag:s7] =	ssyncset.done @!p0 $0x0  }
0x1ee: {  	v0 =	vmov s28;
	s19 =	simm.s32 @!p0 $0x80;
	[sflag:s7] =	ssyncadd.s32 @!p0 $0xFFFFE000;
	s7 =	sadd.s32 @!p0 $0x480, s24  }
0x1ef: {  	[tilespmem:s22], [sflag:$0x2] =	stream.indirect.gather @!p0 [hbm4b:s4+s19], $0x40, s7, s19, $0xb8;
	[tilespmem:$0x1C800] =	vst v63  }
0x1f0: {  	_ =	swait.ge [sflag:s29], $0x2000  }
0x1f1: {  	[sflag:s29] =	ssyncset.done $0x0  }
0x1f2: {  	s28 =	simm.s32 $0x0;
	[sflag:s29] =	ssyncadd.s32 $0xFFFFE000  }
0x1f3: {  	v1 =	vld.idx.msk [tilespmem:v0+s28+$0x1C0 ss:$0x1], $0xffff  }
0x1f4: {  	v2 =	vld.idx.msk [tilespmem:v0+s28+$0x0 ss:$0x1], $0xffff  }
0x1f5: {  	v3 =	vld.idx.msk [tilespmem:v0+s28+$0x40 ss:$0x1], $0xffff  }
0x1f6: {  	v4 =	vld.idx.msk [tilespmem:v0+s28+$0x80 ss:$0x1], $0xffff  }
0x1f7: {  	v5 =	vld.idx.msk [tilespmem:v0+s28+$0xC0 ss:$0x1], $0xffff  }
0x1f8: {  	v6 =	vld.idx.msk [tilespmem:v0+s28+$0x100 ss:$0x1], $0xffff  }
0x1f9: {  	v7 =	vld.idx.msk [tilespmem:v0+s28+$0x140 ss:$0x1], $0xffff  }
0x1fa: {  	v8 =	vld.idx.msk [tilespmem:v0+s28+$0x180 ss:$0x1], $0xffff  }
0x1fb: {  	[tilespmem:s28+$0x129C0] =	vst.add.f32.msk $0xffff, v1  }
0x1fc: {  	[tilespmem:s28+$0x12800] =	vst.add.f32.msk $0xffff, v2  }
0x1fd: {  	[tilespmem:s28+$0x12840] =	vst.add.f32.msk $0xffff, v3  }
0x1fe: {  	[tilespmem:s28+$0x12880] =	vst.add.f32.msk $0xffff, v4  }
0x1ff: {  	[tilespmem:s28+$0x128C0] =	vst.add.f32.msk $0xffff, v5  }
0x200: {  	[tilespmem:s28+$0x12900] =	vst.add.f32.msk $0xffff, v6  }
0x201: {  	[tilespmem:s28+$0x12940] =	vst.add.f32.msk $0xffff, v7  }
0x202: {  	[tilespmem:s28+$0x12980] =	vst.add.f32.msk $0xffff, v8  }
0x203: {  	v1 =	vld.idx.msk [tilespmem:v0+s28+$0x1D0 ss:$0x1], $0xffff  }
0x204: {  	v2 =	vld.idx.msk [tilespmem:v0+s28+$0x10 ss:$0x1], $0xffff  }
0x205: {  	v3 =	vld.idx.msk [tilespmem:v0+s28+$0x50 ss:$0x1], $0xffff  }
0x206: {  	v4 =	vld.idx.msk [tilespmem:v0+s28+$0x90 ss:$0x1], $0xffff  }
0x207: {  	v5 =	vld.idx.msk [tilespmem:v0+s28+$0xD0 ss:$0x1], $0xffff  }
0x208: {  	v6 =	vld.idx.msk [tilespmem:v0+s28+$0x110 ss:$0x1], $0xffff  }
0x209: {  	v7 =	vld.idx.msk [tilespmem:v0+s28+$0x150 ss:$0x1], $0xffff  }
0x20a: {  	[tilespmem:s28+$0x129D0] =	vst.add.f32.msk $0xffff, v1  }
0x20b: {  	[tilespmem:s28+$0x12810] =	vst.add.f32.msk $0xffff, v2  }
0x20c: {  	[tilespmem:s28+$0x12850] =	vst.add.f32.msk $0xffff, v3  }
0x20d: {  	[tilespmem:s28+$0x12890] =	vst.add.f32.msk $0xffff, v4  }
0x20e: {  	[tilespmem:s28+$0x128D0] =	vst.add.f32.msk $0xffff, v5  }
0x20f: {  	[tilespmem:s28+$0x12910] =	vst.add.f32.msk $0xffff, v6  }
0x210: {  	[tilespmem:s28+$0x12950] =	vst.add.f32.msk $0xffff, v7  }
0x211: {  	v1 =	vld.idx.msk [tilespmem:v0+s28+$0x1E0 ss:$0x1], $0xffff  }
0x212: {  	v2 =	vld.idx.msk [tilespmem:v0+s28+$0x60 ss:$0x1], $0xffff  }
0x213: {  	v3 =	vld.idx.msk [tilespmem:v0+s28+$0xA0 ss:$0x1], $0xffff  }
0x214: {  	v56 =	vld.idx.msk [tilespmem:v0+s28+$0xE0 ss:$0x1], $0xffff  }
0x215: {  	v57 =	vld.idx.msk [tilespmem:v0+s28+$0x120 ss:$0x1], $0xffff  }
0x216: {  	v58 =	vld.idx.msk [tilespmem:v0+s28+$0x160 ss:$0x1], $0xffff  }
0x217: {  	[tilespmem:s28+$0x129E0] =	vst.add.f32.msk $0xffff, v1  }
0x218: {  	[tilespmem:s28+$0x12860] =	vst.add.f32.msk $0xffff, v2  }
0x219: {  	v1 =	vld.idx.msk [tilespmem:v0+s28+$0x1F0 ss:$0x1], $0xffff  }
0x21a: {  	[tilespmem:s28+$0x128A0] =	vst.add.f32.msk $0xffff, v3  }
0x21b: {  	[tilespmem:s28+$0x128E0] =	vst.add.f32.msk $0xffff, v56  }
0x21c: {  	[tilespmem:s28+$0x12920] =	vst.add.f32.msk $0xffff, v57  }
0x21d: {  	[tilespmem:s28+$0x12960] =	vst.add.f32.msk $0xffff, v58  }
0x21e: {  	[tilespmem:s28+$0x129F0] =	vst.add.f32.msk $0xffff, v1  }
0x21f: {  	v1 =	vld.idx.msk [tilespmem:v0+s28+$0x190 ss:$0x1], $0xffff  }
0x220: {  	v3 =	vld.idx.msk [tilespmem:v0+s28+$0x70 ss:$0x1], $0xffff  }
0x221: {  	v60 =	vld.idx.msk [tilespmem:v0+s28+$0xB0 ss:$0x1], $0xffff  }
0x222: {  	v61 =	vld.idx.msk [tilespmem:v0+s28+$0xF0 ss:$0x1], $0xffff  }
0x223: {  	v62 =	vld.idx.msk [tilespmem:v0+s28+$0x130 ss:$0x1], $0xffff  }
0x224: {  	[tilespmem:s28+$0x12990] =	vst.add.f32.msk $0xffff, v1  }
0x225: {  	v1 =	vld.idx.msk [tilespmem:v0+s28+$0x20 ss:$0x1], $0xffff  }
0x226: {  	v59 =	vld.idx.msk [tilespmem:v0+s28+$0x1A0 ss:$0x1], $0xffff  }
0x227: {  	v63 =	vld.idx.msk [tilespmem:v0+s28+$0x170 ss:$0x1], $0xffff  }
0x228: {  	[tilespmem:s28+$0x12870] =	vst.add.f32.msk $0xffff, v3  }
0x229: {  	[tilespmem:s28+$0x128B0] =	vst.add.f32.msk $0xffff, v60  }
0x22a: {  	[tilespmem:s28+$0x12820] =	vst.add.f32.msk $0xffff, v1  }
0x22b: {  	[tilespmem:s28+$0x129A0] =	vst.add.f32.msk $0xffff, v59  }
0x22c: {  	v2 =	vld.idx.msk [tilespmem:v0+s28+$0x30 ss:$0x1], $0xffff  }
0x22d: {  	v1 =	vld.idx.msk [tilespmem:v0+s28+$0x1B0 ss:$0x1], $0xffff  }
0x22e: {  	[tilespmem:s28+$0x128F0] =	vst.add.f32.msk $0xffff, v61  }
0x22f: {  	[tilespmem:s28+$0x12930] =	vst.add.f32.msk $0xffff, v62  }
0x230: {  	[tilespmem:s28+$0x12970] =	vst.add.f32.msk $0xffff, v63  }
0x231: {  	s7 =	sor.u32 $0x3, s23;
	s19 =	simm.s32 $0x0;
	s22 =	simm.s32 $0x800;
	[tilespmem:s28+$0x12830] =	vst.add.f32.msk $0xffff, v2  }
.LBB2_9:
0x232: {  	s19 =	sadd.s32 $0x8, s19;
	[tilespmem:s28+$0x129B0] =	vst.add.f32.msk $0xffff, v1;
	s28 =	sshra.s32 s22, $0x2  }
0x233: {  	v1 =	vld.idx.msk [tilespmem:v0+s28+$0x1C0 ss:$0x1], $0xffff;
	p1 =	slt.u32 s19, $0x78  }
0x234: {  	v2 =	vld.idx.msk [tilespmem:v0+s28+$0x0 ss:$0x1], $0xffff  }
0x235: {  	v3 =	vld.idx.msk [tilespmem:v0+s28+$0x40 ss:$0x1], $0xffff  }
0x236: {  	v4 =	vld.idx.msk [tilespmem:v0+s28+$0x80 ss:$0x1], $0xffff  }
0x237: {  	v5 =	vld.idx.msk [tilespmem:v0+s28+$0xC0 ss:$0x1], $0xffff  }
0x238: {  	v6 =	vld.idx.msk [tilespmem:v0+s28+$0x100 ss:$0x1], $0xffff  }
0x239: {  	[tilespmem:s28+$0x129C0] =	vst.add.f32.msk $0xffff, v1  }
0x23a: {  	v1 =	vld.idx.msk [tilespmem:v0+s28+$0x1D0 ss:$0x1], $0xffff  }
0x23b: {  	v7 =	vld.idx.msk [tilespmem:v0+s28+$0x140 ss:$0x1], $0xffff  }
0x23c: {  	v8 =	vld.idx.msk [tilespmem:v0+s28+$0x180 ss:$0x1], $0xffff  }
0x23d: {  	[tilespmem:s28+$0x12800] =	vst.add.f32.msk $0xffff, v2  }
0x23e: {  	[tilespmem:s28+$0x12840] =	vst.add.f32.msk $0xffff, v3  }
0x23f: {  	[tilespmem:s28+$0x12880] =	vst.add.f32.msk $0xffff, v4  }
0x240: {  	[tilespmem:s28+$0x129D0] =	vst.add.f32.msk $0xffff, v1  }
0x241: {  	v1 =	vld.idx.msk [tilespmem:v0+s28+$0x1E0 ss:$0x1], $0xffff  }
0x242: {  	[tilespmem:s28+$0x128C0] =	vst.add.f32.msk $0xffff, v5  }
0x243: {  	[tilespmem:s28+$0x12900] =	vst.add.f32.msk $0xffff, v6  }
0x244: {  	[tilespmem:s28+$0x12940] =	vst.add.f32.msk $0xffff, v7  }
0x245: {  	[tilespmem:s28+$0x12980] =	vst.add.f32.msk $0xffff, v8  }
0x246: {  	v2 =	vld.idx.msk [tilespmem:v0+s28+$0x10 ss:$0x1], $0xffff  }
0x247: {  	[tilespmem:s28+$0x129E0] =	vst.add.f32.msk $0xffff, v1  }
0x248: {  	v1 =	vld.idx.msk [tilespmem:v0+s28+$0x1F0 ss:$0x1], $0xffff  }
0x249: {  	v3 =	vld.idx.msk [tilespmem:v0+s28+$0x50 ss:$0x1], $0xffff  }
0x24a: {  	v4 =	vld.idx.msk [tilespmem:v0+s28+$0x90 ss:$0x1], $0xffff  }
0x24b: {  	v5 =	vld.idx.msk [tilespmem:v0+s28+$0xD0 ss:$0x1], $0xffff  }
0x24c: {  	v6 =	vld.idx.msk [tilespmem:v0+s28+$0x110 ss:$0x1], $0xffff  }
0x24d: {  	v7 =	vld.idx.msk [tilespmem:v0+s28+$0x150 ss:$0x1], $0xffff  }
0x24e: {  	[tilespmem:s28+$0x129F0] =	vst.add.f32.msk $0xffff, v1  }
0x24f: {  	v1 =	vld.idx.msk [tilespmem:v0+s28+$0x190 ss:$0x1], $0xffff  }
0x250: {  	[tilespmem:s28+$0x12810] =	vst.add.f32.msk $0xffff, v2  }
0x251: {  	[tilespmem:s28+$0x12850] =	vst.add.f32.msk $0xffff, v3  }
0x252: {  	[tilespmem:s28+$0x12890] =	vst.add.f32.msk $0xffff, v4  }
0x253: {  	[tilespmem:s28+$0x128D0] =	vst.add.f32.msk $0xffff, v5  }
0x254: {  	[tilespmem:s28+$0x12910] =	vst.add.f32.msk $0xffff, v6  }
0x255: {  	[tilespmem:s28+$0x12950] =	vst.add.f32.msk $0xffff, v7  }
0x256: {  	[tilespmem:s28+$0x12990] =	vst.add.f32.msk $0xffff, v1  }
0x257: {  	v1 =	vld.idx.msk [tilespmem:v0+s28+$0x20 ss:$0x1], $0xffff  }
0x258: {  	v2 =	vld.idx.msk [tilespmem:v0+s28+$0x60 ss:$0x1], $0xffff  }
0x259: {  	v3 =	vld.idx.msk [tilespmem:v0+s28+$0xA0 ss:$0x1], $0xffff  }
0x25a: {  	v4 =	vld.idx.msk [tilespmem:v0+s28+$0xE0 ss:$0x1], $0xffff  }
0x25b: {  	v5 =	vld.idx.msk [tilespmem:v0+s28+$0x120 ss:$0x1], $0xffff  }
0x25c: {  	v6 =	vld.idx.msk [tilespmem:v0+s28+$0x160 ss:$0x1], $0xffff  }
0x25d: {  	v7 =	vld.idx.msk [tilespmem:v0+s28+$0x1A0 ss:$0x1], $0xffff  }
0x25e: {  	[tilespmem:s28+$0x12820] =	vst.add.f32.msk $0xffff, v1  }
0x25f: {  	[tilespmem:s28+$0x12860] =	vst.add.f32.msk $0xffff, v2  }
0x260: {  	[tilespmem:s28+$0x128A0] =	vst.add.f32.msk $0xffff, v3  }
0x261: {  	[tilespmem:s28+$0x128E0] =	vst.add.f32.msk $0xffff, v4  }
0x262: {  	[tilespmem:s28+$0x12920] =	vst.add.f32.msk $0xffff, v5  }
0x263: {  	[tilespmem:s28+$0x12960] =	vst.add.f32.msk $0xffff, v6  }
0x264: {  	[tilespmem:s28+$0x129A0] =	vst.add.f32.msk $0xffff, v7  }
0x265: {  	v2 =	vld.idx.msk [tilespmem:v0+s28+$0x30 ss:$0x1], $0xffff  }
0x266: {  	v3 =	vld.idx.msk [tilespmem:v0+s28+$0x70 ss:$0x1], $0xffff  }
0x267: {  	v4 =	vld.idx.msk [tilespmem:v0+s28+$0xB0 ss:$0x1], $0xffff  }
0x268: {  	v5 =	vld.idx.msk [tilespmem:v0+s28+$0xF0 ss:$0x1], $0xffff  }
0x269: {  	v6 =	vld.idx.msk [tilespmem:v0+s28+$0x130 ss:$0x1], $0xffff  }
0x26a: {  	v7 =	vld.idx.msk [tilespmem:v0+s28+$0x170 ss:$0x1], $0xffff  }
0x26b: {  	v1 =	vld.idx.msk [tilespmem:v0+s28+$0x1B0 ss:$0x1], $0xffff  }
0x26c: {  	[tilespmem:s28+$0x12830] =	vst.add.f32.msk $0xffff, v2  }
.Ltmp5:
0x26d: {  	[tilespmem:s28+$0x12870] =	vst.add.f32.msk $0xffff, v3;
	(pc) =	sbr.rel @p1 .LBB2_9-.Ltmp5, $4  }
0x26e: {  	[tilespmem:s28+$0x128B0] =	vst.add.f32.msk $0xffff, v4  }
0x26f: {  	[tilespmem:s28+$0x128F0] =	vst.add.f32.msk $0xffff, v5  }
0x270: {  	[tilespmem:s28+$0x12930] =	vst.add.f32.msk $0xffff, v6  }
0x271: {  	s22 =	sadd.s32 $0x800, s22;
	[tilespmem:s28+$0x12970] =	vst.add.f32.msk $0xffff, v7  }
0x272: {  	s7 =	sadd.s32 s6, s7  }
0x273: {  	s7 =	sshll.u32 s7, $0xA  }
0x274: {  	s7 =	sand.u32 $0x1FFFEC00, s7  }
0x275: {  	[tilespmem:s28+$0x129B0] =	vst.add.f32.msk $0xffff, v1;
	s19 =	simm.s32 $0x12800;
	s7 =	sadd.s32 s2, s7  }
0x276: {  	[hbm4b:s7+s3] =	stream.linear.scatter [tilespmem:s19], [sflag:$0xC], $0x2000, $0x38;
	[tilespmem:$0x1C800] =	vst v63  }
0x277: {  	s7 =	simm.s32 @!p0 $0xB  }
0x278: {  	_ =	swait.ge @!p0 [sflag:s7], $0x2000  }
0x279: {  	s22 =	simm.s32 @!p0 $0x10800;
	s29 =	simm.s32 $0x5;
	[sflag:s7] =	ssyncset.done @!p0 $0x0  }
0x27a: {  	v0 =	vmov s26;
	s19 =	simm.s32 @!p0 $0x80;
	[sflag:s7] =	ssyncadd.s32 @!p0 $0xFFFFE000;
	s7 =	sadd.s32 @!p0 $0x500, s24  }
0x27b: {  	[tilespmem:s22], [sflag:$0x3] =	stream.indirect.gather @!p0 [hbm4b:s4+s19], $0x40, s7, s19, $0xb8;
	[tilespmem:$0x1C800] =	vst v63  }
0x27c: {  	_ =	swait.ge [sflag:s29], $0x2000  }
0x27d: {  	[sflag:s29] =	ssyncset.done $0x0  }
0x27e: {  	s26 =	simm.s32 $0x0;
	[sflag:s29] =	ssyncadd.s32 $0xFFFFE000  }
0x27f: {  	v1 =	vld.idx.msk [tilespmem:v0+s26+$0x1C0 ss:$0x1], $0xffff  }
0x280: {  	v2 =	vld.idx.msk [tilespmem:v0+s26+$0x0 ss:$0x1], $0xffff  }
0x281: {  	v3 =	vld.idx.msk [tilespmem:v0+s26+$0x40 ss:$0x1], $0xffff  }
0x282: {  	v4 =	vld.idx.msk [tilespmem:v0+s26+$0x80 ss:$0x1], $0xffff  }
0x283: {  	v5 =	vld.idx.msk [tilespmem:v0+s26+$0xC0 ss:$0x1], $0xffff  }
0x284: {  	v6 =	vld.idx.msk [tilespmem:v0+s26+$0x100 ss:$0x1], $0xffff  }
0x285: {  	v7 =	vld.idx.msk [tilespmem:v0+s26+$0x140 ss:$0x1], $0xffff  }
0x286: {  	v8 =	vld.idx.msk [tilespmem:v0+s26+$0x180 ss:$0x1], $0xffff  }
0x287: {  	[tilespmem:s26+$0x149C0] =	vst.add.f32.msk $0xffff, v1  }
0x288: {  	[tilespmem:s26+$0x14800] =	vst.add.f32.msk $0xffff, v2  }
0x289: {  	[tilespmem:s26+$0x14840] =	vst.add.f32.msk $0xffff, v3  }
0x28a: {  	[tilespmem:s26+$0x14880] =	vst.add.f32.msk $0xffff, v4  }
0x28b: {  	[tilespmem:s26+$0x148C0] =	vst.add.f32.msk $0xffff, v5  }
0x28c: {  	[tilespmem:s26+$0x14900] =	vst.add.f32.msk $0xffff, v6  }
0x28d: {  	[tilespmem:s26+$0x14940] =	vst.add.f32.msk $0xffff, v7  }
0x28e: {  	[tilespmem:s26+$0x14980] =	vst.add.f32.msk $0xffff, v8  }
0x28f: {  	v1 =	vld.idx.msk [tilespmem:v0+s26+$0x1D0 ss:$0x1], $0xffff  }
0x290: {  	v2 =	vld.idx.msk [tilespmem:v0+s26+$0x10 ss:$0x1], $0xffff  }
0x291: {  	v3 =	vld.idx.msk [tilespmem:v0+s26+$0x50 ss:$0x1], $0xffff  }
0x292: {  	v4 =	vld.idx.msk [tilespmem:v0+s26+$0x90 ss:$0x1], $0xffff  }
0x293: {  	v5 =	vld.idx.msk [tilespmem:v0+s26+$0xD0 ss:$0x1], $0xffff  }
0x294: {  	v6 =	vld.idx.msk [tilespmem:v0+s26+$0x110 ss:$0x1], $0xffff  }
0x295: {  	v7 =	vld.idx.msk [tilespmem:v0+s26+$0x150 ss:$0x1], $0xffff  }
0x296: {  	[tilespmem:s26+$0x149D0] =	vst.add.f32.msk $0xffff, v1  }
0x297: {  	[tilespmem:s26+$0x14810] =	vst.add.f32.msk $0xffff, v2  }
0x298: {  	[tilespmem:s26+$0x14850] =	vst.add.f32.msk $0xffff, v3  }
0x299: {  	[tilespmem:s26+$0x14890] =	vst.add.f32.msk $0xffff, v4  }
0x29a: {  	[tilespmem:s26+$0x148D0] =	vst.add.f32.msk $0xffff, v5  }
0x29b: {  	[tilespmem:s26+$0x14910] =	vst.add.f32.msk $0xffff, v6  }
0x29c: {  	[tilespmem:s26+$0x14950] =	vst.add.f32.msk $0xffff, v7  }
0x29d: {  	v1 =	vld.idx.msk [tilespmem:v0+s26+$0x1E0 ss:$0x1], $0xffff  }
0x29e: {  	v2 =	vld.idx.msk [tilespmem:v0+s26+$0x60 ss:$0x1], $0xffff  }
0x29f: {  	v3 =	vld.idx.msk [tilespmem:v0+s26+$0xA0 ss:$0x1], $0xffff  }
0x2a0: {  	v56 =	vld.idx.msk [tilespmem:v0+s26+$0xE0 ss:$0x1], $0xffff  }
0x2a1: {  	v57 =	vld.idx.msk [tilespmem:v0+s26+$0x120 ss:$0x1], $0xffff  }
0x2a2: {  	v58 =	vld.idx.msk [tilespmem:v0+s26+$0x160 ss:$0x1], $0xffff  }
0x2a3: {  	[tilespmem:s26+$0x149E0] =	vst.add.f32.msk $0xffff, v1  }
0x2a4: {  	[tilespmem:s26+$0x14860] =	vst.add.f32.msk $0xffff, v2  }
0x2a5: {  	v1 =	vld.idx.msk [tilespmem:v0+s26+$0x1F0 ss:$0x1], $0xffff  }
0x2a6: {  	[tilespmem:s26+$0x148A0] =	vst.add.f32.msk $0xffff, v3  }
0x2a7: {  	[tilespmem:s26+$0x148E0] =	vst.add.f32.msk $0xffff, v56  }
0x2a8: {  	[tilespmem:s26+$0x14920] =	vst.add.f32.msk $0xffff, v57  }
0x2a9: {  	[tilespmem:s26+$0x14960] =	vst.add.f32.msk $0xffff, v58  }
0x2aa: {  	[tilespmem:s26+$0x149F0] =	vst.add.f32.msk $0xffff, v1  }
0x2ab: {  	v1 =	vld.idx.msk [tilespmem:v0+s26+$0x190 ss:$0x1], $0xffff  }
0x2ac: {  	v3 =	vld.idx.msk [tilespmem:v0+s26+$0x70 ss:$0x1], $0xffff  }
0x2ad: {  	v60 =	vld.idx.msk [tilespmem:v0+s26+$0xB0 ss:$0x1], $0xffff  }
0x2ae: {  	v61 =	vld.idx.msk [tilespmem:v0+s26+$0xF0 ss:$0x1], $0xffff  }
0x2af: {  	v62 =	vld.idx.msk [tilespmem:v0+s26+$0x130 ss:$0x1], $0xffff  }
0x2b0: {  	[tilespmem:s26+$0x14990] =	vst.add.f32.msk $0xffff, v1  }
0x2b1: {  	v1 =	vld.idx.msk [tilespmem:v0+s26+$0x20 ss:$0x1], $0xffff  }
0x2b2: {  	v59 =	vld.idx.msk [tilespmem:v0+s26+$0x1A0 ss:$0x1], $0xffff  }
0x2b3: {  	v63 =	vld.idx.msk [tilespmem:v0+s26+$0x170 ss:$0x1], $0xffff  }
0x2b4: {  	[tilespmem:s26+$0x14870] =	vst.add.f32.msk $0xffff, v3  }
0x2b5: {  	[tilespmem:s26+$0x148B0] =	vst.add.f32.msk $0xffff, v60  }
0x2b6: {  	[tilespmem:s26+$0x14820] =	vst.add.f32.msk $0xffff, v1  }
0x2b7: {  	[tilespmem:s26+$0x149A0] =	vst.add.f32.msk $0xffff, v59  }
0x2b8: {  	v2 =	vld.idx.msk [tilespmem:v0+s26+$0x30 ss:$0x1], $0xffff  }
0x2b9: {  	v1 =	vld.idx.msk [tilespmem:v0+s26+$0x1B0 ss:$0x1], $0xffff  }
0x2ba: {  	[tilespmem:s26+$0x148F0] =	vst.add.f32.msk $0xffff, v61  }
0x2bb: {  	[tilespmem:s26+$0x14930] =	vst.add.f32.msk $0xffff, v62  }
0x2bc: {  	[tilespmem:s26+$0x14970] =	vst.add.f32.msk $0xffff, v63  }
0x2bd: {  	s7 =	sor.u32 $0x4, s23;
	s19 =	simm.s32 $0x0;
	s22 =	simm.s32 $0x800;
	[tilespmem:s26+$0x14830] =	vst.add.f32.msk $0xffff, v2  }
.LBB2_11:
0x2be: {  	s19 =	sadd.s32 $0x8, s19;
	[tilespmem:s26+$0x149B0] =	vst.add.f32.msk $0xffff, v1;
	s26 =	sshra.s32 s22, $0x2  }
0x2bf: {  	v1 =	vld.idx.msk [tilespmem:v0+s26+$0x1C0 ss:$0x1], $0xffff;
	p1 =	slt.u32 s19, $0x78  }
0x2c0: {  	v2 =	vld.idx.msk [tilespmem:v0+s26+$0x0 ss:$0x1], $0xffff  }
0x2c1: {  	v3 =	vld.idx.msk [tilespmem:v0+s26+$0x40 ss:$0x1], $0xffff  }
0x2c2: {  	v4 =	vld.idx.msk [tilespmem:v0+s26+$0x80 ss:$0x1], $0xffff  }
0x2c3: {  	v5 =	vld.idx.msk [tilespmem:v0+s26+$0xC0 ss:$0x1], $0xffff  }
0x2c4: {  	v6 =	vld.idx.msk [tilespmem:v0+s26+$0x100 ss:$0x1], $0xffff  }
0x2c5: {  	[tilespmem:s26+$0x149C0] =	vst.add.f32.msk $0xffff, v1  }
0x2c6: {  	v1 =	vld.idx.msk [tilespmem:v0+s26+$0x1D0 ss:$0x1], $0xffff  }
0x2c7: {  	v7 =	vld.idx.msk [tilespmem:v0+s26+$0x140 ss:$0x1], $0xffff  }
0x2c8: {  	v8 =	vld.idx.msk [tilespmem:v0+s26+$0x180 ss:$0x1], $0xffff  }
0x2c9: {  	[tilespmem:s26+$0x14800] =	vst.add.f32.msk $0xffff, v2  }
0x2ca: {  	[tilespmem:s26+$0x14840] =	vst.add.f32.msk $0xffff, v3  }
0x2cb: {  	[tilespmem:s26+$0x14880] =	vst.add.f32.msk $0xffff, v4  }
0x2cc: {  	[tilespmem:s26+$0x149D0] =	vst.add.f32.msk $0xffff, v1  }
0x2cd: {  	v1 =	vld.idx.msk [tilespmem:v0+s26+$0x1E0 ss:$0x1], $0xffff  }
0x2ce: {  	[tilespmem:s26+$0x148C0] =	vst.add.f32.msk $0xffff, v5  }
0x2cf: {  	[tilespmem:s26+$0x14900] =	vst.add.f32.msk $0xffff, v6  }
0x2d0: {  	[tilespmem:s26+$0x14940] =	vst.add.f32.msk $0xffff, v7  }
0x2d1: {  	[tilespmem:s26+$0x14980] =	vst.add.f32.msk $0xffff, v8  }
0x2d2: {  	v2 =	vld.idx.msk [tilespmem:v0+s26+$0x10 ss:$0x1], $0xffff  }
0x2d3: {  	[tilespmem:s26+$0x149E0] =	vst.add.f32.msk $0xffff, v1  }
0x2d4: {  	v1 =	vld.idx.msk [tilespmem:v0+s26+$0x1F0 ss:$0x1], $0xffff  }
0x2d5: {  	v3 =	vld.idx.msk [tilespmem:v0+s26+$0x50 ss:$0x1], $0xffff  }
0x2d6: {  	v4 =	vld.idx.msk [tilespmem:v0+s26+$0x90 ss:$0x1], $0xffff  }
0x2d7: {  	v5 =	vld.idx.msk [tilespmem:v0+s26+$0xD0 ss:$0x1], $0xffff  }
0x2d8: {  	v6 =	vld.idx.msk [tilespmem:v0+s26+$0x110 ss:$0x1], $0xffff  }
0x2d9: {  	v7 =	vld.idx.msk [tilespmem:v0+s26+$0x150 ss:$0x1], $0xffff  }
0x2da: {  	[tilespmem:s26+$0x149F0] =	vst.add.f32.msk $0xffff, v1  }
0x2db: {  	v1 =	vld.idx.msk [tilespmem:v0+s26+$0x190 ss:$0x1], $0xffff  }
0x2dc: {  	[tilespmem:s26+$0x14810] =	vst.add.f32.msk $0xffff, v2  }
0x2dd: {  	[tilespmem:s26+$0x14850] =	vst.add.f32.msk $0xffff, v3  }
0x2de: {  	[tilespmem:s26+$0x14890] =	vst.add.f32.msk $0xffff, v4  }
0x2df: {  	[tilespmem:s26+$0x148D0] =	vst.add.f32.msk $0xffff, v5  }
0x2e0: {  	[tilespmem:s26+$0x14910] =	vst.add.f32.msk $0xffff, v6  }
0x2e1: {  	[tilespmem:s26+$0x14950] =	vst.add.f32.msk $0xffff, v7  }
0x2e2: {  	[tilespmem:s26+$0x14990] =	vst.add.f32.msk $0xffff, v1  }
0x2e3: {  	v1 =	vld.idx.msk [tilespmem:v0+s26+$0x20 ss:$0x1], $0xffff  }
0x2e4: {  	v2 =	vld.idx.msk [tilespmem:v0+s26+$0x60 ss:$0x1], $0xffff  }
0x2e5: {  	v3 =	vld.idx.msk [tilespmem:v0+s26+$0xA0 ss:$0x1], $0xffff  }
0x2e6: {  	v4 =	vld.idx.msk [tilespmem:v0+s26+$0xE0 ss:$0x1], $0xffff  }
0x2e7: {  	v5 =	vld.idx.msk [tilespmem:v0+s26+$0x120 ss:$0x1], $0xffff  }
0x2e8: {  	v6 =	vld.idx.msk [tilespmem:v0+s26+$0x160 ss:$0x1], $0xffff  }
0x2e9: {  	v7 =	vld.idx.msk [tilespmem:v0+s26+$0x1A0 ss:$0x1], $0xffff  }
0x2ea: {  	[tilespmem:s26+$0x14820] =	vst.add.f32.msk $0xffff, v1  }
0x2eb: {  	[tilespmem:s26+$0x14860] =	vst.add.f32.msk $0xffff, v2  }
0x2ec: {  	[tilespmem:s26+$0x148A0] =	vst.add.f32.msk $0xffff, v3  }
0x2ed: {  	[tilespmem:s26+$0x148E0] =	vst.add.f32.msk $0xffff, v4  }
0x2ee: {  	[tilespmem:s26+$0x14920] =	vst.add.f32.msk $0xffff, v5  }
0x2ef: {  	[tilespmem:s26+$0x14960] =	vst.add.f32.msk $0xffff, v6  }
0x2f0: {  	[tilespmem:s26+$0x149A0] =	vst.add.f32.msk $0xffff, v7  }
0x2f1: {  	v2 =	vld.idx.msk [tilespmem:v0+s26+$0x30 ss:$0x1], $0xffff  }
0x2f2: {  	v3 =	vld.idx.msk [tilespmem:v0+s26+$0x70 ss:$0x1], $0xffff  }
0x2f3: {  	v4 =	vld.idx.msk [tilespmem:v0+s26+$0xB0 ss:$0x1], $0xffff  }
0x2f4: {  	v5 =	vld.idx.msk [tilespmem:v0+s26+$0xF0 ss:$0x1], $0xffff  }
0x2f5: {  	v6 =	vld.idx.msk [tilespmem:v0+s26+$0x130 ss:$0x1], $0xffff  }
0x2f6: {  	v7 =	vld.idx.msk [tilespmem:v0+s26+$0x170 ss:$0x1], $0xffff  }
0x2f7: {  	v1 =	vld.idx.msk [tilespmem:v0+s26+$0x1B0 ss:$0x1], $0xffff  }
0x2f8: {  	[tilespmem:s26+$0x14830] =	vst.add.f32.msk $0xffff, v2  }
.Ltmp6:
0x2f9: {  	[tilespmem:s26+$0x14870] =	vst.add.f32.msk $0xffff, v3;
	(pc) =	sbr.rel @p1 .LBB2_11-.Ltmp6, $4  }
0x2fa: {  	[tilespmem:s26+$0x148B0] =	vst.add.f32.msk $0xffff, v4  }
0x2fb: {  	[tilespmem:s26+$0x148F0] =	vst.add.f32.msk $0xffff, v5  }
0x2fc: {  	[tilespmem:s26+$0x14930] =	vst.add.f32.msk $0xffff, v6  }
0x2fd: {  	s22 =	sadd.s32 $0x800, s22;
	[tilespmem:s26+$0x14970] =	vst.add.f32.msk $0xffff, v7  }
0x2fe: {  	s7 =	sadd.s32 s6, s7  }
0x2ff: {  	s7 =	sshll.u32 s7, $0xA  }
0x300: {  	s7 =	sand.u32 $0x1FFFF000, s7  }
0x301: {  	[tilespmem:s26+$0x149B0] =	vst.add.f32.msk $0xffff, v1;
	s19 =	simm.s32 $0x14800;
	s7 =	sadd.s32 s2, s7  }
0x302: {  	[hbm4b:s7+s3] =	stream.linear.scatter [tilespmem:s19], [sflag:$0xD], $0x2000, $0x38;
	[tilespmem:$0x1C800] =	vst v63  }
0x303: {  	s7 =	simm.s32 @!p0 $0xC  }
0x304: {  	_ =	swait.ge @!p0 [sflag:s7], $0x2000  }
0x305: {  	s22 =	simm.s32 @!p0 $0x12800;
	s29 =	simm.s32 $0x6;
	[sflag:s7] =	ssyncset.done @!p0 $0x0  }
0x306: {  	v0 =	vmov s25;
	s19 =	simm.s32 @!p0 $0x80;
	[sflag:s7] =	ssyncadd.s32 @!p0 $0xFFFFE000;
	s7 =	sadd.s32 @!p0 $0x580, s24  }
0x307: {  	[tilespmem:s22], [sflag:$0x4] =	stream.indirect.gather @!p0 [hbm4b:s4+s19], $0x40, s7, s19, $0xb8;
	[tilespmem:$0x1C800] =	vst v63  }
0x308: {  	_ =	swait.ge [sflag:s29], $0x2000  }
0x309: {  	[sflag:s29] =	ssyncset.done $0x0  }
0x30a: {  	s25 =	simm.s32 $0x0;
	[sflag:s29] =	ssyncadd.s32 $0xFFFFE000  }
0x30b: {  	v1 =	vld.idx.msk [tilespmem:v0+s25+$0x1C0 ss:$0x1], $0xffff  }
0x30c: {  	v2 =	vld.idx.msk [tilespmem:v0+s25+$0x0 ss:$0x1], $0xffff  }
0x30d: {  	v3 =	vld.idx.msk [tilespmem:v0+s25+$0x40 ss:$0x1], $0xffff  }
0x30e: {  	v4 =	vld.idx.msk [tilespmem:v0+s25+$0x80 ss:$0x1], $0xffff  }
0x30f: {  	v5 =	vld.idx.msk [tilespmem:v0+s25+$0xC0 ss:$0x1], $0xffff  }
0x310: {  	v6 =	vld.idx.msk [tilespmem:v0+s25+$0x100 ss:$0x1], $0xffff  }
0x311: {  	v7 =	vld.idx.msk [tilespmem:v0+s25+$0x140 ss:$0x1], $0xffff  }
0x312: {  	v8 =	vld.idx.msk [tilespmem:v0+s25+$0x180 ss:$0x1], $0xffff  }
0x313: {  	[tilespmem:s25+$0x169C0] =	vst.add.f32.msk $0xffff, v1  }
0x314: {  	[tilespmem:s25+$0x16800] =	vst.add.f32.msk $0xffff, v2  }
0x315: {  	[tilespmem:s25+$0x16840] =	vst.add.f32.msk $0xffff, v3  }
0x316: {  	[tilespmem:s25+$0x16880] =	vst.add.f32.msk $0xffff, v4  }
0x317: {  	[tilespmem:s25+$0x168C0] =	vst.add.f32.msk $0xffff, v5  }
0x318: {  	[tilespmem:s25+$0x16900] =	vst.add.f32.msk $0xffff, v6  }
0x319: {  	[tilespmem:s25+$0x16940] =	vst.add.f32.msk $0xffff, v7  }
0x31a: {  	[tilespmem:s25+$0x16980] =	vst.add.f32.msk $0xffff, v8  }
0x31b: {  	v1 =	vld.idx.msk [tilespmem:v0+s25+$0x1D0 ss:$0x1], $0xffff  }
0x31c: {  	v2 =	vld.idx.msk [tilespmem:v0+s25+$0x10 ss:$0x1], $0xffff  }
0x31d: {  	v3 =	vld.idx.msk [tilespmem:v0+s25+$0x50 ss:$0x1], $0xffff  }
0x31e: {  	v4 =	vld.idx.msk [tilespmem:v0+s25+$0x90 ss:$0x1], $0xffff  }
0x31f: {  	v5 =	vld.idx.msk [tilespmem:v0+s25+$0xD0 ss:$0x1], $0xffff  }
0x320: {  	v6 =	vld.idx.msk [tilespmem:v0+s25+$0x110 ss:$0x1], $0xffff  }
0x321: {  	v7 =	vld.idx.msk [tilespmem:v0+s25+$0x150 ss:$0x1], $0xffff  }
0x322: {  	[tilespmem:s25+$0x169D0] =	vst.add.f32.msk $0xffff, v1  }
0x323: {  	[tilespmem:s25+$0x16810] =	vst.add.f32.msk $0xffff, v2  }
0x324: {  	[tilespmem:s25+$0x16850] =	vst.add.f32.msk $0xffff, v3  }
0x325: {  	[tilespmem:s25+$0x16890] =	vst.add.f32.msk $0xffff, v4  }
0x326: {  	[tilespmem:s25+$0x168D0] =	vst.add.f32.msk $0xffff, v5  }
0x327: {  	[tilespmem:s25+$0x16910] =	vst.add.f32.msk $0xffff, v6  }
0x328: {  	[tilespmem:s25+$0x16950] =	vst.add.f32.msk $0xffff, v7  }
0x329: {  	v1 =	vld.idx.msk [tilespmem:v0+s25+$0x1E0 ss:$0x1], $0xffff  }
0x32a: {  	v2 =	vld.idx.msk [tilespmem:v0+s25+$0x60 ss:$0x1], $0xffff  }
0x32b: {  	v3 =	vld.idx.msk [tilespmem:v0+s25+$0xA0 ss:$0x1], $0xffff  }
0x32c: {  	v56 =	vld.idx.msk [tilespmem:v0+s25+$0xE0 ss:$0x1], $0xffff  }
0x32d: {  	v57 =	vld.idx.msk [tilespmem:v0+s25+$0x120 ss:$0x1], $0xffff  }
0x32e: {  	v58 =	vld.idx.msk [tilespmem:v0+s25+$0x160 ss:$0x1], $0xffff  }
0x32f: {  	[tilespmem:s25+$0x169E0] =	vst.add.f32.msk $0xffff, v1  }
0x330: {  	[tilespmem:s25+$0x16860] =	vst.add.f32.msk $0xffff, v2  }
0x331: {  	v1 =	vld.idx.msk [tilespmem:v0+s25+$0x1F0 ss:$0x1], $0xffff  }
0x332: {  	[tilespmem:s25+$0x168A0] =	vst.add.f32.msk $0xffff, v3  }
0x333: {  	[tilespmem:s25+$0x168E0] =	vst.add.f32.msk $0xffff, v56  }
0x334: {  	[tilespmem:s25+$0x16920] =	vst.add.f32.msk $0xffff, v57  }
0x335: {  	[tilespmem:s25+$0x16960] =	vst.add.f32.msk $0xffff, v58  }
0x336: {  	[tilespmem:s25+$0x169F0] =	vst.add.f32.msk $0xffff, v1  }
0x337: {  	v1 =	vld.idx.msk [tilespmem:v0+s25+$0x190 ss:$0x1], $0xffff  }
0x338: {  	v3 =	vld.idx.msk [tilespmem:v0+s25+$0x70 ss:$0x1], $0xffff  }
0x339: {  	v60 =	vld.idx.msk [tilespmem:v0+s25+$0xB0 ss:$0x1], $0xffff  }
0x33a: {  	v61 =	vld.idx.msk [tilespmem:v0+s25+$0xF0 ss:$0x1], $0xffff  }
0x33b: {  	v62 =	vld.idx.msk [tilespmem:v0+s25+$0x130 ss:$0x1], $0xffff  }
0x33c: {  	[tilespmem:s25+$0x16990] =	vst.add.f32.msk $0xffff, v1  }
0x33d: {  	v1 =	vld.idx.msk [tilespmem:v0+s25+$0x20 ss:$0x1], $0xffff  }
0x33e: {  	v59 =	vld.idx.msk [tilespmem:v0+s25+$0x1A0 ss:$0x1], $0xffff  }
0x33f: {  	v63 =	vld.idx.msk [tilespmem:v0+s25+$0x170 ss:$0x1], $0xffff  }
0x340: {  	[tilespmem:s25+$0x16870] =	vst.add.f32.msk $0xffff, v3  }
0x341: {  	[tilespmem:s25+$0x168B0] =	vst.add.f32.msk $0xffff, v60  }
0x342: {  	[tilespmem:s25+$0x16820] =	vst.add.f32.msk $0xffff, v1  }
0x343: {  	[tilespmem:s25+$0x169A0] =	vst.add.f32.msk $0xffff, v59  }
0x344: {  	v2 =	vld.idx.msk [tilespmem:v0+s25+$0x30 ss:$0x1], $0xffff  }
0x345: {  	v1 =	vld.idx.msk [tilespmem:v0+s25+$0x1B0 ss:$0x1], $0xffff  }
0x346: {  	[tilespmem:s25+$0x168F0] =	vst.add.f32.msk $0xffff, v61  }
0x347: {  	[tilespmem:s25+$0x16930] =	vst.add.f32.msk $0xffff, v62  }
0x348: {  	[tilespmem:s25+$0x16970] =	vst.add.f32.msk $0xffff, v63  }
0x349: {  	s7 =	sor.u32 $0x5, s23;
	s19 =	simm.s32 $0x0;
	s22 =	simm.s32 $0x800;
	[tilespmem:s25+$0x16830] =	vst.add.f32.msk $0xffff, v2  }
.LBB2_13:
0x34a: {  	s19 =	sadd.s32 $0x8, s19;
	[tilespmem:s25+$0x169B0] =	vst.add.f32.msk $0xffff, v1;
	s25 =	sshra.s32 s22, $0x2  }
0x34b: {  	v1 =	vld.idx.msk [tilespmem:v0+s25+$0x1C0 ss:$0x1], $0xffff;
	p1 =	slt.u32 s19, $0x78  }
0x34c: {  	v2 =	vld.idx.msk [tilespmem:v0+s25+$0x0 ss:$0x1], $0xffff  }
0x34d: {  	v3 =	vld.idx.msk [tilespmem:v0+s25+$0x40 ss:$0x1], $0xffff  }
0x34e: {  	v4 =	vld.idx.msk [tilespmem:v0+s25+$0x80 ss:$0x1], $0xffff  }
0x34f: {  	v5 =	vld.idx.msk [tilespmem:v0+s25+$0xC0 ss:$0x1], $0xffff  }
0x350: {  	v6 =	vld.idx.msk [tilespmem:v0+s25+$0x100 ss:$0x1], $0xffff  }
0x351: {  	[tilespmem:s25+$0x169C0] =	vst.add.f32.msk $0xffff, v1  }
0x352: {  	v1 =	vld.idx.msk [tilespmem:v0+s25+$0x1D0 ss:$0x1], $0xffff  }
0x353: {  	v7 =	vld.idx.msk [tilespmem:v0+s25+$0x140 ss:$0x1], $0xffff  }
0x354: {  	v8 =	vld.idx.msk [tilespmem:v0+s25+$0x180 ss:$0x1], $0xffff  }
0x355: {  	[tilespmem:s25+$0x16800] =	vst.add.f32.msk $0xffff, v2  }
0x356: {  	[tilespmem:s25+$0x16840] =	vst.add.f32.msk $0xffff, v3  }
0x357: {  	[tilespmem:s25+$0x16880] =	vst.add.f32.msk $0xffff, v4  }
0x358: {  	[tilespmem:s25+$0x169D0] =	vst.add.f32.msk $0xffff, v1  }
0x359: {  	v1 =	vld.idx.msk [tilespmem:v0+s25+$0x1E0 ss:$0x1], $0xffff  }
0x35a: {  	[tilespmem:s25+$0x168C0] =	vst.add.f32.msk $0xffff, v5  }
0x35b: {  	[tilespmem:s25+$0x16900] =	vst.add.f32.msk $0xffff, v6  }
0x35c: {  	[tilespmem:s25+$0x16940] =	vst.add.f32.msk $0xffff, v7  }
0x35d: {  	[tilespmem:s25+$0x16980] =	vst.add.f32.msk $0xffff, v8  }
0x35e: {  	v2 =	vld.idx.msk [tilespmem:v0+s25+$0x10 ss:$0x1], $0xffff  }
0x35f: {  	[tilespmem:s25+$0x169E0] =	vst.add.f32.msk $0xffff, v1  }
0x360: {  	v1 =	vld.idx.msk [tilespmem:v0+s25+$0x1F0 ss:$0x1], $0xffff  }
0x361: {  	v3 =	vld.idx.msk [tilespmem:v0+s25+$0x50 ss:$0x1], $0xffff  }
0x362: {  	v4 =	vld.idx.msk [tilespmem:v0+s25+$0x90 ss:$0x1], $0xffff  }
0x363: {  	v5 =	vld.idx.msk [tilespmem:v0+s25+$0xD0 ss:$0x1], $0xffff  }
0x364: {  	v6 =	vld.idx.msk [tilespmem:v0+s25+$0x110 ss:$0x1], $0xffff  }
0x365: {  	v7 =	vld.idx.msk [tilespmem:v0+s25+$0x150 ss:$0x1], $0xffff  }
0x366: {  	[tilespmem:s25+$0x169F0] =	vst.add.f32.msk $0xffff, v1  }
0x367: {  	v1 =	vld.idx.msk [tilespmem:v0+s25+$0x190 ss:$0x1], $0xffff  }
0x368: {  	[tilespmem:s25+$0x16810] =	vst.add.f32.msk $0xffff, v2  }
0x369: {  	[tilespmem:s25+$0x16850] =	vst.add.f32.msk $0xffff, v3  }
0x36a: {  	[tilespmem:s25+$0x16890] =	vst.add.f32.msk $0xffff, v4  }
0x36b: {  	[tilespmem:s25+$0x168D0] =	vst.add.f32.msk $0xffff, v5  }
0x36c: {  	[tilespmem:s25+$0x16910] =	vst.add.f32.msk $0xffff, v6  }
0x36d: {  	[tilespmem:s25+$0x16950] =	vst.add.f32.msk $0xffff, v7  }
0x36e: {  	[tilespmem:s25+$0x16990] =	vst.add.f32.msk $0xffff, v1  }
0x36f: {  	v1 =	vld.idx.msk [tilespmem:v0+s25+$0x20 ss:$0x1], $0xffff  }
0x370: {  	v2 =	vld.idx.msk [tilespmem:v0+s25+$0x60 ss:$0x1], $0xffff  }
0x371: {  	v3 =	vld.idx.msk [tilespmem:v0+s25+$0xA0 ss:$0x1], $0xffff  }
0x372: {  	v4 =	vld.idx.msk [tilespmem:v0+s25+$0xE0 ss:$0x1], $0xffff  }
0x373: {  	v5 =	vld.idx.msk [tilespmem:v0+s25+$0x120 ss:$0x1], $0xffff  }
0x374: {  	v6 =	vld.idx.msk [tilespmem:v0+s25+$0x160 ss:$0x1], $0xffff  }
0x375: {  	v7 =	vld.idx.msk [tilespmem:v0+s25+$0x1A0 ss:$0x1], $0xffff  }
0x376: {  	[tilespmem:s25+$0x16820] =	vst.add.f32.msk $0xffff, v1  }
0x377: {  	[tilespmem:s25+$0x16860] =	vst.add.f32.msk $0xffff, v2  }
0x378: {  	[tilespmem:s25+$0x168A0] =	vst.add.f32.msk $0xffff, v3  }
0x379: {  	[tilespmem:s25+$0x168E0] =	vst.add.f32.msk $0xffff, v4  }
0x37a: {  	[tilespmem:s25+$0x16920] =	vst.add.f32.msk $0xffff, v5  }
0x37b: {  	[tilespmem:s25+$0x16960] =	vst.add.f32.msk $0xffff, v6  }
0x37c: {  	[tilespmem:s25+$0x169A0] =	vst.add.f32.msk $0xffff, v7  }
0x37d: {  	v2 =	vld.idx.msk [tilespmem:v0+s25+$0x30 ss:$0x1], $0xffff  }
0x37e: {  	v3 =	vld.idx.msk [tilespmem:v0+s25+$0x70 ss:$0x1], $0xffff  }
0x37f: {  	v4 =	vld.idx.msk [tilespmem:v0+s25+$0xB0 ss:$0x1], $0xffff  }
0x380: {  	v5 =	vld.idx.msk [tilespmem:v0+s25+$0xF0 ss:$0x1], $0xffff  }
0x381: {  	v6 =	vld.idx.msk [tilespmem:v0+s25+$0x130 ss:$0x1], $0xffff  }
0x382: {  	v7 =	vld.idx.msk [tilespmem:v0+s25+$0x170 ss:$0x1], $0xffff  }
0x383: {  	v1 =	vld.idx.msk [tilespmem:v0+s25+$0x1B0 ss:$0x1], $0xffff  }
0x384: {  	[tilespmem:s25+$0x16830] =	vst.add.f32.msk $0xffff, v2  }
.Ltmp7:
0x385: {  	[tilespmem:s25+$0x16870] =	vst.add.f32.msk $0xffff, v3;
	(pc) =	sbr.rel @p1 .LBB2_13-.Ltmp7, $4  }
0x386: {  	[tilespmem:s25+$0x168B0] =	vst.add.f32.msk $0xffff, v4  }
0x387: {  	[tilespmem:s25+$0x168F0] =	vst.add.f32.msk $0xffff, v5  }
0x388: {  	[tilespmem:s25+$0x16930] =	vst.add.f32.msk $0xffff, v6  }
0x389: {  	s22 =	sadd.s32 $0x800, s22;
	[tilespmem:s25+$0x16970] =	vst.add.f32.msk $0xffff, v7  }
0x38a: {  	s7 =	sadd.s32 s6, s7  }
0x38b: {  	s7 =	sshll.u32 s7, $0xA  }
0x38c: {  	s7 =	sand.u32 $0x1FFFF400, s7  }
0x38d: {  	[tilespmem:s25+$0x169B0] =	vst.add.f32.msk $0xffff, v1;
	s19 =	simm.s32 $0x16800;
	s7 =	sadd.s32 s2, s7  }
0x38e: {  	[hbm4b:s7+s3] =	stream.linear.scatter [tilespmem:s19], [sflag:$0xE], $0x2000, $0x38;
	[tilespmem:$0x1C800] =	vst v63  }
0x38f: {  	s7 =	simm.s32 @!p0 $0xD  }
0x390: {  	s22 =	simm.s32 @!p0 $0x14800;
	_ =	swait.ge @!p0 [sflag:s7], $0x2000  }
0x391: {  	s29 =	simm.s32 $0x7;
	[sflag:s7] =	ssyncset.done @!p0 $0x0;
	s28 =	rddreg [dreg:$0x8]  }
0x392: {  	s19 =	simm.s32 @!p0 $0x80;
	[sflag:s7] =	ssyncadd.s32 @!p0 $0xFFFFE000;
	s7 =	sadd.s32 @!p0 $0x600, s24;
	v0 =	vmov s28  }
0x393: {  	[tilespmem:s22], [sflag:$0x5] =	stream.indirect.gather @!p0 [hbm4b:s4+s19], $0x40, s7, s19, $0xb8;
	[tilespmem:$0x1C800] =	vst v63  }
0x394: {  	_ =	swait.ge [sflag:s29], $0x2000  }
0x395: {  	[sflag:s29] =	ssyncset.done $0x0  }
0x396: {  	s22 =	simm.s32 $0x0;
	[sflag:s29] =	ssyncadd.s32 $0xFFFFE000  }
0x397: {  	v1 =	vld.idx.msk [tilespmem:v0+s22+$0x1C0 ss:$0x1], $0xffff  }
0x398: {  	v2 =	vld.idx.msk [tilespmem:v0+s22+$0x0 ss:$0x1], $0xffff  }
0x399: {  	v3 =	vld.idx.msk [tilespmem:v0+s22+$0x40 ss:$0x1], $0xffff  }
0x39a: {  	v4 =	vld.idx.msk [tilespmem:v0+s22+$0x80 ss:$0x1], $0xffff  }
0x39b: {  	v5 =	vld.idx.msk [tilespmem:v0+s22+$0xC0 ss:$0x1], $0xffff  }
0x39c: {  	v6 =	vld.idx.msk [tilespmem:v0+s22+$0x100 ss:$0x1], $0xffff  }
0x39d: {  	v7 =	vld.idx.msk [tilespmem:v0+s22+$0x140 ss:$0x1], $0xffff  }
0x39e: {  	v8 =	vld.idx.msk [tilespmem:v0+s22+$0x180 ss:$0x1], $0xffff  }
0x39f: {  	[tilespmem:s22+$0x189C0] =	vst.add.f32.msk $0xffff, v1  }
0x3a0: {  	[tilespmem:s22+$0x18800] =	vst.add.f32.msk $0xffff, v2  }
0x3a1: {  	[tilespmem:s22+$0x18840] =	vst.add.f32.msk $0xffff, v3  }
0x3a2: {  	[tilespmem:s22+$0x18880] =	vst.add.f32.msk $0xffff, v4  }
0x3a3: {  	[tilespmem:s22+$0x188C0] =	vst.add.f32.msk $0xffff, v5  }
0x3a4: {  	[tilespmem:s22+$0x18900] =	vst.add.f32.msk $0xffff, v6  }
0x3a5: {  	[tilespmem:s22+$0x18940] =	vst.add.f32.msk $0xffff, v7  }
0x3a6: {  	[tilespmem:s22+$0x18980] =	vst.add.f32.msk $0xffff, v8  }
0x3a7: {  	v1 =	vld.idx.msk [tilespmem:v0+s22+$0x1D0 ss:$0x1], $0xffff  }
0x3a8: {  	v2 =	vld.idx.msk [tilespmem:v0+s22+$0x10 ss:$0x1], $0xffff  }
0x3a9: {  	v3 =	vld.idx.msk [tilespmem:v0+s22+$0x50 ss:$0x1], $0xffff  }
0x3aa: {  	v4 =	vld.idx.msk [tilespmem:v0+s22+$0x90 ss:$0x1], $0xffff  }
0x3ab: {  	v5 =	vld.idx.msk [tilespmem:v0+s22+$0xD0 ss:$0x1], $0xffff  }
0x3ac: {  	v6 =	vld.idx.msk [tilespmem:v0+s22+$0x110 ss:$0x1], $0xffff  }
0x3ad: {  	v7 =	vld.idx.msk [tilespmem:v0+s22+$0x150 ss:$0x1], $0xffff  }
0x3ae: {  	[tilespmem:s22+$0x189D0] =	vst.add.f32.msk $0xffff, v1  }
0x3af: {  	[tilespmem:s22+$0x18810] =	vst.add.f32.msk $0xffff, v2  }
0x3b0: {  	[tilespmem:s22+$0x18850] =	vst.add.f32.msk $0xffff, v3  }
0x3b1: {  	[tilespmem:s22+$0x18890] =	vst.add.f32.msk $0xffff, v4  }
0x3b2: {  	[tilespmem:s22+$0x188D0] =	vst.add.f32.msk $0xffff, v5  }
0x3b3: {  	[tilespmem:s22+$0x18910] =	vst.add.f32.msk $0xffff, v6  }
0x3b4: {  	[tilespmem:s22+$0x18950] =	vst.add.f32.msk $0xffff, v7  }
0x3b5: {  	v1 =	vld.idx.msk [tilespmem:v0+s22+$0x1E0 ss:$0x1], $0xffff  }
0x3b6: {  	v2 =	vld.idx.msk [tilespmem:v0+s22+$0x60 ss:$0x1], $0xffff  }
0x3b7: {  	v3 =	vld.idx.msk [tilespmem:v0+s22+$0xA0 ss:$0x1], $0xffff  }
0x3b8: {  	v56 =	vld.idx.msk [tilespmem:v0+s22+$0xE0 ss:$0x1], $0xffff  }
0x3b9: {  	v57 =	vld.idx.msk [tilespmem:v0+s22+$0x120 ss:$0x1], $0xffff  }
0x3ba: {  	v58 =	vld.idx.msk [tilespmem:v0+s22+$0x160 ss:$0x1], $0xffff  }
0x3bb: {  	[tilespmem:s22+$0x189E0] =	vst.add.f32.msk $0xffff, v1  }
0x3bc: {  	[tilespmem:s22+$0x18860] =	vst.add.f32.msk $0xffff, v2  }
0x3bd: {  	v1 =	vld.idx.msk [tilespmem:v0+s22+$0x1F0 ss:$0x1], $0xffff  }
0x3be: {  	[tilespmem:s22+$0x188A0] =	vst.add.f32.msk $0xffff, v3  }
0x3bf: {  	[tilespmem:s22+$0x188E0] =	vst.add.f32.msk $0xffff, v56  }
0x3c0: {  	[tilespmem:s22+$0x18920] =	vst.add.f32.msk $0xffff, v57  }
0x3c1: {  	[tilespmem:s22+$0x18960] =	vst.add.f32.msk $0xffff, v58  }
0x3c2: {  	[tilespmem:s22+$0x189F0] =	vst.add.f32.msk $0xffff, v1  }
0x3c3: {  	v1 =	vld.idx.msk [tilespmem:v0+s22+$0x190 ss:$0x1], $0xffff  }
0x3c4: {  	v3 =	vld.idx.msk [tilespmem:v0+s22+$0x70 ss:$0x1], $0xffff  }
0x3c5: {  	v60 =	vld.idx.msk [tilespmem:v0+s22+$0xB0 ss:$0x1], $0xffff  }
0x3c6: {  	v61 =	vld.idx.msk [tilespmem:v0+s22+$0xF0 ss:$0x1], $0xffff  }
0x3c7: {  	v62 =	vld.idx.msk [tilespmem:v0+s22+$0x130 ss:$0x1], $0xffff  }
0x3c8: {  	[tilespmem:s22+$0x18990] =	vst.add.f32.msk $0xffff, v1  }
0x3c9: {  	v1 =	vld.idx.msk [tilespmem:v0+s22+$0x20 ss:$0x1], $0xffff  }
0x3ca: {  	v59 =	vld.idx.msk [tilespmem:v0+s22+$0x1A0 ss:$0x1], $0xffff  }
0x3cb: {  	v63 =	vld.idx.msk [tilespmem:v0+s22+$0x170 ss:$0x1], $0xffff  }
0x3cc: {  	[tilespmem:s22+$0x18870] =	vst.add.f32.msk $0xffff, v3  }
0x3cd: {  	[tilespmem:s22+$0x188B0] =	vst.add.f32.msk $0xffff, v60  }
0x3ce: {  	[tilespmem:s22+$0x18820] =	vst.add.f32.msk $0xffff, v1  }
0x3cf: {  	[tilespmem:s22+$0x189A0] =	vst.add.f32.msk $0xffff, v59  }
0x3d0: {  	v2 =	vld.idx.msk [tilespmem:v0+s22+$0x30 ss:$0x1], $0xffff  }
0x3d1: {  	v1 =	vld.idx.msk [tilespmem:v0+s22+$0x1B0 ss:$0x1], $0xffff  }
0x3d2: {  	[tilespmem:s22+$0x188F0] =	vst.add.f32.msk $0xffff, v61  }
0x3d3: {  	[tilespmem:s22+$0x18930] =	vst.add.f32.msk $0xffff, v62  }
0x3d4: {  	[tilespmem:s22+$0x18970] =	vst.add.f32.msk $0xffff, v63  }
0x3d5: {  	s7 =	sor.u32 $0x6, s23;
	s19 =	simm.s32 $0x0;
	s23 =	simm.s32 $0x800;
	[tilespmem:s22+$0x18830] =	vst.add.f32.msk $0xffff, v2  }
.LBB2_15:
0x3d6: {  	s19 =	sadd.s32 $0x8, s19;
	[tilespmem:s22+$0x189B0] =	vst.add.f32.msk $0xffff, v1;
	s22 =	sshra.s32 s23, $0x2  }
0x3d7: {  	v1 =	vld.idx.msk [tilespmem:v0+s22+$0x1C0 ss:$0x1], $0xffff;
	p1 =	slt.u32 s19, $0x78  }
0x3d8: {  	v2 =	vld.idx.msk [tilespmem:v0+s22+$0x0 ss:$0x1], $0xffff  }
0x3d9: {  	v3 =	vld.idx.msk [tilespmem:v0+s22+$0x40 ss:$0x1], $0xffff  }
0x3da: {  	v4 =	vld.idx.msk [tilespmem:v0+s22+$0x80 ss:$0x1], $0xffff  }
0x3db: {  	v5 =	vld.idx.msk [tilespmem:v0+s22+$0xC0 ss:$0x1], $0xffff  }
0x3dc: {  	v6 =	vld.idx.msk [tilespmem:v0+s22+$0x100 ss:$0x1], $0xffff  }
0x3dd: {  	[tilespmem:s22+$0x189C0] =	vst.add.f32.msk $0xffff, v1  }
0x3de: {  	v1 =	vld.idx.msk [tilespmem:v0+s22+$0x1D0 ss:$0x1], $0xffff  }
0x3df: {  	v7 =	vld.idx.msk [tilespmem:v0+s22+$0x140 ss:$0x1], $0xffff  }
0x3e0: {  	v8 =	vld.idx.msk [tilespmem:v0+s22+$0x180 ss:$0x1], $0xffff  }
0x3e1: {  	[tilespmem:s22+$0x18800] =	vst.add.f32.msk $0xffff, v2  }
0x3e2: {  	[tilespmem:s22+$0x18840] =	vst.add.f32.msk $0xffff, v3  }
0x3e3: {  	[tilespmem:s22+$0x18880] =	vst.add.f32.msk $0xffff, v4  }
0x3e4: {  	[tilespmem:s22+$0x189D0] =	vst.add.f32.msk $0xffff, v1  }
0x3e5: {  	v1 =	vld.idx.msk [tilespmem:v0+s22+$0x1E0 ss:$0x1], $0xffff  }
0x3e6: {  	[tilespmem:s22+$0x188C0] =	vst.add.f32.msk $0xffff, v5  }
0x3e7: {  	[tilespmem:s22+$0x18900] =	vst.add.f32.msk $0xffff, v6  }
0x3e8: {  	[tilespmem:s22+$0x18940] =	vst.add.f32.msk $0xffff, v7  }
0x3e9: {  	[tilespmem:s22+$0x18980] =	vst.add.f32.msk $0xffff, v8  }
0x3ea: {  	v2 =	vld.idx.msk [tilespmem:v0+s22+$0x10 ss:$0x1], $0xffff  }
0x3eb: {  	[tilespmem:s22+$0x189E0] =	vst.add.f32.msk $0xffff, v1  }
0x3ec: {  	v1 =	vld.idx.msk [tilespmem:v0+s22+$0x1F0 ss:$0x1], $0xffff  }
0x3ed: {  	v3 =	vld.idx.msk [tilespmem:v0+s22+$0x50 ss:$0x1], $0xffff  }
0x3ee: {  	v4 =	vld.idx.msk [tilespmem:v0+s22+$0x90 ss:$0x1], $0xffff  }
0x3ef: {  	v5 =	vld.idx.msk [tilespmem:v0+s22+$0xD0 ss:$0x1], $0xffff  }
0x3f0: {  	v6 =	vld.idx.msk [tilespmem:v0+s22+$0x110 ss:$0x1], $0xffff  }
0x3f1: {  	v7 =	vld.idx.msk [tilespmem:v0+s22+$0x150 ss:$0x1], $0xffff  }
0x3f2: {  	[tilespmem:s22+$0x189F0] =	vst.add.f32.msk $0xffff, v1  }
0x3f3: {  	v1 =	vld.idx.msk [tilespmem:v0+s22+$0x190 ss:$0x1], $0xffff  }
0x3f4: {  	[tilespmem:s22+$0x18810] =	vst.add.f32.msk $0xffff, v2  }
0x3f5: {  	[tilespmem:s22+$0x18850] =	vst.add.f32.msk $0xffff, v3  }
0x3f6: {  	[tilespmem:s22+$0x18890] =	vst.add.f32.msk $0xffff, v4  }
0x3f7: {  	[tilespmem:s22+$0x188D0] =	vst.add.f32.msk $0xffff, v5  }
0x3f8: {  	[tilespmem:s22+$0x18910] =	vst.add.f32.msk $0xffff, v6  }
0x3f9: {  	[tilespmem:s22+$0x18950] =	vst.add.f32.msk $0xffff, v7  }
0x3fa: {  	[tilespmem:s22+$0x18990] =	vst.add.f32.msk $0xffff, v1  }
0x3fb: {  	v1 =	vld.idx.msk [tilespmem:v0+s22+$0x20 ss:$0x1], $0xffff  }
0x3fc: {  	v2 =	vld.idx.msk [tilespmem:v0+s22+$0x60 ss:$0x1], $0xffff  }
0x3fd: {  	v3 =	vld.idx.msk [tilespmem:v0+s22+$0xA0 ss:$0x1], $0xffff  }
0x3fe: {  	v4 =	vld.idx.msk [tilespmem:v0+s22+$0xE0 ss:$0x1], $0xffff  }
0x3ff: {  	v5 =	vld.idx.msk [tilespmem:v0+s22+$0x120 ss:$0x1], $0xffff  }
0x400: {  	v6 =	vld.idx.msk [tilespmem:v0+s22+$0x160 ss:$0x1], $0xffff  }
0x401: {  	v7 =	vld.idx.msk [tilespmem:v0+s22+$0x1A0 ss:$0x1], $0xffff  }
0x402: {  	[tilespmem:s22+$0x18820] =	vst.add.f32.msk $0xffff, v1  }
0x403: {  	[tilespmem:s22+$0x18860] =	vst.add.f32.msk $0xffff, v2  }
0x404: {  	[tilespmem:s22+$0x188A0] =	vst.add.f32.msk $0xffff, v3  }
0x405: {  	[tilespmem:s22+$0x188E0] =	vst.add.f32.msk $0xffff, v4  }
0x406: {  	[tilespmem:s22+$0x18920] =	vst.add.f32.msk $0xffff, v5  }
0x407: {  	[tilespmem:s22+$0x18960] =	vst.add.f32.msk $0xffff, v6  }
0x408: {  	[tilespmem:s22+$0x189A0] =	vst.add.f32.msk $0xffff, v7  }
0x409: {  	v2 =	vld.idx.msk [tilespmem:v0+s22+$0x30 ss:$0x1], $0xffff  }
0x40a: {  	v3 =	vld.idx.msk [tilespmem:v0+s22+$0x70 ss:$0x1], $0xffff  }
0x40b: {  	v4 =	vld.idx.msk [tilespmem:v0+s22+$0xB0 ss:$0x1], $0xffff  }
0x40c: {  	v5 =	vld.idx.msk [tilespmem:v0+s22+$0xF0 ss:$0x1], $0xffff  }
0x40d: {  	v6 =	vld.idx.msk [tilespmem:v0+s22+$0x130 ss:$0x1], $0xffff  }
0x40e: {  	v7 =	vld.idx.msk [tilespmem:v0+s22+$0x170 ss:$0x1], $0xffff  }
0x40f: {  	v1 =	vld.idx.msk [tilespmem:v0+s22+$0x1B0 ss:$0x1], $0xffff  }
0x410: {  	[tilespmem:s22+$0x18830] =	vst.add.f32.msk $0xffff, v2  }
.Ltmp8:
0x411: {  	[tilespmem:s22+$0x18870] =	vst.add.f32.msk $0xffff, v3;
	(pc) =	sbr.rel @p1 .LBB2_15-.Ltmp8, $4  }
0x412: {  	[tilespmem:s22+$0x188B0] =	vst.add.f32.msk $0xffff, v4  }
0x413: {  	[tilespmem:s22+$0x188F0] =	vst.add.f32.msk $0xffff, v5  }
0x414: {  	[tilespmem:s22+$0x18930] =	vst.add.f32.msk $0xffff, v6  }
0x415: {  	s23 =	sadd.s32 $0x800, s23;
	[tilespmem:s22+$0x18970] =	vst.add.f32.msk $0xffff, v7  }
0x416: {  	s7 =	sadd.s32 s6, s7  }
0x417: {  	s7 =	sshll.u32 s7, $0xA  }
0x418: {  	s7 =	sand.u32 $0x1FFFF800, s7  }
0x419: {  	[tilespmem:s22+$0x189B0] =	vst.add.f32.msk $0xffff, v1;
	s23 =	simm.s32 $0x18800;
	s7 =	sadd.s32 s2, s7  }
0x41a: {  	[hbm4b:s7+s3] =	stream.linear.scatter [tilespmem:s23], [sflag:$0xF], $0x2000, $0x38;
	[tilespmem:$0x1C800] =	vst v63  }
0x41b: {  	s7 =	simm.s32 @!p0 $0xE  }
0x41c: {  	s19 =	simm.s32 @!p0 $0x80;
	_ =	swait.ge @!p0 [sflag:s7], $0x2000  }
0x41d: {  	s22 =	simm.s32 @!p0 $0x16800;
	[sflag:s7] =	ssyncset.done @!p0 $0x0;
	s28 =	rddreg [dreg:$0x7]  }
0x41e: {  	s29 =	simm.s32 $0x8;
	[sflag:s7] =	ssyncadd.s32 @!p0 $0xFFFFE000;
	s7 =	sadd.s32 @!p0 $0x680, s24;
	v0 =	vmov s28  }
0x41f: {  	[tilespmem:s22], [sflag:$0x6] =	stream.indirect.gather @!p0 [hbm4b:s4+s19], $0x40, s7, s19, $0xb8;
	[tilespmem:$0x1C800] =	vst v63  }
0x420: {  	_ =	swait.ge [sflag:s29], $0x2000  }
0x421: {  	[sflag:s29] =	ssyncset.done $0x0  }
0x422: {  	s19 =	simm.s32 $0x0;
	[sflag:s29] =	ssyncadd.s32 $0xFFFFE000  }
0x423: {  	v1 =	vld.idx.msk [tilespmem:v0+s19+$0x1C0 ss:$0x1], $0xffff  }
0x424: {  	v2 =	vld.idx.msk [tilespmem:v0+s19+$0x0 ss:$0x1], $0xffff  }
0x425: {  	v3 =	vld.idx.msk [tilespmem:v0+s19+$0x40 ss:$0x1], $0xffff  }
0x426: {  	v4 =	vld.idx.msk [tilespmem:v0+s19+$0x80 ss:$0x1], $0xffff  }
0x427: {  	v5 =	vld.idx.msk [tilespmem:v0+s19+$0xC0 ss:$0x1], $0xffff  }
0x428: {  	v6 =	vld.idx.msk [tilespmem:v0+s19+$0x100 ss:$0x1], $0xffff  }
0x429: {  	v7 =	vld.idx.msk [tilespmem:v0+s19+$0x140 ss:$0x1], $0xffff  }
0x42a: {  	v8 =	vld.idx.msk [tilespmem:v0+s19+$0x180 ss:$0x1], $0xffff  }
0x42b: {  	[tilespmem:s19+$0x1A9C0] =	vst.add.f32.msk $0xffff, v1  }
0x42c: {  	[tilespmem:s19+$0x1A800] =	vst.add.f32.msk $0xffff, v2  }
0x42d: {  	[tilespmem:s19+$0x1A840] =	vst.add.f32.msk $0xffff, v3  }
0x42e: {  	[tilespmem:s19+$0x1A880] =	vst.add.f32.msk $0xffff, v4  }
0x42f: {  	[tilespmem:s19+$0x1A8C0] =	vst.add.f32.msk $0xffff, v5  }
0x430: {  	[tilespmem:s19+$0x1A900] =	vst.add.f32.msk $0xffff, v6  }
0x431: {  	[tilespmem:s19+$0x1A940] =	vst.add.f32.msk $0xffff, v7  }
0x432: {  	[tilespmem:s19+$0x1A980] =	vst.add.f32.msk $0xffff, v8  }
0x433: {  	v1 =	vld.idx.msk [tilespmem:v0+s19+$0x1D0 ss:$0x1], $0xffff  }
0x434: {  	v2 =	vld.idx.msk [tilespmem:v0+s19+$0x10 ss:$0x1], $0xffff  }
0x435: {  	v3 =	vld.idx.msk [tilespmem:v0+s19+$0x50 ss:$0x1], $0xffff  }
0x436: {  	v4 =	vld.idx.msk [tilespmem:v0+s19+$0x90 ss:$0x1], $0xffff  }
0x437: {  	v5 =	vld.idx.msk [tilespmem:v0+s19+$0xD0 ss:$0x1], $0xffff  }
0x438: {  	v6 =	vld.idx.msk [tilespmem:v0+s19+$0x110 ss:$0x1], $0xffff  }
0x439: {  	v7 =	vld.idx.msk [tilespmem:v0+s19+$0x150 ss:$0x1], $0xffff  }
0x43a: {  	[tilespmem:s19+$0x1A9D0] =	vst.add.f32.msk $0xffff, v1  }
0x43b: {  	[tilespmem:s19+$0x1A810] =	vst.add.f32.msk $0xffff, v2  }
0x43c: {  	[tilespmem:s19+$0x1A850] =	vst.add.f32.msk $0xffff, v3  }
0x43d: {  	[tilespmem:s19+$0x1A890] =	vst.add.f32.msk $0xffff, v4  }
0x43e: {  	[tilespmem:s19+$0x1A8D0] =	vst.add.f32.msk $0xffff, v5  }
0x43f: {  	[tilespmem:s19+$0x1A910] =	vst.add.f32.msk $0xffff, v6  }
0x440: {  	[tilespmem:s19+$0x1A950] =	vst.add.f32.msk $0xffff, v7  }
0x441: {  	v1 =	vld.idx.msk [tilespmem:v0+s19+$0x1E0 ss:$0x1], $0xffff  }
0x442: {  	v2 =	vld.idx.msk [tilespmem:v0+s19+$0x60 ss:$0x1], $0xffff  }
0x443: {  	v3 =	vld.idx.msk [tilespmem:v0+s19+$0xA0 ss:$0x1], $0xffff  }
0x444: {  	v56 =	vld.idx.msk [tilespmem:v0+s19+$0xE0 ss:$0x1], $0xffff  }
0x445: {  	v57 =	vld.idx.msk [tilespmem:v0+s19+$0x120 ss:$0x1], $0xffff  }
0x446: {  	v58 =	vld.idx.msk [tilespmem:v0+s19+$0x160 ss:$0x1], $0xffff  }
0x447: {  	[tilespmem:s19+$0x1A9E0] =	vst.add.f32.msk $0xffff, v1  }
0x448: {  	[tilespmem:s19+$0x1A860] =	vst.add.f32.msk $0xffff, v2  }
0x449: {  	v1 =	vld.idx.msk [tilespmem:v0+s19+$0x1F0 ss:$0x1], $0xffff  }
0x44a: {  	[tilespmem:s19+$0x1A8A0] =	vst.add.f32.msk $0xffff, v3  }
0x44b: {  	[tilespmem:s19+$0x1A8E0] =	vst.add.f32.msk $0xffff, v56  }
0x44c: {  	[tilespmem:s19+$0x1A920] =	vst.add.f32.msk $0xffff, v57  }
0x44d: {  	[tilespmem:s19+$0x1A960] =	vst.add.f32.msk $0xffff, v58  }
0x44e: {  	[tilespmem:s19+$0x1A9F0] =	vst.add.f32.msk $0xffff, v1  }
0x44f: {  	v1 =	vld.idx.msk [tilespmem:v0+s19+$0x190 ss:$0x1], $0xffff  }
0x450: {  	v3 =	vld.idx.msk [tilespmem:v0+s19+$0x70 ss:$0x1], $0xffff  }
0x451: {  	v60 =	vld.idx.msk [tilespmem:v0+s19+$0xB0 ss:$0x1], $0xffff  }
0x452: {  	v61 =	vld.idx.msk [tilespmem:v0+s19+$0xF0 ss:$0x1], $0xffff  }
0x453: {  	v62 =	vld.idx.msk [tilespmem:v0+s19+$0x130 ss:$0x1], $0xffff  }
0x454: {  	[tilespmem:s19+$0x1A990] =	vst.add.f32.msk $0xffff, v1  }
0x455: {  	v1 =	vld.idx.msk [tilespmem:v0+s19+$0x20 ss:$0x1], $0xffff  }
0x456: {  	v59 =	vld.idx.msk [tilespmem:v0+s19+$0x1A0 ss:$0x1], $0xffff  }
0x457: {  	v63 =	vld.idx.msk [tilespmem:v0+s19+$0x170 ss:$0x1], $0xffff  }
0x458: {  	[tilespmem:s19+$0x1A870] =	vst.add.f32.msk $0xffff, v3  }
0x459: {  	[tilespmem:s19+$0x1A8B0] =	vst.add.f32.msk $0xffff, v60  }
0x45a: {  	[tilespmem:s19+$0x1A820] =	vst.add.f32.msk $0xffff, v1  }
0x45b: {  	[tilespmem:s19+$0x1A9A0] =	vst.add.f32.msk $0xffff, v59  }
0x45c: {  	v2 =	vld.idx.msk [tilespmem:v0+s19+$0x30 ss:$0x1], $0xffff  }
0x45d: {  	v1 =	vld.idx.msk [tilespmem:v0+s19+$0x1B0 ss:$0x1], $0xffff  }
0x45e: {  	[tilespmem:s19+$0x1A8F0] =	vst.add.f32.msk $0xffff, v61  }
0x45f: {  	[tilespmem:s19+$0x1A930] =	vst.add.f32.msk $0xffff, v62  }
0x460: {  	[tilespmem:s19+$0x1A970] =	vst.add.f32.msk $0xffff, v63  }
0x461: {  	s7 =	simm.s32 $0x0;
	s22 =	simm.s32 $0x800;
	[tilespmem:s19+$0x1A830] =	vst.add.f32.msk $0xffff, v2  }
.LBB2_17:
0x462: {  	s7 =	sadd.s32 $0x8, s7;
	[tilespmem:s19+$0x1A9B0] =	vst.add.f32.msk $0xffff, v1;
	s19 =	sshra.s32 s22, $0x2  }
0x463: {  	v1 =	vld.idx.msk [tilespmem:v0+s19+$0x1C0 ss:$0x1], $0xffff;
	p1 =	slt.u32 s7, $0x78  }
0x464: {  	v2 =	vld.idx.msk [tilespmem:v0+s19+$0x0 ss:$0x1], $0xffff  }
0x465: {  	v3 =	vld.idx.msk [tilespmem:v0+s19+$0x40 ss:$0x1], $0xffff  }
0x466: {  	v4 =	vld.idx.msk [tilespmem:v0+s19+$0x80 ss:$0x1], $0xffff  }
0x467: {  	v5 =	vld.idx.msk [tilespmem:v0+s19+$0xC0 ss:$0x1], $0xffff  }
0x468: {  	v6 =	vld.idx.msk [tilespmem:v0+s19+$0x100 ss:$0x1], $0xffff  }
0x469: {  	[tilespmem:s19+$0x1A9C0] =	vst.add.f32.msk $0xffff, v1  }
0x46a: {  	v1 =	vld.idx.msk [tilespmem:v0+s19+$0x1D0 ss:$0x1], $0xffff  }
0x46b: {  	v7 =	vld.idx.msk [tilespmem:v0+s19+$0x140 ss:$0x1], $0xffff  }
0x46c: {  	v8 =	vld.idx.msk [tilespmem:v0+s19+$0x180 ss:$0x1], $0xffff  }
0x46d: {  	[tilespmem:s19+$0x1A800] =	vst.add.f32.msk $0xffff, v2  }
0x46e: {  	[tilespmem:s19+$0x1A840] =	vst.add.f32.msk $0xffff, v3  }
0x46f: {  	[tilespmem:s19+$0x1A880] =	vst.add.f32.msk $0xffff, v4  }
0x470: {  	[tilespmem:s19+$0x1A9D0] =	vst.add.f32.msk $0xffff, v1  }
0x471: {  	v1 =	vld.idx.msk [tilespmem:v0+s19+$0x1E0 ss:$0x1], $0xffff  }
0x472: {  	[tilespmem:s19+$0x1A8C0] =	vst.add.f32.msk $0xffff, v5  }
0x473: {  	[tilespmem:s19+$0x1A900] =	vst.add.f32.msk $0xffff, v6  }
0x474: {  	[tilespmem:s19+$0x1A940] =	vst.add.f32.msk $0xffff, v7  }
0x475: {  	[tilespmem:s19+$0x1A980] =	vst.add.f32.msk $0xffff, v8  }
0x476: {  	v2 =	vld.idx.msk [tilespmem:v0+s19+$0x10 ss:$0x1], $0xffff  }
0x477: {  	[tilespmem:s19+$0x1A9E0] =	vst.add.f32.msk $0xffff, v1  }
0x478: {  	v1 =	vld.idx.msk [tilespmem:v0+s19+$0x1F0 ss:$0x1], $0xffff  }
0x479: {  	v3 =	vld.idx.msk [tilespmem:v0+s19+$0x50 ss:$0x1], $0xffff  }
0x47a: {  	v4 =	vld.idx.msk [tilespmem:v0+s19+$0x90 ss:$0x1], $0xffff  }
0x47b: {  	v5 =	vld.idx.msk [tilespmem:v0+s19+$0xD0 ss:$0x1], $0xffff  }
0x47c: {  	v6 =	vld.idx.msk [tilespmem:v0+s19+$0x110 ss:$0x1], $0xffff  }
0x47d: {  	v7 =	vld.idx.msk [tilespmem:v0+s19+$0x150 ss:$0x1], $0xffff  }
0x47e: {  	[tilespmem:s19+$0x1A9F0] =	vst.add.f32.msk $0xffff, v1  }
0x47f: {  	v1 =	vld.idx.msk [tilespmem:v0+s19+$0x190 ss:$0x1], $0xffff  }
0x480: {  	[tilespmem:s19+$0x1A810] =	vst.add.f32.msk $0xffff, v2  }
0x481: {  	[tilespmem:s19+$0x1A850] =	vst.add.f32.msk $0xffff, v3  }
0x482: {  	[tilespmem:s19+$0x1A890] =	vst.add.f32.msk $0xffff, v4  }
0x483: {  	[tilespmem:s19+$0x1A8D0] =	vst.add.f32.msk $0xffff, v5  }
0x484: {  	[tilespmem:s19+$0x1A910] =	vst.add.f32.msk $0xffff, v6  }
0x485: {  	[tilespmem:s19+$0x1A950] =	vst.add.f32.msk $0xffff, v7  }
0x486: {  	[tilespmem:s19+$0x1A990] =	vst.add.f32.msk $0xffff, v1  }
0x487: {  	v1 =	vld.idx.msk [tilespmem:v0+s19+$0x20 ss:$0x1], $0xffff  }
0x488: {  	v2 =	vld.idx.msk [tilespmem:v0+s19+$0x60 ss:$0x1], $0xffff  }
0x489: {  	v3 =	vld.idx.msk [tilespmem:v0+s19+$0xA0 ss:$0x1], $0xffff  }
0x48a: {  	v4 =	vld.idx.msk [tilespmem:v0+s19+$0xE0 ss:$0x1], $0xffff  }
0x48b: {  	v5 =	vld.idx.msk [tilespmem:v0+s19+$0x120 ss:$0x1], $0xffff  }
0x48c: {  	v6 =	vld.idx.msk [tilespmem:v0+s19+$0x160 ss:$0x1], $0xffff  }
0x48d: {  	v7 =	vld.idx.msk [tilespmem:v0+s19+$0x1A0 ss:$0x1], $0xffff  }
0x48e: {  	[tilespmem:s19+$0x1A820] =	vst.add.f32.msk $0xffff, v1  }
0x48f: {  	[tilespmem:s19+$0x1A860] =	vst.add.f32.msk $0xffff, v2  }
0x490: {  	[tilespmem:s19+$0x1A8A0] =	vst.add.f32.msk $0xffff, v3  }
0x491: {  	[tilespmem:s19+$0x1A8E0] =	vst.add.f32.msk $0xffff, v4  }
0x492: {  	[tilespmem:s19+$0x1A920] =	vst.add.f32.msk $0xffff, v5  }
0x493: {  	[tilespmem:s19+$0x1A960] =	vst.add.f32.msk $0xffff, v6  }
0x494: {  	[tilespmem:s19+$0x1A9A0] =	vst.add.f32.msk $0xffff, v7  }
0x495: {  	v2 =	vld.idx.msk [tilespmem:v0+s19+$0x30 ss:$0x1], $0xffff  }
0x496: {  	v3 =	vld.idx.msk [tilespmem:v0+s19+$0x70 ss:$0x1], $0xffff  }
0x497: {  	v4 =	vld.idx.msk [tilespmem:v0+s19+$0xB0 ss:$0x1], $0xffff  }
0x498: {  	v5 =	vld.idx.msk [tilespmem:v0+s19+$0xF0 ss:$0x1], $0xffff  }
0x499: {  	v6 =	vld.idx.msk [tilespmem:v0+s19+$0x130 ss:$0x1], $0xffff  }
0x49a: {  	v7 =	vld.idx.msk [tilespmem:v0+s19+$0x170 ss:$0x1], $0xffff  }
0x49b: {  	v1 =	vld.idx.msk [tilespmem:v0+s19+$0x1B0 ss:$0x1], $0xffff  }
0x49c: {  	[tilespmem:s19+$0x1A830] =	vst.add.f32.msk $0xffff, v2  }
.Ltmp9:
0x49d: {  	[tilespmem:s19+$0x1A870] =	vst.add.f32.msk $0xffff, v3;
	(pc) =	sbr.rel @p1 .LBB2_17-.Ltmp9, $4  }
0x49e: {  	[tilespmem:s19+$0x1A8B0] =	vst.add.f32.msk $0xffff, v4  }
0x49f: {  	[tilespmem:s19+$0x1A8F0] =	vst.add.f32.msk $0xffff, v5  }
0x4a0: {  	[tilespmem:s19+$0x1A930] =	vst.add.f32.msk $0xffff, v6  }
0x4a1: {  	s22 =	sadd.s32 $0x800, s22;
	[tilespmem:s19+$0x1A970] =	vst.add.f32.msk $0xffff, v7  }
.Ltmp10:
0x4a2: {  	s7 =	sadd.s32 s6, s20;
	(pc) =	sbr.rel @p0 .LBB2_20-.Ltmp10, $4  }
0x4a3: {  	s7 =	sshll.u32 s7, $0xA  }
0x4a4: {  	s7 =	sand.u32 $0x1FFFFC00, s7  }
0x4a5: {  	[tilespmem:s19+$0x1A9B0] =	vst.add.f32.msk $0xffff, v1;
	s29 =	simm.s32 $0x1A800;
	s7 =	sadd.s32 s2, s7  }
0x4a6: {  	[hbm4b:s7+s3] =	stream.linear.scatter [tilespmem:s29], [sflag:$0x10], $0x2000, $0x38;
	[tilespmem:$0x1C800] =	vst v63  }
0x4a7: {  	s19 =	simm.s32 $0xF;
	s7 =	sshll.u32 s21, $0xA  }
0x4a8: {  	s29 =	simm.s32 $0x80;
	s21 =	sadd.s32 $0x1, s21;
	s8 =	sadd.s32 $0x10000, s8  }
0x4a9: {  	s18 =	sadd.s32 $0x400, s18;
	s5 =	sadd.s32 $0x10000, s5;
	s17 =	sadd.s32 $0x400, s17  }
0x4aa: {  	s9 =	sadd.s32 $0x10000, s9;
	s31 =	sadd.s32 $0x400, s31;
	s30 =	sadd.s32 $0x10000, s30  }
0x4ab: {  	s1 =	sadd.s32 $0x400, s1;
	s12 =	sadd.s32 $0x10000, s12;
	s0 =	sadd.s32 $0x400, s0  }
.Ltmp11:
0x4ac: {  	s13 =	sadd.s32 $0x10000, s13;
	s10 =	sadd.s32 $0x400, s10;
	(pc) =	sbr.rel .LBB2_2-.Ltmp11, $4  }
0x4ad: {  	s14 =	sadd.s32 $0x10000, s14;
	s11 =	sadd.s32 $0x400, s11;
	_ =	swait.ge [sflag:s19], $0x2000  }
0x4ae: {  	s15 =	sadd.s32 $0x10000, s15;
	s7 =	sand.u32 $0x3FFFFC00, s7;
	[sflag:s19] =	ssyncset.done $0x0  }
0x4af: {  	s16 =	sadd.s32 $0x400, s16;
	s7 =	sadd.s32 $0x700, s7;
	[sflag:s19] =	ssyncadd.s32 $0xFFFFE000  }
0x4b0: {  	[tilespmem:s23], [sflag:$0x7] =	stream.indirect.gather [hbm4b:s4+s29], $0x40, s7, s29, $0xb8;
	[tilespmem:$0x1C800] =	vst v63  }
.LBB2_21:
0x4b1: {  	_ =	sfence.sel $0x180000  }
0x4b2: {  	[bflag:$0x0] =	sbarrier.arrive $0xFFFF  }
0x4b3: {  	_ =	strace $0x90000047  }
0x4b4: {  	s0 =	stileid.u32;
	[bflag:$0x2] =	sbarrier.arrive $0xFFFF  }
0x4b5: {  	p0 =	sne.s32 s0, $0x0;
	s0 =	rddreg [dreg:$0x2]  }
0x4b6: {  	s0 =	sadd.s32 @!p0 $0x100000, s0  }
0x4b7: {  	[sflag:s0] =	ssyncadd.tile.s32 @!p0 $0x1;
	_ =	shalt  }
.Lfunc_end2:
_tile_overlayer_lowered:
.L_overlay_start_2:
0x4b8: {  	(tag) =	ssettag $0x2  }
0x4b9: {  	s0 =	rddreg [dreg:$0x0];
	s2 =	stileid.u32  }
0x4ba: {  	s1 =	rddreg [dreg:$0x1];
	p0 =	sne.s32 s2, $0x0  }
0x4bb: {  	s3 =	rddreg [dreg:$0x2];
	[bflag:$0x3] =	sbarrier.arrive $0xFFFF;
	s2 =	simm.s32 @!p0 $0x1C11  }
0x4bc: {  	[timem:s3], [sflag:s2] =	dma.local @!p0 [hbm:s0], s1  }
0x4bd: {  	s0 =	simm.s32 @!p0 $0x11  }
0x4be: {  	_ =	swait.ge @!p0 [sflag:s0], s1  }
0x4bf: {  	s1 =	ssub.s32 @!p0 $0x0, s1;
	[sflag:s0] =	ssyncset.done @!p0 $0x0  }
0x4c0: {  	[sflag:s0] =	ssyncadd.s32 @!p0 s1  }
0x4c1: {  	[bflag:$0x3] =	sbarrier.arrive $0xFFFF  }
0x4c2: {  	_ =	shalt  }

// kernel: sparse-core-data-format-call.cloned.1.call-start
scs
called_computation_lowered:
.L_overlay_start_0:
0x0: {  	s2 =	sld [smem:$0x3FD9]  }
0x1: {  	s3 =	sld [smem:$0x3FFE];
	_ =	sdelay $0x1  }
0x2: {  	s1 =	srdreg.scid  }
0x3: {  	s0 =	sand.u32 $0x1, s1  }
0x4: {  	s18 =	sshll.u32 s0, $0xA;
	s2 =	sadd.s32 s3, s2  }
0x5: {  	s2 =	sadd.s32 s2, s18  }
0x6: {  	[smem:$0x3FC5] =	sst s2  }
0x7: {  	_ = 	snop  }
0x8: {  	s2 =	sld [smem:$0x3FD0];
	(tm) =	ssettm $0x1  }
0x9: {  	s19 =	sld [smem:$0x3FFB];
	_ =	sdelay $0x3  }
0xa: {  	_ =	strace s19  }
0xb: {  	s3 =	sld [smem:$0x3FFC];
	_ =	sdelay $0x3  }
0xc: {  	_ =	strace s3  }
0xd: {  	s3 =	sld [smem:$0x3FFD];
	_ =	sdelay $0x3  }
0xe: {  	_ =	strace s3  }
0xf: {  	_ =	strace $0x8FFFFFFF  }
0x10: {  	s20 =	sld [smem:$0x3FDB];
	_ =	sdelay $0x1  }
0x11: {  	s4 =	simm.s32 $_scs_section_size  }
0x12: {  	s5 =	simm.s32 $_size__tile_overlayer_lowered;
	s6 =	simm.s32 $_tile_overlayer_lowered  }
0x13: {  	s23 =	simm.s32 $0x1BFF;
	s22 =	sshll.u32 s6, $0x1;
	s3 =	sadd.s32 s4, s20  }
0x14: {  	s7 =	simm.s32 $0x0;
	s21 =	sshll.u32 s5, $0x1;
	s5 =	sadd.s32 s22, s3  }
0x15: {  	[timem:s7], [sflag:s23] =	dma.local [hbm:s5], s21  }
0x16: {  	_ =	swait.ge [sflag:s23], s21  }
0x17: {  	s4 =	ssub.s32 $0x0, s21;
	[sflag:s23] =	ssyncset.done $0x0  }
0x18: {  	[sflag:s23] =	ssyncadd.s32 s4;
	_ =	sdelay $0x1  }
0x19: {  	s24 =	simm.s32 $0x1B8B  }
0x1a: {  	_ =	swait.ge [sflag:s24], $0x1  }
0x1b: {  	[sflag:s24] =	ssyncset.done $0x0  }
0x1c: {  	s26 =	simm.s32 $0x1B8E;
	s25 =	sld [smem:$0x3FFE];
	[sflag:s24] =	ssyncadd.s32 $0xFFFFFFFF  }
0x1d: {  	s27 =	simm.s32 $execute0_lowered;
	[smem:$0x3FD2] =	sst s26  }
0x1e: {  	s5 =	sshll.u32 s27, $0x1;
	_ =	strace $0x80000049;
	[dreg:$0x1] =	wrdreg $0xFFFFFFFF  }
0x1f: {  	s28 =	simm.s32 $_size_execute0_lowered;
	s3 =	sadd.s32 s3, s5;
	[dreg:$0x0] =	wrdreg $0x0  }
0x20: {  	s5 =	sshll.u32 s28, $0x1;
	[dreg:$0x2] =	wrdreg s3  }
0x21: {  	[dreg:$0x3] =	wrdreg s5  }
0x22: {  	[dreg:$0x4] =	wrdreg $0xC0  }
0x23: {  	_ =	task [dreg:s7], $0x5FFFF  }
0x24: {  	[dreg:$0x1] =	wrdreg $0xFFFFFFFF  }
0x25: {  	[dreg:$0x0] =	wrdreg $0x60  }
0x26: {  	[dreg:$0x2] =	wrdreg s25  }
0x27: {  	[dreg:$0x3] =	wrdreg s2  }
0x28: {  	[dreg:$0x4] =	wrdreg $0x9  }
0x29: {  	_ =	task.clear_ibuf [dreg:s7], $0x5FFFF;
	_ =	strace $0x90000049  }
0x2a: {  	s29 =	simm.s32 $0x9;
	_ =	strace $0x8000004B  }
0x2b: {  	_ =	swait.ge [sflag:s29], $0x1  }
0x2c: {  	[sflag:s29] =	ssyncadd.s32 $0xFFFFFFFF  }
0x2d: {  	_ =	strace $0x9000004B  }
0x2e: {  	_ =	sfence  }
0x2f: {  	s30 =	sld [smem:$0x0];
	_ =	sdelay $0x2  }
0x30: {  	s31 =	sshll.u32 s1, $0xD;
	s1 =	sshrl.u32 s1, $0x2  }
0x31: {  	s3 =	sand.u32 $0x4000, s31;
	s1 =	sadd.s32 s1, s30  }
0x32: {  	s0 =	sor.u32 s3, s0;
	s1 =	sshll.u32 s1, $0x11  }
0x33: {  	s0 =	sor.u32 s1, s0  }
0x34: {  	s0 =	sadd.s32 $0x8F2B, s0  }
0x35: {  	[sflag:s0] =	ssyncadd.remote.s32 $0x1  }
0x36: {  	_ =	sfence.sel $0xFFFF  }
0x37: {  	[dreg:$0x0] =	wrdreg $0xFFFFFFFF;
	(pc) =	sbr.abs _section_cstart, $3  }
0x38: {  	[dreg:$0x1] =	wrdreg $0xFFFFFFFF  }
0x39: {  	_ =	task.clear_ibuf [dreg:s7], $0x2FFFF;
	_ =	strace $0x9FFFFFFF  }
0x3a: {  	(tm) =	ssettm $0x7FFFFFFF  }
0x3b: {  	_ =	shalt  }
tec
execute0_lowered:
.L_overlay_start_1:
0x0: {  	(tag) =	ssettag $0x1  }
0x1: {  	s0 =	srdreg.scid  }
0x2: {  	s1 =	sshll.u32 s0, $0x4  }
0x3: {  	s0 =	stileid.u32;
	s1 =	sand.u32 $0x10, s1  }
0x4: {  	s1 =	sor.u32 s0, s1  }
0x5: {  	s6 =	rddreg [dreg:$0x0];
	s4 =	simm.s32 $0x1;
	s2 =	sshll.u32 s1, $0x7  }
0x6: {  	s7 =	simm.s32 $0x2;
	s12 =	simm.s32 $0x0;
	s1 =	ssub.s32 $0x1000, s2  }
0x7: {  	s8 =	simm.s32 $0x8000;
	s13 =	simm.s32 $0x0;
	s3 =	sand.u32 $0xF80, s1  }
0x8: {  	s9 =	simm.s32 $0x0;
	s5 =	sshrl.u32 s1, $0xC;
	p0 =	sne.s32 s3, $0x0  }
.Ltmp0:
0x9: {  	s1 =	rddreg [dreg:$0x2];
	s4 =	simm.s32 @!p0 $0x0;
	(pc) =	sbr.rel .LBB1_1-.Ltmp0, $4  }
0xa: {  	s11 =	simm.s32 $0x0;
	s3 =	rddreg [dreg:$0x1];
	s5 =	sadd.s32 s4, s5  }
0xb: {  	_ =	strace $0x8000004A;
	s4 =	simm.s32 $0x1;
	s5 =	smul.u32 $0xC8, s5  }
0xc: {  	s6 =	sadd.s32 $0x800, s6;
	s10 =	smov.u32 s2;
	[sflag:s4] =	ssyncpa.u1 $0x0  }
0xd: {  	p0 =	por $0x0, $0x0;
	[sflag:s7] =	ssyncpa.u1 $0x0;
	s7 =	sor.u32 $0x1, s5  }
.LBB1_4:
0xe: {  	s16 =	sshll.u32 s13, $0x3;
	s17 =	sand.u32 $0x78, s13  }
0xf: {  	s30 =	sand.u32 $0x7E00, s13;
	s12 =	sshll.u32 s12, $0xF;
	s16 =	sand.u32 $0xC00, s16  }
0x10: {  	[tilespmem:s15+$0x810 ss:$0x81] =	vst.msk $0xffff, v2;
	s31 =	sand.u32 $0x7, s13;
	s16 =	sor.u32 s17, s16;
	s17 =	sadd.s32 s3, s30  }
0x11: {  	[tilespmem:s15+$0x1020 ss:$0x81] =	vst.msk $0xffff, v0;
	s13 =	sshll.u32 s31, $0x12;
	s12 =	sadd.s32 s12, s17;
	s16 =	sshrl.u32 s16, $0x3  }
0x12: {  	[tilespmem:s15+$0x0 ss:$0x81] =	vst.msk $0xffff, v1;
	s13 =	sor.u32 $0x400, s13;
	s12 =	sadd.s32 s16, s12  }
0x13: {  	[hbm4b:s12+s13] =	stream.strided.scatter [tilespmem:s14], [sflag:$0x2], $0x2000, s8, s13, $0x20;
	[tilespmem:$0x8080] =	vst v63  }
.LBB1_5:
0x14: {  	s14 =	sadd.s32 $0x1, s9  }
0x15: {  	s12 =	sadd.s32 $0x1000, s10;
	s16 =	smov.u32 s10;
	p2 =	sgt.s32 s14, $0xC7  }
0x16: {  	s16 =	smov.u32 @p2 s12  }
0x17: {  	s14 =	simm.s32 @p2 $0x0;
	p2 =	sgt.s32 s16, $0xFFF  }
0x18: {  	s16 =	smov.u32 @p2 s2;
	p2 =	sne.s32 s11, s7  }
.Ltmp1:
0x19: {  	p1 =	slt.u32 s11, $0x2;
	(pc) =	sbr.rel @!p2 .LBB1_6-.Ltmp1, $4  }
0x1a: {  	s15 =	simm.s32 @!p1 $0x2  }
0x1b: {  	s13 =	smov.u32 s10;
	p0 =	por !p0, !p0;
	_ =	swait.ge @!p1 [sflag:s15], $0x2000  }
0x1c: {  	s12 =	smov.u32 s9;
	[sflag:s15] =	ssyncset.done @!p1 $0x0;
	s9 =	smov.u32 s14  }
0x1d: {  	s11 =	sadd.s32 $0x1, s11;
	[sflag:s15] =	ssyncadd.s32 @!p1 $0xFFFFE000;
	s10 =	smov.u32 s16  }
.LBB1_1:
0x1e: {  	p1 =	sge.u32 s11, s5  }
0x1f: {  	s14 =	sand.u32 @!p1 $0x1FFFFFF, s9  }
0x20: {  	s15 =	smulhi.u32 @!p1 $0x147AE15, s14;
	_ =	sdelay $0x1  }
0x21: {  	s15 =	smul.u32 @!p1 $0xC8, s15  }
0x22: {  	s16 =	sxor.u32 @!p1 $0xFFFFFFFF, s11;
	s17 =	smul.u32 @!p1 $0xC80, s10  }
0x23: {  	s31 =	sadd.s32 $0xFFFFFFFF, s11;
	s16 =	sshll.u32 @!p1 s16, $0xD;
	s14 =	ssub.s32 @!p1 s14, s15  }
0x24: {  	s15 =	sand.u32 @!p1 $0x2000, s16;
	s16 =	sadd.s32 @!p1 s6, s17;
	s14 =	sshll.u32 @!p1 s14, $0x4  }
0x25: {  	s17 =	simm.s32 @!p1 $0x6400;
	s14 =	sadd.s32 @!p1 s14, s16;
	s16 =	simm.s32 @!p1 $0x40  }
0x26: {  	[tilespmem:s15], [sflag:$0x1] =	stream.strided.gather @!p1 [hbm4b:s14+s16], $0x2000, s17, s16, $0x38;
	[tilespmem:$0x8080] =	vst v63  }
0x27: {  	p1 =	sge.u32 s31, s5  }
.Ltmp2:
0x28: {  	_ = 	snop;
	(pc) =	sbr.rel @p1 .LBB1_5-.Ltmp2, $1  }
0x29: {  	_ =	sdelay $0x3  }
0x2a: {  	s14 =	simm.s32 $0x1  }
0x2b: {  	_ =	swait.ge [sflag:s4], $0x2000;
	s14 =	simm.s32 @!p0 $0x0  }
0x2c: {  	[sflag:s4] =	ssyncset.done $0x0;
	s15 =	sshll.u32 s14, $0xD  }
0x2d: {  	[sflag:s4] =	ssyncadd.s32 $0xFFFFE000;
	s18 =	sor.u32 $0x20, s15  }
0x2e: {  	s14 =	smul.u32 $0x8100, s14;
	v3 =	vld [tilespmem:s18+$0x10]  }
0x2f: {  	s30 =	sand.u32 $0x1, s11;
	v2 =	vld [tilespmem:s18+$0xFFFFFFF0]  }
0x30: {  	s15 =	smul.u32 $0x8100, s30;
	s14 =	sshrl.u32 s14, $0x2;
	v0 =	vld [tilespmem:s18+$0x0]  }
0x31: {  	v1 =	vld [tilespmem:s18+$0xFFFFFFE0];
	s16 =	sor.u32 $0x4000, s14  }
0x32: {  	s31 =	sshrl.u32 s15, $0x2;
	s15 =	sadd.s32 $0x0, s16  }
0x33: {  	s17 =	simm.s32 $0x4;
	s18 =	sadd.s32 $0x40, s18;
	s14 =	sor.u32 $0x4000, s31;
	[tilespmem:s15+$0x1830 ss:$0x81] =	vst.msk $0xffff, v3  }
.LBB1_3:
0x34: {  	v3 =	vld [tilespmem:s18+$0x10];
	p1 =	sne.s32 s17, $0x1FC;
	[tilespmem:s15+$0x810 ss:$0x81] =	vst.msk $0xffff, v2;
	s19 =	smov.u32 s17;
	s17 =	sadd.s32 $0x4, s17  }
.Ltmp3:
0x35: {  	v2 =	vld [tilespmem:s18+$0xFFFFFFF0];
	[tilespmem:s15+$0x1020 ss:$0x81] =	vst.msk $0xffff, v0;
	(pc) =	sbr.rel @p1 .LBB1_3-.Ltmp3, $4  }
0x36: {  	v0 =	vld [tilespmem:s18+$0x0];
	[tilespmem:s15+$0x0 ss:$0x81] =	vst.msk $0xffff, v1  }
0x37: {  	s15 =	sshra.s32 s19, $0x2;
	v1 =	vld [tilespmem:s18+$0xFFFFFFE0]  }
0x38: {  	s15 =	sadd.s32 s15, s16  }
0x39: {  	s18 =	sadd.s32 $0x40, s18;
	[tilespmem:s15+$0x1830 ss:$0x81] =	vst.msk $0xffff, v3  }
.Ltmp4:
0x3a: {  	_ = 	snop;
	(pc) =	sbr.rel .LBB1_4-.Ltmp4, $1  }
0x3b: {  	_ =	sdelay $0x3  }
.LBB1_6:
0x3c: {  	_ =	sfence.sel $0x180000  }
0x3d: {  	s2 =	simm.s32 $0x1;
	[bflag:$0x0] =	sbarrier.arrive $0xFFFF  }
0x3e: {  	s31 =	simm.s32 $0x2;
	[sflag:s2] =	ssyncpa.u1 $0x1  }
0x3f: {  	[sflag:s31] =	ssyncpa.u1 $0x1  }
0x40: {  	p0 =	sne.s32 s0, $0x0;
	_ =	strace $0x9000004A  }
0x41: {  	s0 =	sadd.s32 @!p0 $0x100000, s1;
	[bflag:$0x2] =	sbarrier.arrive $0xFFFF  }
0x42: {  	[sflag:s0] =	ssyncadd.tile.s32 @!p0 $0x1;
	_ =	shalt  }
.Lfunc_end1:
_tile_overlayer_lowered:
.L_overlay_start_2:
0x43: {  	(tag) =	ssettag $0x2  }
0x44: {  	s0 =	rddreg [dreg:$0x0];
	s2 =	stileid.u32  }
0x45: {  	s1 =	rddreg [dreg:$0x1];
	p0 =	sne.s32 s2, $0x0  }
0x46: {  	s3 =	rddreg [dreg:$0x2];
	[bflag:$0x3] =	sbarrier.arrive $0xFFFF;
	s2 =	simm.s32 @!p0 $0x1C01  }
0x47: {  	[timem:s3], [sflag:s2] =	dma.local @!p0 [hbm:s0], s1  }
0x48: {  	s0 =	simm.s32 @!p0 $0x1  }
0x49: {  	_ =	swait.ge @!p0 [sflag:s0], s1  }
0x4a: {  	s1 =	ssub.s32 @!p0 $0x0, s1;
	[sflag:s0] =	ssyncset.done @!p0 $0x0  }
0x4b: {  	[sflag:s0] =	ssyncadd.s32 @!p0 s1  }
0x4c: {  	[bflag:$0x3] =	sbarrier.arrive $0xFFFF  }
0x4d: {  	_ =	shalt  }

</sc_bundles>
